<compile_context>
chip_gen: v7x
topology: tpu7x:2x2x1
jax: 0.10.2.dev20260603
libtpu: 0.0.44.dev20260713+nightly
codegen_flags: <defaults>
</compile_context>

<pallas_src>
import functools

import jax
import jax.numpy as jnp
from jax import lax
from jax.experimental import pallas as pl
from jax.experimental.pallas import tpu as pltpu
from jax.experimental.pallas import tpu_sc as plsc

_N = 10000
_E = 320000
_D = 128
_NCLS = 40

_NPAD = 10240
_NC = 2
_NS = 16
_NW = _NC * _NS
_B = 128
_K = 79
_EPAD = _NW * _K * _B
_PAD_ROW = _N + 1
_RPT = _NPAD // _NS
_DEGW = 16
_Q = 2
_QW = _D // _Q


_MESH = plsc.VectorSubcoreMesh(core_axis_name="c", subcore_axis_name="s")


@functools.cache
def _make_agg_pass(with_deg: bool):

  def body(src_hbm, dst_hbm, t0, t1, zeros_hbm, deg_init_hbm, ones_hbm,
           *rest):
    if with_deg:
      (out_hbm, deg_out_hbm,
       sidx, didx, rows, acc, gsem, ones_v, deg_acc) = rest
    else:
      out_hbm, sidx, didx, rows, acc, gsem = rest
    cid = lax.axis_index("c")
    sid = lax.axis_index("s")
    wid = cid * _NS + sid
    r0 = sid * _RPT

    pltpu.sync_copy(src_hbm.at[wid], sidx)
    pltpu.sync_copy(dst_hbm.at[wid], didx)

    for q, tbl in enumerate((t0, t1)):
      @pl.when(cid == 0)
      def _():
        pltpu.sync_copy(tbl.at[pl.ds(r0, _RPT)], acc.at[pl.ds(r0, _RPT)])

      @pl.when(cid != 0)
      def _():
        pltpu.sync_copy(zeros_hbm.at[pl.ds(r0, _RPT)],
                        acc.at[pl.ds(r0, _RPT)])

      plsc.subcore_barrier()

      pltpu.async_copy(tbl.at[sidx.at[0]], rows.at[0], gsem)

      @pl.loop(0, _K)
      def _(j):
        buf = lax.rem(j, 2)
        pltpu.make_async_copy(tbl.at[sidx.at[j]], rows.at[buf], gsem).wait()

        @pl.when(j + 1 < _K)
        def _():
          pltpu.async_copy(tbl.at[sidx.at[j + 1]], rows.at[1 - buf], gsem)

        pltpu.sync_copy(rows.at[buf], acc.at[didx.at[j]], add=True)

      plsc.subcore_barrier()

      pltpu.sync_copy(acc.at[pl.ds(r0, _RPT)],
                      out_hbm.at[q].at[cid].at[pl.ds(r0, _RPT)])

    if with_deg:
      pltpu.sync_copy(deg_init_hbm.at[cid].at[pl.ds(r0, _RPT)],
                      deg_acc.at[pl.ds(r0, _RPT)])
      pltpu.sync_copy(ones_hbm, ones_v)

      plsc.subcore_barrier()

      @pl.loop(0, _K)
      def _(j):
        pltpu.sync_copy(ones_v, deg_acc.at[didx.at[j]], add=True)

      plsc.subcore_barrier()

      pltpu.sync_copy(deg_acc.at[pl.ds(r0, _RPT)],
                      deg_out_hbm.at[cid].at[pl.ds(r0, _RPT)])

  out_type = [jax.ShapeDtypeStruct((_Q, _NC, _NPAD, _QW), jnp.float32)]
  scratch_types = [
      pltpu.VMEM((_K, _B), jnp.int32),
      pltpu.VMEM((_K, _B), jnp.int32),
      pltpu.VMEM((2, _B, _QW), jnp.float32),
      pltpu.VMEM_SHARED((_NPAD, _QW), jnp.float32),
      pltpu.SemaphoreType.DMA,
  ]
  if with_deg:
    out_type.append(jax.ShapeDtypeStruct((_NC, _NPAD, _DEGW), jnp.float32))
    scratch_types += [
        pltpu.VMEM((_B, _DEGW), jnp.float32),
        pltpu.VMEM_SHARED((_NPAD, _DEGW), jnp.float32),
    ]

  return pl.kernel(
      body,
      out_type=out_type,
      mesh=_MESH,
      compiler_params=pltpu.CompilerParams(use_tc_tiling_on_sc=False),
      scratch_types=scratch_types)


_TC_R = 1024


def _quarter_out_specs():
  return [pl.BlockSpec((_TC_R, _QW), lambda i: (i, 0)) for _ in range(_Q)]


def _quarter_out_shapes(n):
  return [jax.ShapeDtypeStruct((n, _QW), jnp.float32) for _ in range(_Q)]


def _store_quarters(r, orefs):
  for q, oref in enumerate(orefs):
    oref[...] = r[:, q * _QW:(q + 1) * _QW]


def _mm_body(x_ref, w_ref, *orefs):
  r = jnp.dot(x_ref[...], w_ref[...], preferred_element_type=jnp.float32)
  _store_quarters(r, orefs)


def _mm(x, w):
  n, d = x.shape
  return pl.pallas_call(
      _mm_body,
      grid=(n // _TC_R,),
      in_specs=[
          pl.BlockSpec((_TC_R, d), lambda i: (i, 0)),
          pl.BlockSpec((d, _D), lambda i: (0, 0)),
      ],
      out_specs=_quarter_out_specs(),
      out_shape=_quarter_out_shapes(n),
  )(x, w)


def _combine_h(prefs, d0_ref, d1_ref, b_ref):
  deg = d0_ref[...][:, :1] + d1_ref[...][:, :1]
  agg = jnp.concatenate(
      [prefs[2 * q][...] + prefs[2 * q + 1][...] for q in range(_Q)], axis=1)
  return agg / deg + b_ref[...]


def _comb_mm_body(*refs):
  np_ = 2 * _Q
  prefs, (d0, d1, b_ref, w_ref), orefs = refs[:np_], refs[np_:np_ + 4], refs[np_ + 4:]
  h = jnp.maximum(_combine_h(prefs, d0, d1, b_ref), 0.0)
  r = jnp.dot(h, w_ref[...], preferred_element_type=jnp.float32)
  _store_quarters(r, orefs)


def _partial_in_specs():
  return [pl.BlockSpec((_TC_R, _QW), lambda i: (i, 0)) for _ in range(2 * _Q)]


def _comb_mm(parts, d0, d1, b, w):
  n = d0.shape[0]
  return pl.pallas_call(
      _comb_mm_body,
      grid=(n // _TC_R,),
      in_specs=_partial_in_specs() + [
          pl.BlockSpec((_TC_R, _DEGW), lambda i: (i, 0)),
          pl.BlockSpec((_TC_R, _DEGW), lambda i: (i, 0)),
          pl.BlockSpec((1, _D), lambda i: (0, 0)),
          pl.BlockSpec((_D, _D), lambda i: (0, 0)),
      ],
      out_specs=_quarter_out_specs(),
      out_shape=_quarter_out_shapes(n),
  )(*parts, d0, d1, b, w)


def _final_body(*refs):
  np_ = 2 * _Q
  prefs, (d0, d1, b_ref, o_ref) = refs[:np_], refs[np_:]
  o_ref[...] = _combine_h(prefs, d0, d1, b_ref)


def _final(parts, d0, d1, b):
  n = d0.shape[0]
  return pl.pallas_call(
      _final_body,
      grid=(n // _TC_R,),
      in_specs=_partial_in_specs() + [
          pl.BlockSpec((_TC_R, _DEGW), lambda i: (i, 0)),
          pl.BlockSpec((_TC_R, _DEGW), lambda i: (i, 0)),
          pl.BlockSpec((1, _D), lambda i: (0, 0)),
      ],
      out_specs=pl.BlockSpec((_TC_R, _D), lambda i: (i, 0)),
      out_shape=jax.ShapeDtypeStruct((n, _D), jnp.float32),
  )(*parts, d0, d1, b)


def _split_parts(p):
  return [p[q, c] for q in range(_Q) for c in range(_NC)]


def kernel(x, edge_index, W1, b1, W2, b2, W3, b3):
  src = edge_index[0].astype(jnp.int32)
  dst = edge_index[1].astype(jnp.int32)
  pad = jnp.full((_EPAD - _E,), _PAD_ROW, jnp.int32)
  srcp = jnp.concatenate([src, pad]).reshape(_NW, _K, _B)
  dstp = jnp.concatenate([dst, pad]).reshape(_NW, _K, _B)

  xp = jnp.pad(x, ((0, _NPAD - _N), (0, 0)))
  zeros32 = jnp.zeros((_NPAD, _QW), jnp.float32)
  deg_init = jnp.concatenate(
      [jnp.ones((1, _NPAD, _DEGW), jnp.float32),
       jnp.zeros((1, _NPAD, _DEGW), jnp.float32)])
  ones_b = jnp.ones((_B, _DEGW), jnp.float32)

  agg_deg = _make_agg_pass(True)
  agg = _make_agg_pass(False)

  hw1 = _mm(xp, W1)
  p1, degp = agg_deg(srcp, dstp, *hw1, zeros32, deg_init, ones_b)
  d0, d1 = degp[0], degp[1]
  hw2 = _comb_mm(_split_parts(p1), d0, d1, b1.reshape(1, -1), W2)
  p2 = agg(srcp, dstp, *hw2, zeros32, deg_init, ones_b)[0]
  w3p = jnp.pad(W3, ((0, 0), (0, _D - _NCLS)))
  hw3 = _comb_mm(_split_parts(p2), d0, d1, b2.reshape(1, -1), w3p)
  p3 = agg(srcp, dstp, *hw3, zeros32, deg_init, ones_b)[0]
  b3p = jnp.pad(b3, (0, _D - _NCLS)).reshape(1, -1)
  outp = _final(_split_parts(p3), d0, d1, b3p)
  return outp[:_N, :_NCLS]

# --- scband reference (transcript-rebuilt; emitter-appended) ---
"""Pipeline reference for scband-sage-71365176590743 (READ-ONLY COPY).

The authoritative reference and input builder live on the scoring server;
editing this copy changes nothing except your own understanding.
"""

import jax, jax.numpy as jnp
import numpy as np

N = 10000
E = 320000
D_IN = 128
D_H = 128
N_CLS = 40


def _glorot(key, shape):
    fan_in, fan_out = shape[0], shape[1]
    scale = jnp.sqrt(2.0 / (fan_in + fan_out))
    return jax.random.normal(key, shape, dtype=jnp.float32) * scale


def setup_inputs(seed: int = 0) -> dict:
    key = jax.random.key(seed)
    ks = jax.random.split(key, 8)
    x = jax.random.normal(ks[0], (N, D_IN), dtype=jnp.float32)
    edge_index = jax.random.randint(ks[1], (2, E), 0, N, dtype=jnp.int32)
    W1 = _glorot(ks[2], (D_IN, D_H))
    b1 = jnp.zeros((D_H,), dtype=jnp.float32)
    W2 = _glorot(ks[3], (D_H, D_H))
    b2 = jnp.zeros((D_H,), dtype=jnp.float32)
    W3 = _glorot(ks[4], (D_H, N_CLS))
    b3 = jnp.zeros((N_CLS,), dtype=jnp.float32)
    return {"x": x, "edge_index": edge_index, "W1": W1, "b1": b1, "W2": W2, "b2": b2, "W3": W3, "b3": b3}


def _sage_gcn_conv(h, edge_index, W, b):
    # DGL SAGEConv with aggregator_type='gcn':
    #   h_i = ( sum_{j in N(i)} h_j + h_i ) / (deg_i + 1)
    #   out = fc_neigh(h_i)  (no fc_self for 'gcn')
    src = edge_index[0]
    dst = edge_index[1]
    deg = jnp.bincount(dst, length=N).astype(h.dtype)
    agg = jnp.zeros((N, h.shape[1]), dtype=h.dtype).at[dst].add(h[src])
    h_gcn = (agg + h) / (deg + 1.0)[:, None]
    return h_gcn @ W + b


def reference(x, edge_index, W1, b1, W2, b2, W3, b3):
    # mfgs collapsed to a single full graph reused per layer;
    # number_of_dst_nodes == N so h_dst = res[:N] = res
    h = jax.nn.relu(_sage_gcn_conv(x, edge_index, W1, b1))
    h = jax.nn.relu(_sage_gcn_conv(h, edge_index, W2, b2))
    out = _sage_gcn_conv(h, edge_index, W3, b3)
    return out

if __name__ == "__main__":
    import jax
    _d = setup_inputs()
    print(jax.jit(kernel)(*tuple(_d.values())))

</pallas_src>

<mosaic_0001>
#map = affine_map<(d0, d1) -> (0, 0, 0)>
#map1 = affine_map<(d0, d1) -> (0, 0)>
#map2 = affine_map<(d0, d1) -> (0, 0, 0, 0)>
module attributes {stable_mosaic.version = 14 : i64} {
  func.func @body(%arg0: i32, %arg1: i32, %arg2: memref<32x79x128xi32, #tpu.memory_space<hbm>>, %arg3: memref<32x79x128xi32, #tpu.memory_space<hbm>>, %arg4: memref<10240x64xf32, #tpu.memory_space<hbm>>, %arg5: memref<10240x64xf32, #tpu.memory_space<hbm>>, %arg6: memref<10240x64xf32, #tpu.memory_space<hbm>>, %arg7: memref<2x10240x16xf32, #tpu.memory_space<hbm>>, %arg8: memref<128x16xf32, #tpu.memory_space<hbm>>, %arg9: memref<2x2x10240x64xf32, #tpu.memory_space<hbm>>, %arg10: memref<79x128xi32, #tpu.memory_space<vmem>>, %arg11: memref<79x128xi32, #tpu.memory_space<vmem>>, %arg12: memref<2x128x64xf32, #tpu.memory_space<vmem>>, %arg13: memref<10240x64xf32, #tpu.memory_space<vmem_shared>>, %arg14: memref<!tpu.dma_semaphore, #tpu.memory_space<semaphore_mem>>) attributes {dimension_semantics = [#tpu.dimension_semantics<core_parallel>, #tpu.dimension_semantics<subcore_parallel>], iteration_bounds = array<i64: 2, 16>, scalar_prefetch = 0 : i64, scratch_operands = 5 : i64, tpu.core_type = #tpu.core_type<sc_vector_subcore>, window_params = [{transform_indices = #map}, {transform_indices = #map}, {transform_indices = #map1}, {transform_indices = #map1}, {transform_indices = #map1}, {transform_indices = #map}, {transform_indices = #map1}, {transform_indices = #map2}]} {
    %mul3A = arith.constant 16 : i32
    %mul3A_0 = arith.muli %arg0, %mul3A : i32
    %add3A = arith.addi %mul3A_0, %arg1 : i32
    %mul3A_1 = arith.constant 640 : i32
    %mul3A_2 = arith.muli %arg1, %mul3A_1 : i32
    "tpu.region"() ({
      %run_scoped3A_55 = tpu.sem_alloc : memref<!tpu.dma_semaphore, #tpu.memory_space<semaphore_mem>>
      %dma_start3A_56 = arith.constant 0 : i32
      %dma_start3A_57 = arith.constant 0 : i32
      %dma_start3A_58 = tpu.memref_slice %arg2[%add3A, %dma_start3A_56, %dma_start3A_57] : memref<32x79x128xi32, #tpu.memory_space<hbm>> -> memref<1x79x128xi32, #tpu.memory_space<hbm>>
      %dma_start3A_59 = tpu.memref_squeeze %dma_start3A_58 : memref<1x79x128xi32, #tpu.memory_space<hbm>> -> memref<79x128xi32, #tpu.memory_space<hbm>>
      %dma_start3A_60 = arith.constant 0 : i32
      %dma_start3A_61 = arith.constant 0 : i32
      %dma_start3A_62 = tpu.memref_slice %arg2[%add3A, %dma_start3A_60, %dma_start3A_61] : memref<32x79x128xi32, #tpu.memory_space<hbm>> -> memref<1x79x128xi32, #tpu.memory_space<hbm>>
      %dma_start3A_63 = tpu.memref_squeeze %dma_start3A_62 : memref<1x79x128xi32, #tpu.memory_space<hbm>> -> memref<79x128xi32, #tpu.memory_space<hbm>>
      tpu.enqueue_dma source(%dma_start3A_63 : memref<79x128xi32, #tpu.memory_space<hbm>>) target(%arg10 : memref<79x128xi32, #tpu.memory_space<vmem>>) target_semaphore(%run_scoped3A_55 : memref<!tpu.dma_semaphore, #tpu.memory_space<semaphore_mem>>)
      %dma_wait3A = arith.constant 0 : i32
      %dma_wait3A_64 = arith.constant 0 : i32
      %dma_wait3A_65 = tpu.memref_slice %arg2[%add3A, %dma_wait3A, %dma_wait3A_64] : memref<32x79x128xi32, #tpu.memory_space<hbm>> -> memref<1x79x128xi32, #tpu.memory_space<hbm>>
      %dma_wait3A_66 = tpu.memref_squeeze %dma_wait3A_65 : memref<1x79x128xi32, #tpu.memory_space<hbm>> -> memref<79x128xi32, #tpu.memory_space<hbm>>
      %dma_wait3A_67 = arith.constant 0 : i32
      %dma_wait3A_68 = arith.constant 0 : i32
      %dma_wait3A_69 = tpu.memref_slice %arg2[%add3A, %dma_wait3A_67, %dma_wait3A_68] : memref<32x79x128xi32, #tpu.memory_space<hbm>> -> memref<1x79x128xi32, #tpu.memory_space<hbm>>
      %dma_wait3A_70 = tpu.memref_squeeze %dma_wait3A_69 : memref<1x79x128xi32, #tpu.memory_space<hbm>> -> memref<79x128xi32, #tpu.memory_space<hbm>>
      tpu.wait_dma2 semaphore(%run_scoped3A_55 : memref<!tpu.dma_semaphore, #tpu.memory_space<semaphore_mem>>) src(%dma_wait3A_70 : memref<79x128xi32, #tpu.memory_space<hbm>>) dst(%arg10 : memref<79x128xi32, #tpu.memory_space<vmem>>)
      tpu.yield
    }) : () -> ()
    "tpu.region"() ({
      %run_scoped3A_55 = tpu.sem_alloc : memref<!tpu.dma_semaphore, #tpu.memory_space<semaphore_mem>>
      %dma_start3A_56 = arith.constant 0 : i32
      %dma_start3A_57 = arith.constant 0 : i32
      %dma_start3A_58 = tpu.memref_slice %arg3[%add3A, %dma_start3A_56, %dma_start3A_57] : memref<32x79x128xi32, #tpu.memory_space<hbm>> -> memref<1x79x128xi32, #tpu.memory_space<hbm>>
      %dma_start3A_59 = tpu.memref_squeeze %dma_start3A_58 : memref<1x79x128xi32, #tpu.memory_space<hbm>> -> memref<79x128xi32, #tpu.memory_space<hbm>>
      %dma_start3A_60 = arith.constant 0 : i32
      %dma_start3A_61 = arith.constant 0 : i32
      %dma_start3A_62 = tpu.memref_slice %arg3[%add3A, %dma_start3A_60, %dma_start3A_61] : memref<32x79x128xi32, #tpu.memory_space<hbm>> -> memref<1x79x128xi32, #tpu.memory_space<hbm>>
      %dma_start3A_63 = tpu.memref_squeeze %dma_start3A_62 : memref<1x79x128xi32, #tpu.memory_space<hbm>> -> memref<79x128xi32, #tpu.memory_space<hbm>>
      tpu.enqueue_dma source(%dma_start3A_63 : memref<79x128xi32, #tpu.memory_space<hbm>>) target(%arg11 : memref<79x128xi32, #tpu.memory_space<vmem>>) target_semaphore(%run_scoped3A_55 : memref<!tpu.dma_semaphore, #tpu.memory_space<semaphore_mem>>)
      %dma_wait3A = arith.constant 0 : i32
      %dma_wait3A_64 = arith.constant 0 : i32
      %dma_wait3A_65 = tpu.memref_slice %arg3[%add3A, %dma_wait3A, %dma_wait3A_64] : memref<32x79x128xi32, #tpu.memory_space<hbm>> -> memref<1x79x128xi32, #tpu.memory_space<hbm>>
      %dma_wait3A_66 = tpu.memref_squeeze %dma_wait3A_65 : memref<1x79x128xi32, #tpu.memory_space<hbm>> -> memref<79x128xi32, #tpu.memory_space<hbm>>
      %dma_wait3A_67 = arith.constant 0 : i32
      %dma_wait3A_68 = arith.constant 0 : i32
      %dma_wait3A_69 = tpu.memref_slice %arg3[%add3A, %dma_wait3A_67, %dma_wait3A_68] : memref<32x79x128xi32, #tpu.memory_space<hbm>> -> memref<1x79x128xi32, #tpu.memory_space<hbm>>
      %dma_wait3A_70 = tpu.memref_squeeze %dma_wait3A_69 : memref<1x79x128xi32, #tpu.memory_space<hbm>> -> memref<79x128xi32, #tpu.memory_space<hbm>>
      tpu.wait_dma2 semaphore(%run_scoped3A_55 : memref<!tpu.dma_semaphore, #tpu.memory_space<semaphore_mem>>) src(%dma_wait3A_70 : memref<79x128xi32, #tpu.memory_space<hbm>>) dst(%arg11 : memref<79x128xi32, #tpu.memory_space<vmem>>)
      tpu.yield
    }) : () -> ()
    %eq3A = arith.constant 0 : i32
    %eq3A_3 = arith.cmpi eq, %arg0, %eq3A : i32
    %convert_element_type3A = arith.extui %eq3A_3 : i1 to i32
    %cond3A = arith.constant 0 : i32
    %cond3A_4 = arith.cmpi ne, %convert_element_type3A, %cond3A : i32
    scf.if %cond3A_4 {
      "tpu.region"() ({
        %run_scoped3A_55 = tpu.sem_alloc : memref<!tpu.dma_semaphore, #tpu.memory_space<semaphore_mem>>
        %dma_start3A_56 = arith.constant 0 : i32
        %dma_start3A_57 = tpu.memref_slice %arg13[%mul3A_2, %dma_start3A_56] : memref<10240x64xf32, #tpu.memory_space<vmem_shared>> -> memref<640x64xf32, #tpu.memory_space<vmem_shared>>
        %dma_start3A_58 = arith.constant 0 : i32
        %dma_start3A_59 = tpu.memref_slice %arg4[%mul3A_2, %dma_start3A_58] : memref<10240x64xf32, #tpu.memory_space<hbm>> -> memref<640x64xf32, #tpu.memory_space<hbm>>
        tpu.enqueue_dma source(%dma_start3A_59 : memref<640x64xf32, #tpu.memory_space<hbm>>) target(%dma_start3A_57 : memref<640x64xf32, #tpu.memory_space<vmem_shared>>) target_semaphore(%run_scoped3A_55 : memref<!tpu.dma_semaphore, #tpu.memory_space<semaphore_mem>>)
        %dma_wait3A = arith.constant 0 : i32
        %dma_wait3A_60 = tpu.memref_slice %arg13[%mul3A_2, %dma_wait3A] : memref<10240x64xf32, #tpu.memory_space<vmem_shared>> -> memref<640x64xf32, #tpu.memory_space<vmem_shared>>
        %dma_wait3A_61 = arith.constant 0 : i32
        %dma_wait3A_62 = tpu.memref_slice %arg4[%mul3A_2, %dma_wait3A_61] : memref<10240x64xf32, #tpu.memory_space<hbm>> -> memref<640x64xf32, #tpu.memory_space<hbm>>
        tpu.wait_dma2 semaphore(%run_scoped3A_55 : memref<!tpu.dma_semaphore, #tpu.memory_space<semaphore_mem>>) src(%dma_wait3A_62 : memref<640x64xf32, #tpu.memory_space<hbm>>) dst(%dma_wait3A_60 : memref<640x64xf32, #tpu.memory_space<vmem_shared>>)
        tpu.yield
      }) : () -> ()
    } else {
    }
    %ne3A = arith.constant 0 : i32
    %ne3A_5 = arith.cmpi ne, %arg0, %ne3A : i32
    %convert_element_type3A_6 = arith.extui %ne3A_5 : i1 to i32
    %cond3A_7 = arith.constant 0 : i32
    %cond3A_8 = arith.cmpi ne, %convert_element_type3A_6, %cond3A_7 : i32
    scf.if %cond3A_8 {
      "tpu.region"() ({
        %run_scoped3A_55 = tpu.sem_alloc : memref<!tpu.dma_semaphore, #tpu.memory_space<semaphore_mem>>
        %dma_start3A_56 = arith.constant 0 : i32
        %dma_start3A_57 = tpu.memref_slice %arg13[%mul3A_2, %dma_start3A_56] : memref<10240x64xf32, #tpu.memory_space<vmem_shared>> -> memref<640x64xf32, #tpu.memory_space<vmem_shared>>
        %dma_start3A_58 = arith.constant 0 : i32
        %dma_start3A_59 = tpu.memref_slice %arg6[%mul3A_2, %dma_start3A_58] : memref<10240x64xf32, #tpu.memory_space<hbm>> -> memref<640x64xf32, #tpu.memory_space<hbm>>
        tpu.enqueue_dma source(%dma_start3A_59 : memref<640x64xf32, #tpu.memory_space<hbm>>) target(%dma_start3A_57 : memref<640x64xf32, #tpu.memory_space<vmem_shared>>) target_semaphore(%run_scoped3A_55 : memref<!tpu.dma_semaphore, #tpu.memory_space<semaphore_mem>>)
        %dma_wait3A = arith.constant 0 : i32
        %dma_wait3A_60 = tpu.memref_slice %arg13[%mul3A_2, %dma_wait3A] : memref<10240x64xf32, #tpu.memory_space<vmem_shared>> -> memref<640x64xf32, #tpu.memory_space<vmem_shared>>
        %dma_wait3A_61 = arith.constant 0 : i32
        %dma_wait3A_62 = tpu.memref_slice %arg6[%mul3A_2, %dma_wait3A_61] : memref<10240x64xf32, #tpu.memory_space<hbm>> -> memref<640x64xf32, #tpu.memory_space<hbm>>
        tpu.wait_dma2 semaphore(%run_scoped3A_55 : memref<!tpu.dma_semaphore, #tpu.memory_space<semaphore_mem>>) src(%dma_wait3A_62 : memref<640x64xf32, #tpu.memory_space<hbm>>) dst(%dma_wait3A_60 : memref<640x64xf32, #tpu.memory_space<vmem_shared>>)
        tpu.yield
      }) : () -> ()
    } else {
    }
    %barrier3A = arith.constant 0 : index
    tpu.barrier barrier_id(%barrier3A)
    %dma_start3A = arith.constant 0 : i32
    %dma_start3A_9 = arith.constant 0 : i32
    %dma_start3A_10 = arith.constant 0 : i32
    %dma_start3A_11 = arith.constant 0 : i32
    %dma_start3A_12 = tpu.memref_slice %arg12[%dma_start3A_9, %dma_start3A_10, %dma_start3A_11] : memref<2x128x64xf32, #tpu.memory_space<vmem>> -> memref<1x128x64xf32, #tpu.memory_space<vmem>>
    %dma_start3A_13 = tpu.memref_squeeze %dma_start3A_12 : memref<1x128x64xf32, #tpu.memory_space<vmem>> -> memref<128x64xf32, #tpu.memory_space<vmem>>
    %dma_start3A_14 = arith.constant 0 : i32
    %dma_start3A_15 = tpu.memref_slice %arg10[%dma_start3A, %dma_start3A_14] : memref<79x128xi32, #tpu.memory_space<vmem>> -> memref<1x128xi32, #tpu.memory_space<vmem>>
    %dma_start3A_16 = tpu.memref_squeeze %dma_start3A_15 : memref<1x128xi32, #tpu.memory_space<vmem>> -> memref<128xi32, #tpu.memory_space<vmem>>
    %dma_start3A_17 = arith.constant 0 : i32
    %dma_start3A_18 = arith.constant 0 : i32
    %dma_start3A_19 = tpu.memref_slice %arg4[%dma_start3A_17, %dma_start3A_18] : memref<10240x64xf32, #tpu.memory_space<hbm>> -> memref<10240x64xf32, #tpu.memory_space<hbm>>
    tpu.enqueue_indirect_dma source(%dma_start3A_19 : memref<10240x64xf32, #tpu.memory_space<hbm>>) target(%dma_start3A_13 : memref<128x64xf32, #tpu.memory_space<vmem>>) offsets(%dma_start3A_16 : memref<128xi32, #tpu.memory_space<vmem>>) semaphore(%arg14 : memref<!tpu.dma_semaphore, #tpu.memory_space<semaphore_mem>>)
    %scan3A = arith.constant 0 : i32
    %scan3A_20 = arith.constant 79 : i32
    %scan3A_21 = arith.addi %scan3A, %scan3A_20 : i32
    %scan3A_22 = arith.constant 1 : i32
    scf.for %scan3A_55 = %scan3A to %scan3A_21 step %scan3A_22  : i32 {
      %mul3A_56 = arith.constant 1 : i32
      %mul3A_57 = arith.muli %scan3A_55, %mul3A_56 : i32
      %add3A_58 = arith.constant 0 : i32
      %add3A_59 = arith.addi %add3A_58, %mul3A_57 : i32
      %rem3A = arith.constant 2 : i32
      %rem3A_60 = arith.remsi %add3A_59, %rem3A : i32
      %dma_wait3A = arith.constant 0 : i32
      %dma_wait3A_61 = arith.constant 0 : i32
      %dma_wait3A_62 = tpu.memref_slice %arg12[%rem3A_60, %dma_wait3A, %dma_wait3A_61] : memref<2x128x64xf32, #tpu.memory_space<vmem>> -> memref<1x128x64xf32, #tpu.memory_space<vmem>>
      %dma_wait3A_63 = tpu.memref_squeeze %dma_wait3A_62 : memref<1x128x64xf32, #tpu.memory_space<vmem>> -> memref<128x64xf32, #tpu.memory_space<vmem>>
      %dma_wait3A_64 = arith.constant 0 : i32
      %dma_wait3A_65 = tpu.memref_slice %arg10[%add3A_59, %dma_wait3A_64] : memref<79x128xi32, #tpu.memory_space<vmem>> -> memref<1x128xi32, #tpu.memory_space<vmem>>
      %dma_wait3A_66 = tpu.memref_squeeze %dma_wait3A_65 : memref<1x128xi32, #tpu.memory_space<vmem>> -> memref<128xi32, #tpu.memory_space<vmem>>
      %dma_wait3A_67 = arith.constant 0 : i32
      %dma_wait3A_68 = arith.constant 0 : i32
      %dma_wait3A_69 = tpu.memref_slice %arg4[%dma_wait3A_67, %dma_wait3A_68] : memref<10240x64xf32, #tpu.memory_space<hbm>> -> memref<10240x64xf32, #tpu.memory_space<hbm>>
      tpu.wait_indirect_dma semaphore(%arg14 : memref<!tpu.dma_semaphore, #tpu.memory_space<semaphore_mem>>) src(%dma_wait3A_69 : memref<10240x64xf32, #tpu.memory_space<hbm>>) dst(%dma_wait3A_63 : memref<128x64xf32, #tpu.memory_space<vmem>>)
      %add3A_70 = arith.constant 1 : i32
      %add3A_71 = arith.addi %add3A_59, %add3A_70 : i32
      %lt3A = arith.constant 79 : i32
      %lt3A_72 = arith.cmpi slt, %add3A_71, %lt3A : i32
      %convert_element_type3A_73 = arith.extui %lt3A_72 : i1 to i32
      %cond3A_74 = arith.constant 0 : i32
      %cond3A_75 = arith.cmpi ne, %convert_element_type3A_73, %cond3A_74 : i32
      scf.if %cond3A_75 {
        %add3A_76 = arith.constant 1 : i32
        %add3A_77 = arith.addi %add3A_59, %add3A_76 : i32
        %sub3A = arith.constant 1 : i32
        %sub3A_78 = arith.subi %sub3A, %rem3A_60 : i32
        %dma_start3A_79 = arith.constant 0 : i32
        %dma_start3A_80 = arith.constant 0 : i32
        %dma_start3A_81 = tpu.memref_slice %arg12[%sub3A_78, %dma_start3A_79, %dma_start3A_80] : memref<2x128x64xf32, #tpu.memory_space<vmem>> -> memref<1x128x64xf32, #tpu.memory_space<vmem>>
        %dma_start3A_82 = tpu.memref_squeeze %dma_start3A_81 : memref<1x128x64xf32, #tpu.memory_space<vmem>> -> memref<128x64xf32, #tpu.memory_space<vmem>>
        %dma_start3A_83 = arith.constant 0 : i32
        %dma_start3A_84 = tpu.memref_slice %arg10[%add3A_77, %dma_start3A_83] : memref<79x128xi32, #tpu.memory_space<vmem>> -> memref<1x128xi32, #tpu.memory_space<vmem>>
        %dma_start3A_85 = tpu.memref_squeeze %dma_start3A_84 : memref<1x128xi32, #tpu.memory_space<vmem>> -> memref<128xi32, #tpu.memory_space<vmem>>
        %dma_start3A_86 = arith.constant 0 : i32
        %dma_start3A_87 = arith.constant 0 : i32
        %dma_start3A_88 = tpu.memref_slice %arg4[%dma_start3A_86, %dma_start3A_87] : memref<10240x64xf32, #tpu.memory_space<hbm>> -> memref<10240x64xf32, #tpu.memory_space<hbm>>
        tpu.enqueue_indirect_dma source(%dma_start3A_88 : memref<10240x64xf32, #tpu.memory_space<hbm>>) target(%dma_start3A_82 : memref<128x64xf32, #tpu.memory_space<vmem>>) offsets(%dma_start3A_85 : memref<128xi32, #tpu.memory_space<vmem>>) semaphore(%arg14 : memref<!tpu.dma_semaphore, #tpu.memory_space<semaphore_mem>>)
      } else {
      }
      "tpu.region"() ({
        %run_scoped3A_76 = tpu.sem_alloc : memref<!tpu.dma_semaphore, #tpu.memory_space<semaphore_mem>>
        %dma_start3A_77 = arith.constant 0 : i32
        %dma_start3A_78 = arith.constant 0 : i32
        %dma_start3A_79 = tpu.memref_slice %arg12[%rem3A_60, %dma_start3A_77, %dma_start3A_78] : memref<2x128x64xf32, #tpu.memory_space<vmem>> -> memref<1x128x64xf32, #tpu.memory_space<vmem>>
        %dma_start3A_80 = tpu.memref_squeeze %dma_start3A_79 : memref<1x128x64xf32, #tpu.memory_space<vmem>> -> memref<128x64xf32, #tpu.memory_space<vmem>>
        %dma_start3A_81 = arith.constant 0 : i32
        %dma_start3A_82 = tpu.memref_slice %arg11[%add3A_59, %dma_start3A_81] : memref<79x128xi32, #tpu.memory_space<vmem>> -> memref<1x128xi32, #tpu.memory_space<vmem>>
        %dma_start3A_83 = tpu.memref_squeeze %dma_start3A_82 : memref<1x128xi32, #tpu.memory_space<vmem>> -> memref<128xi32, #tpu.memory_space<vmem>>
        %dma_start3A_84 = arith.constant 0 : i32
        %dma_start3A_85 = arith.constant 0 : i32
        %dma_start3A_86 = tpu.memref_slice %arg13[%dma_start3A_84, %dma_start3A_85] : memref<10240x64xf32, #tpu.memory_space<vmem_shared>> -> memref<10240x64xf32, #tpu.memory_space<vmem_shared>>
        tpu.enqueue_indirect_dma source(%dma_start3A_80 : memref<128x64xf32, #tpu.memory_space<vmem>>) target(%dma_start3A_86 : memref<10240x64xf32, #tpu.memory_space<vmem_shared>>) offsets(%dma_start3A_83 : memref<128xi32, #tpu.memory_space<vmem>>) semaphore(%run_scoped3A_76 : memref<!tpu.dma_semaphore, #tpu.memory_space<semaphore_mem>>) {add = true}
        %dma_wait3A_87 = arith.constant 0 : i32
        %dma_wait3A_88 = arith.constant 0 : i32
        %dma_wait3A_89 = tpu.memref_slice %arg12[%rem3A_60, %dma_wait3A_87, %dma_wait3A_88] : memref<2x128x64xf32, #tpu.memory_space<vmem>> -> memref<1x128x64xf32, #tpu.memory_space<vmem>>
        %dma_wait3A_90 = tpu.memref_squeeze %dma_wait3A_89 : memref<1x128x64xf32, #tpu.memory_space<vmem>> -> memref<128x64xf32, #tpu.memory_space<vmem>>
        %dma_wait3A_91 = arith.constant 0 : i32
        %dma_wait3A_92 = tpu.memref_slice %arg11[%add3A_59, %dma_wait3A_91] : memref<79x128xi32, #tpu.memory_space<vmem>> -> memref<1x128xi32, #tpu.memory_space<vmem>>
        %dma_wait3A_93 = tpu.memref_squeeze %dma_wait3A_92 : memref<1x128xi32, #tpu.memory_space<vmem>> -> memref<128xi32, #tpu.memory_space<vmem>>
        %dma_wait3A_94 = arith.constant 0 : i32
        %dma_wait3A_95 = arith.constant 0 : i32
        %dma_wait3A_96 = tpu.memref_slice %arg13[%dma_wait3A_94, %dma_wait3A_95] : memref<10240x64xf32, #tpu.memory_space<vmem_shared>> -> memref<10240x64xf32, #tpu.memory_space<vmem_shared>>
        tpu.wait_indirect_dma semaphore(%run_scoped3A_76 : memref<!tpu.dma_semaphore, #tpu.memory_space<semaphore_mem>>) src(%dma_wait3A_90 : memref<128x64xf32, #tpu.memory_space<vmem>>) dst(%dma_wait3A_96 : memref<10240x64xf32, #tpu.memory_space<vmem_shared>>)
        tpu.yield
      }) : () -> ()
    }
    %scan3A_23 = arith.constant 79 : i32
    %barrier3A_24 = arith.constant 0 : index
    tpu.barrier barrier_id(%barrier3A_24)
    %run_scoped3A = arith.constant 0 : i32
    "tpu.region"() ({
      %run_scoped3A_55 = tpu.sem_alloc : memref<!tpu.dma_semaphore, #tpu.memory_space<semaphore_mem>>
      %dma_start3A_56 = arith.constant 0 : i32
      %dma_start3A_57 = arith.constant 0 : i32
      %dma_start3A_58 = arith.constant 0 : i32
      %dma_start3A_59 = tpu.memref_slice %arg9[%run_scoped3A, %dma_start3A_56, %dma_start3A_57, %dma_start3A_58] : memref<2x2x10240x64xf32, #tpu.memory_space<hbm>> -> memref<1x2x10240x64xf32, #tpu.memory_space<hbm>>
      %dma_start3A_60 = tpu.memref_squeeze %dma_start3A_59 : memref<1x2x10240x64xf32, #tpu.memory_space<hbm>> -> memref<2x10240x64xf32, #tpu.memory_space<hbm>>
      %dma_start3A_61 = arith.constant 0 : i32
      %dma_start3A_62 = arith.constant 0 : i32
      %dma_start3A_63 = tpu.memref_slice %dma_start3A_60[%arg0, %dma_start3A_61, %dma_start3A_62] : memref<2x10240x64xf32, #tpu.memory_space<hbm>> -> memref<1x10240x64xf32, #tpu.memory_space<hbm>>
      %dma_start3A_64 = tpu.memref_squeeze %dma_start3A_63 : memref<1x10240x64xf32, #tpu.memory_space<hbm>> -> memref<10240x64xf32, #tpu.memory_space<hbm>>
      %dma_start3A_65 = arith.constant 0 : i32
      %dma_start3A_66 = tpu.memref_slice %dma_start3A_64[%mul3A_2, %dma_start3A_65] : memref<10240x64xf32, #tpu.memory_space<hbm>> -> memref<640x64xf32, #tpu.memory_space<hbm>>
      %dma_start3A_67 = arith.constant 0 : i32
      %dma_start3A_68 = tpu.memref_slice %arg13[%mul3A_2, %dma_start3A_67] : memref<10240x64xf32, #tpu.memory_space<vmem_shared>> -> memref<640x64xf32, #tpu.memory_space<vmem_shared>>
      tpu.enqueue_dma source(%dma_start3A_68 : memref<640x64xf32, #tpu.memory_space<vmem_shared>>) target(%dma_start3A_66 : memref<640x64xf32, #tpu.memory_space<hbm>>) target_semaphore(%run_scoped3A_55 : memref<!tpu.dma_semaphore, #tpu.memory_space<semaphore_mem>>)
      %dma_wait3A = arith.constant 0 : i32
      %dma_wait3A_69 = arith.constant 0 : i32
      %dma_wait3A_70 = arith.constant 0 : i32
      %dma_wait3A_71 = tpu.memref_slice %arg9[%run_scoped3A, %dma_wait3A, %dma_wait3A_69, %dma_wait3A_70] : memref<2x2x10240x64xf32, #tpu.memory_space<hbm>> -> memref<1x2x10240x64xf32, #tpu.memory_space<hbm>>
      %dma_wait3A_72 = tpu.memref_squeeze %dma_wait3A_71 : memref<1x2x10240x64xf32, #tpu.memory_space<hbm>> -> memref<2x10240x64xf32, #tpu.memory_space<hbm>>
      %dma_wait3A_73 = arith.constant 0 : i32
      %dma_wait3A_74 = arith.constant 0 : i32
      %dma_wait3A_75 = tpu.memref_slice %dma_wait3A_72[%arg0, %dma_wait3A_73, %dma_wait3A_74] : memref<2x10240x64xf32, #tpu.memory_space<hbm>> -> memref<1x10240x64xf32, #tpu.memory_space<hbm>>
      %dma_wait3A_76 = tpu.memref_squeeze %dma_wait3A_75 : memref<1x10240x64xf32, #tpu.memory_space<hbm>> -> memref<10240x64xf32, #tpu.memory_space<hbm>>
      %dma_wait3A_77 = arith.constant 0 : i32
      %dma_wait3A_78 = tpu.memref_slice %dma_wait3A_76[%mul3A_2, %dma_wait3A_77] : memref<10240x64xf32, #tpu.memory_space<hbm>> -> memref<640x64xf32, #tpu.memory_space<hbm>>
      %dma_wait3A_79 = arith.constant 0 : i32
      %dma_wait3A_80 = tpu.memref_slice %arg13[%mul3A_2, %dma_wait3A_79] : memref<10240x64xf32, #tpu.memory_space<vmem_shared>> -> memref<640x64xf32, #tpu.memory_space<vmem_shared>>
      tpu.wait_dma2 semaphore(%run_scoped3A_55 : memref<!tpu.dma_semaphore, #tpu.memory_space<semaphore_mem>>) src(%dma_wait3A_80 : memref<640x64xf32, #tpu.memory_space<vmem_shared>>) dst(%dma_wait3A_78 : memref<640x64xf32, #tpu.memory_space<hbm>>)
      tpu.yield
    }) : () -> ()
    %eq3A_25 = arith.constant 0 : i32
    %eq3A_26 = arith.cmpi eq, %arg0, %eq3A_25 : i32
    %convert_element_type3A_27 = arith.extui %eq3A_26 : i1 to i32
    %cond3A_28 = arith.constant 0 : i32
    %cond3A_29 = arith.cmpi ne, %convert_element_type3A_27, %cond3A_28 : i32
    scf.if %cond3A_29 {
      "tpu.region"() ({
        %run_scoped3A_55 = tpu.sem_alloc : memref<!tpu.dma_semaphore, #tpu.memory_space<semaphore_mem>>
        %dma_start3A_56 = arith.constant 0 : i32
        %dma_start3A_57 = tpu.memref_slice %arg13[%mul3A_2, %dma_start3A_56] : memref<10240x64xf32, #tpu.memory_space<vmem_shared>> -> memref<640x64xf32, #tpu.memory_space<vmem_shared>>
        %dma_start3A_58 = arith.constant 0 : i32
        %dma_start3A_59 = tpu.memref_slice %arg5[%mul3A_2, %dma_start3A_58] : memref<10240x64xf32, #tpu.memory_space<hbm>> -> memref<640x64xf32, #tpu.memory_space<hbm>>
        tpu.enqueue_dma source(%dma_start3A_59 : memref<640x64xf32, #tpu.memory_space<hbm>>) target(%dma_start3A_57 : memref<640x64xf32, #tpu.memory_space<vmem_shared>>) target_semaphore(%run_scoped3A_55 : memref<!tpu.dma_semaphore, #tpu.memory_space<semaphore_mem>>)
        %dma_wait3A = arith.constant 0 : i32
        %dma_wait3A_60 = tpu.memref_slice %arg13[%mul3A_2, %dma_wait3A] : memref<10240x64xf32, #tpu.memory_space<vmem_shared>> -> memref<640x64xf32, #tpu.memory_space<vmem_shared>>
        %dma_wait3A_61 = arith.constant 0 : i32
        %dma_wait3A_62 = tpu.memref_slice %arg5[%mul3A_2, %dma_wait3A_61] : memref<10240x64xf32, #tpu.memory_space<hbm>> -> memref<640x64xf32, #tpu.memory_space<hbm>>
        tpu.wait_dma2 semaphore(%run_scoped3A_55 : memref<!tpu.dma_semaphore, #tpu.memory_space<semaphore_mem>>) src(%dma_wait3A_62 : memref<640x64xf32, #tpu.memory_space<hbm>>) dst(%dma_wait3A_60 : memref<640x64xf32, #tpu.memory_space<vmem_shared>>)
        tpu.yield
      }) : () -> ()
    } else {
    }
    %ne3A_30 = arith.constant 0 : i32
    %ne3A_31 = arith.cmpi ne, %arg0, %ne3A_30 : i32
    %convert_element_type3A_32 = arith.extui %ne3A_31 : i1 to i32
    %cond3A_33 = arith.constant 0 : i32
    %cond3A_34 = arith.cmpi ne, %convert_element_type3A_32, %cond3A_33 : i32
    scf.if %cond3A_34 {
      "tpu.region"() ({
        %run_scoped3A_55 = tpu.sem_alloc : memref<!tpu.dma_semaphore, #tpu.memory_space<semaphore_mem>>
        %dma_start3A_56 = arith.constant 0 : i32
        %dma_start3A_57 = tpu.memref_slice %arg13[%mul3A_2, %dma_start3A_56] : memref<10240x64xf32, #tpu.memory_space<vmem_shared>> -> memref<640x64xf32, #tpu.memory_space<vmem_shared>>
        %dma_start3A_58 = arith.constant 0 : i32
        %dma_start3A_59 = tpu.memref_slice %arg6[%mul3A_2, %dma_start3A_58] : memref<10240x64xf32, #tpu.memory_space<hbm>> -> memref<640x64xf32, #tpu.memory_space<hbm>>
        tpu.enqueue_dma source(%dma_start3A_59 : memref<640x64xf32, #tpu.memory_space<hbm>>) target(%dma_start3A_57 : memref<640x64xf32, #tpu.memory_space<vmem_shared>>) target_semaphore(%run_scoped3A_55 : memref<!tpu.dma_semaphore, #tpu.memory_space<semaphore_mem>>)
        %dma_wait3A = arith.constant 0 : i32
        %dma_wait3A_60 = tpu.memref_slice %arg13[%mul3A_2, %dma_wait3A] : memref<10240x64xf32, #tpu.memory_space<vmem_shared>> -> memref<640x64xf32, #tpu.memory_space<vmem_shared>>
        %dma_wait3A_61 = arith.constant 0 : i32
        %dma_wait3A_62 = tpu.memref_slice %arg6[%mul3A_2, %dma_wait3A_61] : memref<10240x64xf32, #tpu.memory_space<hbm>> -> memref<640x64xf32, #tpu.memory_space<hbm>>
        tpu.wait_dma2 semaphore(%run_scoped3A_55 : memref<!tpu.dma_semaphore, #tpu.memory_space<semaphore_mem>>) src(%dma_wait3A_62 : memref<640x64xf32, #tpu.memory_space<hbm>>) dst(%dma_wait3A_60 : memref<640x64xf32, #tpu.memory_space<vmem_shared>>)
        tpu.yield
      }) : () -> ()
    } else {
    }
    %barrier3A_35 = arith.constant 0 : index
    tpu.barrier barrier_id(%barrier3A_35)
    %dma_start3A_36 = arith.constant 0 : i32
    %dma_start3A_37 = arith.constant 0 : i32
    %dma_start3A_38 = arith.constant 0 : i32
    %dma_start3A_39 = arith.constant 0 : i32
    %dma_start3A_40 = tpu.memref_slice %arg12[%dma_start3A_37, %dma_start3A_38, %dma_start3A_39] : memref<2x128x64xf32, #tpu.memory_space<vmem>> -> memref<1x128x64xf32, #tpu.memory_space<vmem>>
    %dma_start3A_41 = tpu.memref_squeeze %dma_start3A_40 : memref<1x128x64xf32, #tpu.memory_space<vmem>> -> memref<128x64xf32, #tpu.memory_space<vmem>>
    %dma_start3A_42 = arith.constant 0 : i32
    %dma_start3A_43 = tpu.memref_slice %arg10[%dma_start3A_36, %dma_start3A_42] : memref<79x128xi32, #tpu.memory_space<vmem>> -> memref<1x128xi32, #tpu.memory_space<vmem>>
    %dma_start3A_44 = tpu.memref_squeeze %dma_start3A_43 : memref<1x128xi32, #tpu.memory_space<vmem>> -> memref<128xi32, #tpu.memory_space<vmem>>
    %dma_start3A_45 = arith.constant 0 : i32
    %dma_start3A_46 = arith.constant 0 : i32
    %dma_start3A_47 = tpu.memref_slice %arg5[%dma_start3A_45, %dma_start3A_46] : memref<10240x64xf32, #tpu.memory_space<hbm>> -> memref<10240x64xf32, #tpu.memory_space<hbm>>
    tpu.enqueue_indirect_dma source(%dma_start3A_47 : memref<10240x64xf32, #tpu.memory_space<hbm>>) target(%dma_start3A_41 : memref<128x64xf32, #tpu.memory_space<vmem>>) offsets(%dma_start3A_44 : memref<128xi32, #tpu.memory_space<vmem>>) semaphore(%arg14 : memref<!tpu.dma_semaphore, #tpu.memory_space<semaphore_mem>>)
    %scan3A_48 = arith.constant 0 : i32
    %scan3A_49 = arith.constant 79 : i32
    %scan3A_50 = arith.addi %scan3A_48, %scan3A_49 : i32
    %scan3A_51 = arith.constant 1 : i32
    scf.for %scan3A_55 = %scan3A_48 to %scan3A_50 step %scan3A_51  : i32 {
      %mul3A_56 = arith.constant 1 : i32
      %mul3A_57 = arith.muli %scan3A_55, %mul3A_56 : i32
      %add3A_58 = arith.constant 0 : i32
      %add3A_59 = arith.addi %add3A_58, %mul3A_57 : i32
      %rem3A = arith.constant 2 : i32
      %rem3A_60 = arith.remsi %add3A_59, %rem3A : i32
      %dma_wait3A = arith.constant 0 : i32
      %dma_wait3A_61 = arith.constant 0 : i32
      %dma_wait3A_62 = tpu.memref_slice %arg12[%rem3A_60, %dma_wait3A, %dma_wait3A_61] : memref<2x128x64xf32, #tpu.memory_space<vmem>> -> memref<1x128x64xf32, #tpu.memory_space<vmem>>
      %dma_wait3A_63 = tpu.memref_squeeze %dma_wait3A_62 : memref<1x128x64xf32, #tpu.memory_space<vmem>> -> memref<128x64xf32, #tpu.memory_space<vmem>>
      %dma_wait3A_64 = arith.constant 0 : i32
      %dma_wait3A_65 = tpu.memref_slice %arg10[%add3A_59, %dma_wait3A_64] : memref<79x128xi32, #tpu.memory_space<vmem>> -> memref<1x128xi32, #tpu.memory_space<vmem>>
      %dma_wait3A_66 = tpu.memref_squeeze %dma_wait3A_65 : memref<1x128xi32, #tpu.memory_space<vmem>> -> memref<128xi32, #tpu.memory_space<vmem>>
      %dma_wait3A_67 = arith.constant 0 : i32
      %dma_wait3A_68 = arith.constant 0 : i32
      %dma_wait3A_69 = tpu.memref_slice %arg5[%dma_wait3A_67, %dma_wait3A_68] : memref<10240x64xf32, #tpu.memory_space<hbm>> -> memref<10240x64xf32, #tpu.memory_space<hbm>>
      tpu.wait_indirect_dma semaphore(%arg14 : memref<!tpu.dma_semaphore, #tpu.memory_space<semaphore_mem>>) src(%dma_wait3A_69 : memref<10240x64xf32, #tpu.memory_space<hbm>>) dst(%dma_wait3A_63 : memref<128x64xf32, #tpu.memory_space<vmem>>)
      %add3A_70 = arith.constant 1 : i32
      %add3A_71 = arith.addi %add3A_59, %add3A_70 : i32
      %lt3A = arith.constant 79 : i32
      %lt3A_72 = arith.cmpi slt, %add3A_71, %lt3A : i32
      %convert_element_type3A_73 = arith.extui %lt3A_72 : i1 to i32
      %cond3A_74 = arith.constant 0 : i32
      %cond3A_75 = arith.cmpi ne, %convert_element_type3A_73, %cond3A_74 : i32
      scf.if %cond3A_75 {
        %add3A_76 = arith.constant 1 : i32
        %add3A_77 = arith.addi %add3A_59, %add3A_76 : i32
        %sub3A = arith.constant 1 : i32
        %sub3A_78 = arith.subi %sub3A, %rem3A_60 : i32
        %dma_start3A_79 = arith.constant 0 : i32
        %dma_start3A_80 = arith.constant 0 : i32
        %dma_start3A_81 = tpu.memref_slice %arg12[%sub3A_78, %dma_start3A_79, %dma_start3A_80] : memref<2x128x64xf32, #tpu.memory_space<vmem>> -> memref<1x128x64xf32, #tpu.memory_space<vmem>>
        %dma_start3A_82 = tpu.memref_squeeze %dma_start3A_81 : memref<1x128x64xf32, #tpu.memory_space<vmem>> -> memref<128x64xf32, #tpu.memory_space<vmem>>
        %dma_start3A_83 = arith.constant 0 : i32
        %dma_start3A_84 = tpu.memref_slice %arg10[%add3A_77, %dma_start3A_83] : memref<79x128xi32, #tpu.memory_space<vmem>> -> memref<1x128xi32, #tpu.memory_space<vmem>>
        %dma_start3A_85 = tpu.memref_squeeze %dma_start3A_84 : memref<1x128xi32, #tpu.memory_space<vmem>> -> memref<128xi32, #tpu.memory_space<vmem>>
        %dma_start3A_86 = arith.constant 0 : i32
        %dma_start3A_87 = arith.constant 0 : i32
        %dma_start3A_88 = tpu.memref_slice %arg5[%dma_start3A_86, %dma_start3A_87] : memref<10240x64xf32, #tpu.memory_space<hbm>> -> memref<10240x64xf32, #tpu.memory_space<hbm>>
        tpu.enqueue_indirect_dma source(%dma_start3A_88 : memref<10240x64xf32, #tpu.memory_space<hbm>>) target(%dma_start3A_82 : memref<128x64xf32, #tpu.memory_space<vmem>>) offsets(%dma_start3A_85 : memref<128xi32, #tpu.memory_space<vmem>>) semaphore(%arg14 : memref<!tpu.dma_semaphore, #tpu.memory_space<semaphore_mem>>)
      } else {
      }
      "tpu.region"() ({
        %run_scoped3A_76 = tpu.sem_alloc : memref<!tpu.dma_semaphore, #tpu.memory_space<semaphore_mem>>
        %dma_start3A_77 = arith.constant 0 : i32
        %dma_start3A_78 = arith.constant 0 : i32
        %dma_start3A_79 = tpu.memref_slice %arg12[%rem3A_60, %dma_start3A_77, %dma_start3A_78] : memref<2x128x64xf32, #tpu.memory_space<vmem>> -> memref<1x128x64xf32, #tpu.memory_space<vmem>>
        %dma_start3A_80 = tpu.memref_squeeze %dma_start3A_79 : memref<1x128x64xf32, #tpu.memory_space<vmem>> -> memref<128x64xf32, #tpu.memory_space<vmem>>
        %dma_start3A_81 = arith.constant 0 : i32
        %dma_start3A_82 = tpu.memref_slice %arg11[%add3A_59, %dma_start3A_81] : memref<79x128xi32, #tpu.memory_space<vmem>> -> memref<1x128xi32, #tpu.memory_space<vmem>>
        %dma_start3A_83 = tpu.memref_squeeze %dma_start3A_82 : memref<1x128xi32, #tpu.memory_space<vmem>> -> memref<128xi32, #tpu.memory_space<vmem>>
        %dma_start3A_84 = arith.constant 0 : i32
        %dma_start3A_85 = arith.constant 0 : i32
        %dma_start3A_86 = tpu.memref_slice %arg13[%dma_start3A_84, %dma_start3A_85] : memref<10240x64xf32, #tpu.memory_space<vmem_shared>> -> memref<10240x64xf32, #tpu.memory_space<vmem_shared>>
        tpu.enqueue_indirect_dma source(%dma_start3A_80 : memref<128x64xf32, #tpu.memory_space<vmem>>) target(%dma_start3A_86 : memref<10240x64xf32, #tpu.memory_space<vmem_shared>>) offsets(%dma_start3A_83 : memref<128xi32, #tpu.memory_space<vmem>>) semaphore(%run_scoped3A_76 : memref<!tpu.dma_semaphore, #tpu.memory_space<semaphore_mem>>) {add = true}
        %dma_wait3A_87 = arith.constant 0 : i32
        %dma_wait3A_88 = arith.constant 0 : i32
        %dma_wait3A_89 = tpu.memref_slice %arg12[%rem3A_60, %dma_wait3A_87, %dma_wait3A_88] : memref<2x128x64xf32, #tpu.memory_space<vmem>> -> memref<1x128x64xf32, #tpu.memory_space<vmem>>
        %dma_wait3A_90 = tpu.memref_squeeze %dma_wait3A_89 : memref<1x128x64xf32, #tpu.memory_space<vmem>> -> memref<128x64xf32, #tpu.memory_space<vmem>>
        %dma_wait3A_91 = arith.constant 0 : i32
        %dma_wait3A_92 = tpu.memref_slice %arg11[%add3A_59, %dma_wait3A_91] : memref<79x128xi32, #tpu.memory_space<vmem>> -> memref<1x128xi32, #tpu.memory_space<vmem>>
        %dma_wait3A_93 = tpu.memref_squeeze %dma_wait3A_92 : memref<1x128xi32, #tpu.memory_space<vmem>> -> memref<128xi32, #tpu.memory_space<vmem>>
        %dma_wait3A_94 = arith.constant 0 : i32
        %dma_wait3A_95 = arith.constant 0 : i32
        %dma_wait3A_96 = tpu.memref_slice %arg13[%dma_wait3A_94, %dma_wait3A_95] : memref<10240x64xf32, #tpu.memory_space<vmem_shared>> -> memref<10240x64xf32, #tpu.memory_space<vmem_shared>>
        tpu.wait_indirect_dma semaphore(%run_scoped3A_76 : memref<!tpu.dma_semaphore, #tpu.memory_space<semaphore_mem>>) src(%dma_wait3A_90 : memref<128x64xf32, #tpu.memory_space<vmem>>) dst(%dma_wait3A_96 : memref<10240x64xf32, #tpu.memory_space<vmem_shared>>)
        tpu.yield
      }) : () -> ()
    }
    %scan3A_52 = arith.constant 79 : i32
    %barrier3A_53 = arith.constant 0 : index
    tpu.barrier barrier_id(%barrier3A_53)
    %run_scoped3A_54 = arith.constant 1 : i32
    "tpu.region"() ({
      %run_scoped3A_55 = tpu.sem_alloc : memref<!tpu.dma_semaphore, #tpu.memory_space<semaphore_mem>>
      %dma_start3A_56 = arith.constant 0 : i32
      %dma_start3A_57 = arith.constant 0 : i32
      %dma_start3A_58 = arith.constant 0 : i32
      %dma_start3A_59 = tpu.memref_slice %arg9[%run_scoped3A_54, %dma_start3A_56, %dma_start3A_57, %dma_start3A_58] : memref<2x2x10240x64xf32, #tpu.memory_space<hbm>> -> memref<1x2x10240x64xf32, #tpu.memory_space<hbm>>
      %dma_start3A_60 = tpu.memref_squeeze %dma_start3A_59 : memref<1x2x10240x64xf32, #tpu.memory_space<hbm>> -> memref<2x10240x64xf32, #tpu.memory_space<hbm>>
      %dma_start3A_61 = arith.constant 0 : i32
      %dma_start3A_62 = arith.constant 0 : i32
      %dma_start3A_63 = tpu.memref_slice %dma_start3A_60[%arg0, %dma_start3A_61, %dma_start3A_62] : memref<2x10240x64xf32, #tpu.memory_space<hbm>> -> memref<1x10240x64xf32, #tpu.memory_space<hbm>>
      %dma_start3A_64 = tpu.memref_squeeze %dma_start3A_63 : memref<1x10240x64xf32, #tpu.memory_space<hbm>> -> memref<10240x64xf32, #tpu.memory_space<hbm>>
      %dma_start3A_65 = arith.constant 0 : i32
      %dma_start3A_66 = tpu.memref_slice %dma_start3A_64[%mul3A_2, %dma_start3A_65] : memref<10240x64xf32, #tpu.memory_space<hbm>> -> memref<640x64xf32, #tpu.memory_space<hbm>>
      %dma_start3A_67 = arith.constant 0 : i32
      %dma_start3A_68 = tpu.memref_slice %arg13[%mul3A_2, %dma_start3A_67] : memref<10240x64xf32, #tpu.memory_space<vmem_shared>> -> memref<640x64xf32, #tpu.memory_space<vmem_shared>>
      tpu.enqueue_dma source(%dma_start3A_68 : memref<640x64xf32, #tpu.memory_space<vmem_shared>>) target(%dma_start3A_66 : memref<640x64xf32, #tpu.memory_space<hbm>>) target_semaphore(%run_scoped3A_55 : memref<!tpu.dma_semaphore, #tpu.memory_space<semaphore_mem>>)
      %dma_wait3A = arith.constant 0 : i32
      %dma_wait3A_69 = arith.constant 0 : i32
      %dma_wait3A_70 = arith.constant 0 : i32
      %dma_wait3A_71 = tpu.memref_slice %arg9[%run_scoped3A_54, %dma_wait3A, %dma_wait3A_69, %dma_wait3A_70] : memref<2x2x10240x64xf32, #tpu.memory_space<hbm>> -> memref<1x2x10240x64xf32, #tpu.memory_space<hbm>>
      %dma_wait3A_72 = tpu.memref_squeeze %dma_wait3A_71 : memref<1x2x10240x64xf32, #tpu.memory_space<hbm>> -> memref<2x10240x64xf32, #tpu.memory_space<hbm>>
      %dma_wait3A_73 = arith.constant 0 : i32
      %dma_wait3A_74 = arith.constant 0 : i32
      %dma_wait3A_75 = tpu.memref_slice %dma_wait3A_72[%arg0, %dma_wait3A_73, %dma_wait3A_74] : memref<2x10240x64xf32, #tpu.memory_space<hbm>> -> memref<1x10240x64xf32, #tpu.memory_space<hbm>>
      %dma_wait3A_76 = tpu.memref_squeeze %dma_wait3A_75 : memref<1x10240x64xf32, #tpu.memory_space<hbm>> -> memref<10240x64xf32, #tpu.memory_space<hbm>>
      %dma_wait3A_77 = arith.constant 0 : i32
      %dma_wait3A_78 = tpu.memref_slice %dma_wait3A_76[%mul3A_2, %dma_wait3A_77] : memref<10240x64xf32, #tpu.memory_space<hbm>> -> memref<640x64xf32, #tpu.memory_space<hbm>>
      %dma_wait3A_79 = arith.constant 0 : i32
      %dma_wait3A_80 = tpu.memref_slice %arg13[%mul3A_2, %dma_wait3A_79] : memref<10240x64xf32, #tpu.memory_space<vmem_shared>> -> memref<640x64xf32, #tpu.memory_space<vmem_shared>>
      tpu.wait_dma2 semaphore(%run_scoped3A_55 : memref<!tpu.dma_semaphore, #tpu.memory_space<semaphore_mem>>) src(%dma_wait3A_80 : memref<640x64xf32, #tpu.memory_space<vmem_shared>>) dst(%dma_wait3A_78 : memref<640x64xf32, #tpu.memory_space<hbm>>)
      tpu.yield
    }) : () -> ()
    return
  }
}

#map = affine_map<(d0, d1) -> (0, 0, 0)>
#map1 = affine_map<(d0, d1) -> (0, 0)>
#map2 = affine_map<(d0, d1) -> (0, 0, 0, 0)>
module attributes {stable_mosaic.version = 14 : i64} {
  func.func @body(%arg0: i32, %arg1: i32, %arg2: memref<32x79x128xi32, #tpu.memory_space<hbm>>, %arg3: memref<32x79x128xi32, #tpu.memory_space<hbm>>, %arg4: memref<10240x64xf32, #tpu.memory_space<hbm>>, %arg5: memref<10240x64xf32, #tpu.memory_space<hbm>>, %arg6: memref<10240x64xf32, #tpu.memory_space<hbm>>, %arg7: memref<2x10240x16xf32, #tpu.memory_space<hbm>>, %arg8: memref<128x16xf32, #tpu.memory_space<hbm>>, %arg9: memref<2x2x10240x64xf32, #tpu.memory_space<hbm>>, %arg10: memref<2x10240x16xf32, #tpu.memory_space<hbm>>, %arg11: memref<79x128xi32, #tpu.memory_space<vmem>>, %arg12: memref<79x128xi32, #tpu.memory_space<vmem>>, %arg13: memref<2x128x64xf32, #tpu.memory_space<vmem>>, %arg14: memref<10240x64xf32, #tpu.memory_space<vmem_shared>>, %arg15: memref<!tpu.dma_semaphore, #tpu.memory_space<semaphore_mem>>, %arg16: memref<128x16xf32, #tpu.memory_space<vmem>>, %arg17: memref<10240x16xf32, #tpu.memory_space<vmem_shared>>) attributes {dimension_semantics = [#tpu.dimension_semantics<core_parallel>, #tpu.dimension_semantics<subcore_parallel>], iteration_bounds = array<i64: 2, 16>, scalar_prefetch = 0 : i64, scratch_operands = 7 : i64, tpu.core_type = #tpu.core_type<sc_vector_subcore>, window_params = [{transform_indices = #map}, {transform_indices = #map}, {transform_indices = #map1}, {transform_indices = #map1}, {transform_indices = #map1}, {transform_indices = #map}, {transform_indices = #map1}, {transform_indices = #map2}, {transform_indices = #map}]} {
    %mul3A = arith.constant 16 : i32
    %mul3A_0 = arith.muli %arg0, %mul3A : i32
    %add3A = arith.addi %mul3A_0, %arg1 : i32
    %mul3A_1 = arith.constant 640 : i32
    %mul3A_2 = arith.muli %arg1, %mul3A_1 : i32
    "tpu.region"() ({
      %run_scoped3A_62 = tpu.sem_alloc : memref<!tpu.dma_semaphore, #tpu.memory_space<semaphore_mem>>
      %dma_start3A_63 = arith.constant 0 : i32
      %dma_start3A_64 = arith.constant 0 : i32
      %dma_start3A_65 = tpu.memref_slice %arg2[%add3A, %dma_start3A_63, %dma_start3A_64] : memref<32x79x128xi32, #tpu.memory_space<hbm>> -> memref<1x79x128xi32, #tpu.memory_space<hbm>>
      %dma_start3A_66 = tpu.memref_squeeze %dma_start3A_65 : memref<1x79x128xi32, #tpu.memory_space<hbm>> -> memref<79x128xi32, #tpu.memory_space<hbm>>
      %dma_start3A_67 = arith.constant 0 : i32
      %dma_start3A_68 = arith.constant 0 : i32
      %dma_start3A_69 = tpu.memref_slice %arg2[%add3A, %dma_start3A_67, %dma_start3A_68] : memref<32x79x128xi32, #tpu.memory_space<hbm>> -> memref<1x79x128xi32, #tpu.memory_space<hbm>>
      %dma_start3A_70 = tpu.memref_squeeze %dma_start3A_69 : memref<1x79x128xi32, #tpu.memory_space<hbm>> -> memref<79x128xi32, #tpu.memory_space<hbm>>
      tpu.enqueue_dma source(%dma_start3A_70 : memref<79x128xi32, #tpu.memory_space<hbm>>) target(%arg11 : memref<79x128xi32, #tpu.memory_space<vmem>>) target_semaphore(%run_scoped3A_62 : memref<!tpu.dma_semaphore, #tpu.memory_space<semaphore_mem>>)
      %dma_wait3A = arith.constant 0 : i32
      %dma_wait3A_71 = arith.constant 0 : i32
      %dma_wait3A_72 = tpu.memref_slice %arg2[%add3A, %dma_wait3A, %dma_wait3A_71] : memref<32x79x128xi32, #tpu.memory_space<hbm>> -> memref<1x79x128xi32, #tpu.memory_space<hbm>>
      %dma_wait3A_73 = tpu.memref_squeeze %dma_wait3A_72 : memref<1x79x128xi32, #tpu.memory_space<hbm>> -> memref<79x128xi32, #tpu.memory_space<hbm>>
      %dma_wait3A_74 = arith.constant 0 : i32
      %dma_wait3A_75 = arith.constant 0 : i32
      %dma_wait3A_76 = tpu.memref_slice %arg2[%add3A, %dma_wait3A_74, %dma_wait3A_75] : memref<32x79x128xi32, #tpu.memory_space<hbm>> -> memref<1x79x128xi32, #tpu.memory_space<hbm>>
      %dma_wait3A_77 = tpu.memref_squeeze %dma_wait3A_76 : memref<1x79x128xi32, #tpu.memory_space<hbm>> -> memref<79x128xi32, #tpu.memory_space<hbm>>
      tpu.wait_dma2 semaphore(%run_scoped3A_62 : memref<!tpu.dma_semaphore, #tpu.memory_space<semaphore_mem>>) src(%dma_wait3A_77 : memref<79x128xi32, #tpu.memory_space<hbm>>) dst(%arg11 : memref<79x128xi32, #tpu.memory_space<vmem>>)
      tpu.yield
    }) : () -> ()
    "tpu.region"() ({
      %run_scoped3A_62 = tpu.sem_alloc : memref<!tpu.dma_semaphore, #tpu.memory_space<semaphore_mem>>
      %dma_start3A_63 = arith.constant 0 : i32
      %dma_start3A_64 = arith.constant 0 : i32
      %dma_start3A_65 = tpu.memref_slice %arg3[%add3A, %dma_start3A_63, %dma_start3A_64] : memref<32x79x128xi32, #tpu.memory_space<hbm>> -> memref<1x79x128xi32, #tpu.memory_space<hbm>>
      %dma_start3A_66 = tpu.memref_squeeze %dma_start3A_65 : memref<1x79x128xi32, #tpu.memory_space<hbm>> -> memref<79x128xi32, #tpu.memory_space<hbm>>
      %dma_start3A_67 = arith.constant 0 : i32
      %dma_start3A_68 = arith.constant 0 : i32
      %dma_start3A_69 = tpu.memref_slice %arg3[%add3A, %dma_start3A_67, %dma_start3A_68] : memref<32x79x128xi32, #tpu.memory_space<hbm>> -> memref<1x79x128xi32, #tpu.memory_space<hbm>>
      %dma_start3A_70 = tpu.memref_squeeze %dma_start3A_69 : memref<1x79x128xi32, #tpu.memory_space<hbm>> -> memref<79x128xi32, #tpu.memory_space<hbm>>
      tpu.enqueue_dma source(%dma_start3A_70 : memref<79x128xi32, #tpu.memory_space<hbm>>) target(%arg12 : memref<79x128xi32, #tpu.memory_space<vmem>>) target_semaphore(%run_scoped3A_62 : memref<!tpu.dma_semaphore, #tpu.memory_space<semaphore_mem>>)
      %dma_wait3A = arith.constant 0 : i32
      %dma_wait3A_71 = arith.constant 0 : i32
      %dma_wait3A_72 = tpu.memref_slice %arg3[%add3A, %dma_wait3A, %dma_wait3A_71] : memref<32x79x128xi32, #tpu.memory_space<hbm>> -> memref<1x79x128xi32, #tpu.memory_space<hbm>>
      %dma_wait3A_73 = tpu.memref_squeeze %dma_wait3A_72 : memref<1x79x128xi32, #tpu.memory_space<hbm>> -> memref<79x128xi32, #tpu.memory_space<hbm>>
      %dma_wait3A_74 = arith.constant 0 : i32
      %dma_wait3A_75 = arith.constant 0 : i32
      %dma_wait3A_76 = tpu.memref_slice %arg3[%add3A, %dma_wait3A_74, %dma_wait3A_75] : memref<32x79x128xi32, #tpu.memory_space<hbm>> -> memref<1x79x128xi32, #tpu.memory_space<hbm>>
      %dma_wait3A_77 = tpu.memref_squeeze %dma_wait3A_76 : memref<1x79x128xi32, #tpu.memory_space<hbm>> -> memref<79x128xi32, #tpu.memory_space<hbm>>
      tpu.wait_dma2 semaphore(%run_scoped3A_62 : memref<!tpu.dma_semaphore, #tpu.memory_space<semaphore_mem>>) src(%dma_wait3A_77 : memref<79x128xi32, #tpu.memory_space<hbm>>) dst(%arg12 : memref<79x128xi32, #tpu.memory_space<vmem>>)
      tpu.yield
    }) : () -> ()
    %eq3A = arith.constant 0 : i32
    %eq3A_3 = arith.cmpi eq, %arg0, %eq3A : i32
    %convert_element_type3A = arith.extui %eq3A_3 : i1 to i32
    %cond3A = arith.constant 0 : i32
    %cond3A_4 = arith.cmpi ne, %convert_element_type3A, %cond3A : i32
    scf.if %cond3A_4 {
      "tpu.region"() ({
        %run_scoped3A_62 = tpu.sem_alloc : memref<!tpu.dma_semaphore, #tpu.memory_space<semaphore_mem>>
        %dma_start3A_63 = arith.constant 0 : i32
        %dma_start3A_64 = tpu.memref_slice %arg14[%mul3A_2, %dma_start3A_63] : memref<10240x64xf32, #tpu.memory_space<vmem_shared>> -> memref<640x64xf32, #tpu.memory_space<vmem_shared>>
        %dma_start3A_65 = arith.constant 0 : i32
        %dma_start3A_66 = tpu.memref_slice %arg4[%mul3A_2, %dma_start3A_65] : memref<10240x64xf32, #tpu.memory_space<hbm>> -> memref<640x64xf32, #tpu.memory_space<hbm>>
        tpu.enqueue_dma source(%dma_start3A_66 : memref<640x64xf32, #tpu.memory_space<hbm>>) target(%dma_start3A_64 : memref<640x64xf32, #tpu.memory_space<vmem_shared>>) target_semaphore(%run_scoped3A_62 : memref<!tpu.dma_semaphore, #tpu.memory_space<semaphore_mem>>)
        %dma_wait3A = arith.constant 0 : i32
        %dma_wait3A_67 = tpu.memref_slice %arg14[%mul3A_2, %dma_wait3A] : memref<10240x64xf32, #tpu.memory_space<vmem_shared>> -> memref<640x64xf32, #tpu.memory_space<vmem_shared>>
        %dma_wait3A_68 = arith.constant 0 : i32
        %dma_wait3A_69 = tpu.memref_slice %arg4[%mul3A_2, %dma_wait3A_68] : memref<10240x64xf32, #tpu.memory_space<hbm>> -> memref<640x64xf32, #tpu.memory_space<hbm>>
        tpu.wait_dma2 semaphore(%run_scoped3A_62 : memref<!tpu.dma_semaphore, #tpu.memory_space<semaphore_mem>>) src(%dma_wait3A_69 : memref<640x64xf32, #tpu.memory_space<hbm>>) dst(%dma_wait3A_67 : memref<640x64xf32, #tpu.memory_space<vmem_shared>>)
        tpu.yield
      }) : () -> ()
    } else {
    }
    %ne3A = arith.constant 0 : i32
    %ne3A_5 = arith.cmpi ne, %arg0, %ne3A : i32
    %convert_element_type3A_6 = arith.extui %ne3A_5 : i1 to i32
    %cond3A_7 = arith.constant 0 : i32
    %cond3A_8 = arith.cmpi ne, %convert_element_type3A_6, %cond3A_7 : i32
    scf.if %cond3A_8 {
      "tpu.region"() ({
        %run_scoped3A_62 = tpu.sem_alloc : memref<!tpu.dma_semaphore, #tpu.memory_space<semaphore_mem>>
        %dma_start3A_63 = arith.constant 0 : i32
        %dma_start3A_64 = tpu.memref_slice %arg14[%mul3A_2, %dma_start3A_63] : memref<10240x64xf32, #tpu.memory_space<vmem_shared>> -> memref<640x64xf32, #tpu.memory_space<vmem_shared>>
        %dma_start3A_65 = arith.constant 0 : i32
        %dma_start3A_66 = tpu.memref_slice %arg6[%mul3A_2, %dma_start3A_65] : memref<10240x64xf32, #tpu.memory_space<hbm>> -> memref<640x64xf32, #tpu.memory_space<hbm>>
        tpu.enqueue_dma source(%dma_start3A_66 : memref<640x64xf32, #tpu.memory_space<hbm>>) target(%dma_start3A_64 : memref<640x64xf32, #tpu.memory_space<vmem_shared>>) target_semaphore(%run_scoped3A_62 : memref<!tpu.dma_semaphore, #tpu.memory_space<semaphore_mem>>)
        %dma_wait3A = arith.constant 0 : i32
        %dma_wait3A_67 = tpu.memref_slice %arg14[%mul3A_2, %dma_wait3A] : memref<10240x64xf32, #tpu.memory_space<vmem_shared>> -> memref<640x64xf32, #tpu.memory_space<vmem_shared>>
        %dma_wait3A_68 = arith.constant 0 : i32
        %dma_wait3A_69 = tpu.memref_slice %arg6[%mul3A_2, %dma_wait3A_68] : memref<10240x64xf32, #tpu.memory_space<hbm>> -> memref<640x64xf32, #tpu.memory_space<hbm>>
        tpu.wait_dma2 semaphore(%run_scoped3A_62 : memref<!tpu.dma_semaphore, #tpu.memory_space<semaphore_mem>>) src(%dma_wait3A_69 : memref<640x64xf32, #tpu.memory_space<hbm>>) dst(%dma_wait3A_67 : memref<640x64xf32, #tpu.memory_space<vmem_shared>>)
        tpu.yield
      }) : () -> ()
    } else {
    }
    %barrier3A = arith.constant 0 : index
    tpu.barrier barrier_id(%barrier3A)
    %dma_start3A = arith.constant 0 : i32
    %dma_start3A_9 = arith.constant 0 : i32
    %dma_start3A_10 = arith.constant 0 : i32
    %dma_start3A_11 = arith.constant 0 : i32
    %dma_start3A_12 = tpu.memref_slice %arg13[%dma_start3A_9, %dma_start3A_10, %dma_start3A_11] : memref<2x128x64xf32, #tpu.memory_space<vmem>> -> memref<1x128x64xf32, #tpu.memory_space<vmem>>
    %dma_start3A_13 = tpu.memref_squeeze %dma_start3A_12 : memref<1x128x64xf32, #tpu.memory_space<vmem>> -> memref<128x64xf32, #tpu.memory_space<vmem>>
    %dma_start3A_14 = arith.constant 0 : i32
    %dma_start3A_15 = tpu.memref_slice %arg11[%dma_start3A, %dma_start3A_14] : memref<79x128xi32, #tpu.memory_space<vmem>> -> memref<1x128xi32, #tpu.memory_space<vmem>>
    %dma_start3A_16 = tpu.memref_squeeze %dma_start3A_15 : memref<1x128xi32, #tpu.memory_space<vmem>> -> memref<128xi32, #tpu.memory_space<vmem>>
    %dma_start3A_17 = arith.constant 0 : i32
    %dma_start3A_18 = arith.constant 0 : i32
    %dma_start3A_19 = tpu.memref_slice %arg4[%dma_start3A_17, %dma_start3A_18] : memref<10240x64xf32, #tpu.memory_space<hbm>> -> memref<10240x64xf32, #tpu.memory_space<hbm>>
    tpu.enqueue_indirect_dma source(%dma_start3A_19 : memref<10240x64xf32, #tpu.memory_space<hbm>>) target(%dma_start3A_13 : memref<128x64xf32, #tpu.memory_space<vmem>>) offsets(%dma_start3A_16 : memref<128xi32, #tpu.memory_space<vmem>>) semaphore(%arg15 : memref<!tpu.dma_semaphore, #tpu.memory_space<semaphore_mem>>)
    %scan3A = arith.constant 0 : i32
    %scan3A_20 = arith.constant 79 : i32
    %scan3A_21 = arith.addi %scan3A, %scan3A_20 : i32
    %scan3A_22 = arith.constant 1 : i32
    scf.for %scan3A_62 = %scan3A to %scan3A_21 step %scan3A_22  : i32 {
      %mul3A_63 = arith.constant 1 : i32
      %mul3A_64 = arith.muli %scan3A_62, %mul3A_63 : i32
      %add3A_65 = arith.constant 0 : i32
      %add3A_66 = arith.addi %add3A_65, %mul3A_64 : i32
      %rem3A = arith.constant 2 : i32
      %rem3A_67 = arith.remsi %add3A_66, %rem3A : i32
      %dma_wait3A = arith.constant 0 : i32
      %dma_wait3A_68 = arith.constant 0 : i32
      %dma_wait3A_69 = tpu.memref_slice %arg13[%rem3A_67, %dma_wait3A, %dma_wait3A_68] : memref<2x128x64xf32, #tpu.memory_space<vmem>> -> memref<1x128x64xf32, #tpu.memory_space<vmem>>
      %dma_wait3A_70 = tpu.memref_squeeze %dma_wait3A_69 : memref<1x128x64xf32, #tpu.memory_space<vmem>> -> memref<128x64xf32, #tpu.memory_space<vmem>>
      %dma_wait3A_71 = arith.constant 0 : i32
      %dma_wait3A_72 = tpu.memref_slice %arg11[%add3A_66, %dma_wait3A_71] : memref<79x128xi32, #tpu.memory_space<vmem>> -> memref<1x128xi32, #tpu.memory_space<vmem>>
      %dma_wait3A_73 = tpu.memref_squeeze %dma_wait3A_72 : memref<1x128xi32, #tpu.memory_space<vmem>> -> memref<128xi32, #tpu.memory_space<vmem>>
      %dma_wait3A_74 = arith.constant 0 : i32
      %dma_wait3A_75 = arith.constant 0 : i32
      %dma_wait3A_76 = tpu.memref_slice %arg4[%dma_wait3A_74, %dma_wait3A_75] : memref<10240x64xf32, #tpu.memory_space<hbm>> -> memref<10240x64xf32, #tpu.memory_space<hbm>>
      tpu.wait_indirect_dma semaphore(%arg15 : memref<!tpu.dma_semaphore, #tpu.memory_space<semaphore_mem>>) src(%dma_wait3A_76 : memref<10240x64xf32, #tpu.memory_space<hbm>>) dst(%dma_wait3A_70 : memref<128x64xf32, #tpu.memory_space<vmem>>)
      %add3A_77 = arith.constant 1 : i32
      %add3A_78 = arith.addi %add3A_66, %add3A_77 : i32
      %lt3A = arith.constant 79 : i32
      %lt3A_79 = arith.cmpi slt, %add3A_78, %lt3A : i32
      %convert_element_type3A_80 = arith.extui %lt3A_79 : i1 to i32
      %cond3A_81 = arith.constant 0 : i32
      %cond3A_82 = arith.cmpi ne, %convert_element_type3A_80, %cond3A_81 : i32
      scf.if %cond3A_82 {
        %add3A_83 = arith.constant 1 : i32
        %add3A_84 = arith.addi %add3A_66, %add3A_83 : i32
        %sub3A = arith.constant 1 : i32
        %sub3A_85 = arith.subi %sub3A, %rem3A_67 : i32
        %dma_start3A_86 = arith.constant 0 : i32
        %dma_start3A_87 = arith.constant 0 : i32
        %dma_start3A_88 = tpu.memref_slice %arg13[%sub3A_85, %dma_start3A_86, %dma_start3A_87] : memref<2x128x64xf32, #tpu.memory_space<vmem>> -> memref<1x128x64xf32, #tpu.memory_space<vmem>>
        %dma_start3A_89 = tpu.memref_squeeze %dma_start3A_88 : memref<1x128x64xf32, #tpu.memory_space<vmem>> -> memref<128x64xf32, #tpu.memory_space<vmem>>
        %dma_start3A_90 = arith.constant 0 : i32
        %dma_start3A_91 = tpu.memref_slice %arg11[%add3A_84, %dma_start3A_90] : memref<79x128xi32, #tpu.memory_space<vmem>> -> memref<1x128xi32, #tpu.memory_space<vmem>>
        %dma_start3A_92 = tpu.memref_squeeze %dma_start3A_91 : memref<1x128xi32, #tpu.memory_space<vmem>> -> memref<128xi32, #tpu.memory_space<vmem>>
        %dma_start3A_93 = arith.constant 0 : i32
        %dma_start3A_94 = arith.constant 0 : i32
        %dma_start3A_95 = tpu.memref_slice %arg4[%dma_start3A_93, %dma_start3A_94] : memref<10240x64xf32, #tpu.memory_space<hbm>> -> memref<10240x64xf32, #tpu.memory_space<hbm>>
        tpu.enqueue_indirect_dma source(%dma_start3A_95 : memref<10240x64xf32, #tpu.memory_space<hbm>>) target(%dma_start3A_89 : memref<128x64xf32, #tpu.memory_space<vmem>>) offsets(%dma_start3A_92 : memref<128xi32, #tpu.memory_space<vmem>>) semaphore(%arg15 : memref<!tpu.dma_semaphore, #tpu.memory_space<semaphore_mem>>)
      } else {
      }
      "tpu.region"() ({
        %run_scoped3A_83 = tpu.sem_alloc : memref<!tpu.dma_semaphore, #tpu.memory_space<semaphore_mem>>
        %dma_start3A_84 = arith.constant 0 : i32
        %dma_start3A_85 = arith.constant 0 : i32
        %dma_start3A_86 = tpu.memref_slice %arg13[%rem3A_67, %dma_start3A_84, %dma_start3A_85] : memref<2x128x64xf32, #tpu.memory_space<vmem>> -> memref<1x128x64xf32, #tpu.memory_space<vmem>>
        %dma_start3A_87 = tpu.memref_squeeze %dma_start3A_86 : memref<1x128x64xf32, #tpu.memory_space<vmem>> -> memref<128x64xf32, #tpu.memory_space<vmem>>
        %dma_start3A_88 = arith.constant 0 : i32
        %dma_start3A_89 = tpu.memref_slice %arg12[%add3A_66, %dma_start3A_88] : memref<79x128xi32, #tpu.memory_space<vmem>> -> memref<1x128xi32, #tpu.memory_space<vmem>>
        %dma_start3A_90 = tpu.memref_squeeze %dma_start3A_89 : memref<1x128xi32, #tpu.memory_space<vmem>> -> memref<128xi32, #tpu.memory_space<vmem>>
        %dma_start3A_91 = arith.constant 0 : i32
        %dma_start3A_92 = arith.constant 0 : i32
        %dma_start3A_93 = tpu.memref_slice %arg14[%dma_start3A_91, %dma_start3A_92] : memref<10240x64xf32, #tpu.memory_space<vmem_shared>> -> memref<10240x64xf32, #tpu.memory_space<vmem_shared>>
        tpu.enqueue_indirect_dma source(%dma_start3A_87 : memref<128x64xf32, #tpu.memory_space<vmem>>) target(%dma_start3A_93 : memref<10240x64xf32, #tpu.memory_space<vmem_shared>>) offsets(%dma_start3A_90 : memref<128xi32, #tpu.memory_space<vmem>>) semaphore(%run_scoped3A_83 : memref<!tpu.dma_semaphore, #tpu.memory_space<semaphore_mem>>) {add = true}
        %dma_wait3A_94 = arith.constant 0 : i32
        %dma_wait3A_95 = arith.constant 0 : i32
        %dma_wait3A_96 = tpu.memref_slice %arg13[%rem3A_67, %dma_wait3A_94, %dma_wait3A_95] : memref<2x128x64xf32, #tpu.memory_space<vmem>> -> memref<1x128x64xf32, #tpu.memory_space<vmem>>
        %dma_wait3A_97 = tpu.memref_squeeze %dma_wait3A_96 : memref<1x128x64xf32, #tpu.memory_space<vmem>> -> memref<128x64xf32, #tpu.memory_space<vmem>>
        %dma_wait3A_98 = arith.constant 0 : i32
        %dma_wait3A_99 = tpu.memref_slice %arg12[%add3A_66, %dma_wait3A_98] : memref<79x128xi32, #tpu.memory_space<vmem>> -> memref<1x128xi32, #tpu.memory_space<vmem>>
        %dma_wait3A_100 = tpu.memref_squeeze %dma_wait3A_99 : memref<1x128xi32, #tpu.memory_space<vmem>> -> memref<128xi32, #tpu.memory_space<vmem>>
        %dma_wait3A_101 = arith.constant 0 : i32
        %dma_wait3A_102 = arith.constant 0 : i32
        %dma_wait3A_103 = tpu.memref_slice %arg14[%dma_wait3A_101, %dma_wait3A_102] : memref<10240x64xf32, #tpu.memory_space<vmem_shared>> -> memref<10240x64xf32, #tpu.memory_space<vmem_shared>>
        tpu.wait_indirect_dma semaphore(%run_scoped3A_83 : memref<!tpu.dma_semaphore, #tpu.memory_space<semaphore_mem>>) src(%dma_wait3A_97 : memref<128x64xf32, #tpu.memory_space<vmem>>) dst(%dma_wait3A_103 : memref<10240x64xf32, #tpu.memory_space<vmem_shared>>)
        tpu.yield
      }) : () -> ()
    }
    %scan3A_23 = arith.constant 79 : i32
    %barrier3A_24 = arith.constant 0 : index
    tpu.barrier barrier_id(%barrier3A_24)
    %run_scoped3A = arith.constant 0 : i32
    "tpu.region"() ({
      %run_scoped3A_62 = tpu.sem_alloc : memref<!tpu.dma_semaphore, #tpu.memory_space<semaphore_mem>>
      %dma_start3A_63 = arith.constant 0 : i32
      %dma_start3A_64 = arith.constant 0 : i32
      %dma_start3A_65 = arith.constant 0 : i32
      %dma_start3A_66 = tpu.memref_slice %arg9[%run_scoped3A, %dma_start3A_63, %dma_start3A_64, %dma_start3A_65] : memref<2x2x10240x64xf32, #tpu.memory_space<hbm>> -> memref<1x2x10240x64xf32, #tpu.memory_space<hbm>>
      %dma_start3A_67 = tpu.memref_squeeze %dma_start3A_66 : memref<1x2x10240x64xf32, #tpu.memory_space<hbm>> -> memref<2x10240x64xf32, #tpu.memory_space<hbm>>
      %dma_start3A_68 = arith.constant 0 : i32
      %dma_start3A_69 = arith.constant 0 : i32
      %dma_start3A_70 = tpu.memref_slice %dma_start3A_67[%arg0, %dma_start3A_68, %dma_start3A_69] : memref<2x10240x64xf32, #tpu.memory_space<hbm>> -> memref<1x10240x64xf32, #tpu.memory_space<hbm>>
      %dma_start3A_71 = tpu.memref_squeeze %dma_start3A_70 : memref<1x10240x64xf32, #tpu.memory_space<hbm>> -> memref<10240x64xf32, #tpu.memory_space<hbm>>
      %dma_start3A_72 = arith.constant 0 : i32
      %dma_start3A_73 = tpu.memref_slice %dma_start3A_71[%mul3A_2, %dma_start3A_72] : memref<10240x64xf32, #tpu.memory_space<hbm>> -> memref<640x64xf32, #tpu.memory_space<hbm>>
      %dma_start3A_74 = arith.constant 0 : i32
      %dma_start3A_75 = tpu.memref_slice %arg14[%mul3A_2, %dma_start3A_74] : memref<10240x64xf32, #tpu.memory_space<vmem_shared>> -> memref<640x64xf32, #tpu.memory_space<vmem_shared>>
      tpu.enqueue_dma source(%dma_start3A_75 : memref<640x64xf32, #tpu.memory_space<vmem_shared>>) target(%dma_start3A_73 : memref<640x64xf32, #tpu.memory_space<hbm>>) target_semaphore(%run_scoped3A_62 : memref<!tpu.dma_semaphore, #tpu.memory_space<semaphore_mem>>)
      %dma_wait3A = arith.constant 0 : i32
      %dma_wait3A_76 = arith.constant 0 : i32
      %dma_wait3A_77 = arith.constant 0 : i32
      %dma_wait3A_78 = tpu.memref_slice %arg9[%run_scoped3A, %dma_wait3A, %dma_wait3A_76, %dma_wait3A_77] : memref<2x2x10240x64xf32, #tpu.memory_space<hbm>> -> memref<1x2x10240x64xf32, #tpu.memory_space<hbm>>
      %dma_wait3A_79 = tpu.memref_squeeze %dma_wait3A_78 : memref<1x2x10240x64xf32, #tpu.memory_space<hbm>> -> memref<2x10240x64xf32, #tpu.memory_space<hbm>>
      %dma_wait3A_80 = arith.constant 0 : i32
      %dma_wait3A_81 = arith.constant 0 : i32
      %dma_wait3A_82 = tpu.memref_slice %dma_wait3A_79[%arg0, %dma_wait3A_80, %dma_wait3A_81] : memref<2x10240x64xf32, #tpu.memory_space<hbm>> -> memref<1x10240x64xf32, #tpu.memory_space<hbm>>
      %dma_wait3A_83 = tpu.memref_squeeze %dma_wait3A_82 : memref<1x10240x64xf32, #tpu.memory_space<hbm>> -> memref<10240x64xf32, #tpu.memory_space<hbm>>
      %dma_wait3A_84 = arith.constant 0 : i32
      %dma_wait3A_85 = tpu.memref_slice %dma_wait3A_83[%mul3A_2, %dma_wait3A_84] : memref<10240x64xf32, #tpu.memory_space<hbm>> -> memref<640x64xf32, #tpu.memory_space<hbm>>
      %dma_wait3A_86 = arith.constant 0 : i32
      %dma_wait3A_87 = tpu.memref_slice %arg14[%mul3A_2, %dma_wait3A_86] : memref<10240x64xf32, #tpu.memory_space<vmem_shared>> -> memref<640x64xf32, #tpu.memory_space<vmem_shared>>
      tpu.wait_dma2 semaphore(%run_scoped3A_62 : memref<!tpu.dma_semaphore, #tpu.memory_space<semaphore_mem>>) src(%dma_wait3A_87 : memref<640x64xf32, #tpu.memory_space<vmem_shared>>) dst(%dma_wait3A_85 : memref<640x64xf32, #tpu.memory_space<hbm>>)
      tpu.yield
    }) : () -> ()
    %eq3A_25 = arith.constant 0 : i32
    %eq3A_26 = arith.cmpi eq, %arg0, %eq3A_25 : i32
    %convert_element_type3A_27 = arith.extui %eq3A_26 : i1 to i32
    %cond3A_28 = arith.constant 0 : i32
    %cond3A_29 = arith.cmpi ne, %convert_element_type3A_27, %cond3A_28 : i32
    scf.if %cond3A_29 {
      "tpu.region"() ({
        %run_scoped3A_62 = tpu.sem_alloc : memref<!tpu.dma_semaphore, #tpu.memory_space<semaphore_mem>>
        %dma_start3A_63 = arith.constant 0 : i32
        %dma_start3A_64 = tpu.memref_slice %arg14[%mul3A_2, %dma_start3A_63] : memref<10240x64xf32, #tpu.memory_space<vmem_shared>> -> memref<640x64xf32, #tpu.memory_space<vmem_shared>>
        %dma_start3A_65 = arith.constant 0 : i32
        %dma_start3A_66 = tpu.memref_slice %arg5[%mul3A_2, %dma_start3A_65] : memref<10240x64xf32, #tpu.memory_space<hbm>> -> memref<640x64xf32, #tpu.memory_space<hbm>>
        tpu.enqueue_dma source(%dma_start3A_66 : memref<640x64xf32, #tpu.memory_space<hbm>>) target(%dma_start3A_64 : memref<640x64xf32, #tpu.memory_space<vmem_shared>>) target_semaphore(%run_scoped3A_62 : memref<!tpu.dma_semaphore, #tpu.memory_space<semaphore_mem>>)
        %dma_wait3A = arith.constant 0 : i32
        %dma_wait3A_67 = tpu.memref_slice %arg14[%mul3A_2, %dma_wait3A] : memref<10240x64xf32, #tpu.memory_space<vmem_shared>> -> memref<640x64xf32, #tpu.memory_space<vmem_shared>>
        %dma_wait3A_68 = arith.constant 0 : i32
        %dma_wait3A_69 = tpu.memref_slice %arg5[%mul3A_2, %dma_wait3A_68] : memref<10240x64xf32, #tpu.memory_space<hbm>> -> memref<640x64xf32, #tpu.memory_space<hbm>>
        tpu.wait_dma2 semaphore(%run_scoped3A_62 : memref<!tpu.dma_semaphore, #tpu.memory_space<semaphore_mem>>) src(%dma_wait3A_69 : memref<640x64xf32, #tpu.memory_space<hbm>>) dst(%dma_wait3A_67 : memref<640x64xf32, #tpu.memory_space<vmem_shared>>)
        tpu.yield
      }) : () -> ()
    } else {
    }
    %ne3A_30 = arith.constant 0 : i32
    %ne3A_31 = arith.cmpi ne, %arg0, %ne3A_30 : i32
    %convert_element_type3A_32 = arith.extui %ne3A_31 : i1 to i32
    %cond3A_33 = arith.constant 0 : i32
    %cond3A_34 = arith.cmpi ne, %convert_element_type3A_32, %cond3A_33 : i32
    scf.if %cond3A_34 {
      "tpu.region"() ({
        %run_scoped3A_62 = tpu.sem_alloc : memref<!tpu.dma_semaphore, #tpu.memory_space<semaphore_mem>>
        %dma_start3A_63 = arith.constant 0 : i32
        %dma_start3A_64 = tpu.memref_slice %arg14[%mul3A_2, %dma_start3A_63] : memref<10240x64xf32, #tpu.memory_space<vmem_shared>> -> memref<640x64xf32, #tpu.memory_space<vmem_shared>>
        %dma_start3A_65 = arith.constant 0 : i32
        %dma_start3A_66 = tpu.memref_slice %arg6[%mul3A_2, %dma_start3A_65] : memref<10240x64xf32, #tpu.memory_space<hbm>> -> memref<640x64xf32, #tpu.memory_space<hbm>>
        tpu.enqueue_dma source(%dma_start3A_66 : memref<640x64xf32, #tpu.memory_space<hbm>>) target(%dma_start3A_64 : memref<640x64xf32, #tpu.memory_space<vmem_shared>>) target_semaphore(%run_scoped3A_62 : memref<!tpu.dma_semaphore, #tpu.memory_space<semaphore_mem>>)
        %dma_wait3A = arith.constant 0 : i32
        %dma_wait3A_67 = tpu.memref_slice %arg14[%mul3A_2, %dma_wait3A] : memref<10240x64xf32, #tpu.memory_space<vmem_shared>> -> memref<640x64xf32, #tpu.memory_space<vmem_shared>>
        %dma_wait3A_68 = arith.constant 0 : i32
        %dma_wait3A_69 = tpu.memref_slice %arg6[%mul3A_2, %dma_wait3A_68] : memref<10240x64xf32, #tpu.memory_space<hbm>> -> memref<640x64xf32, #tpu.memory_space<hbm>>
        tpu.wait_dma2 semaphore(%run_scoped3A_62 : memref<!tpu.dma_semaphore, #tpu.memory_space<semaphore_mem>>) src(%dma_wait3A_69 : memref<640x64xf32, #tpu.memory_space<hbm>>) dst(%dma_wait3A_67 : memref<640x64xf32, #tpu.memory_space<vmem_shared>>)
        tpu.yield
      }) : () -> ()
    } else {
    }
    %barrier3A_35 = arith.constant 0 : index
    tpu.barrier barrier_id(%barrier3A_35)
    %dma_start3A_36 = arith.constant 0 : i32
    %dma_start3A_37 = arith.constant 0 : i32
    %dma_start3A_38 = arith.constant 0 : i32
    %dma_start3A_39 = arith.constant 0 : i32
    %dma_start3A_40 = tpu.memref_slice %arg13[%dma_start3A_37, %dma_start3A_38, %dma_start3A_39] : memref<2x128x64xf32, #tpu.memory_space<vmem>> -> memref<1x128x64xf32, #tpu.memory_space<vmem>>
    %dma_start3A_41 = tpu.memref_squeeze %dma_start3A_40 : memref<1x128x64xf32, #tpu.memory_space<vmem>> -> memref<128x64xf32, #tpu.memory_space<vmem>>
    %dma_start3A_42 = arith.constant 0 : i32
    %dma_start3A_43 = tpu.memref_slice %arg11[%dma_start3A_36, %dma_start3A_42] : memref<79x128xi32, #tpu.memory_space<vmem>> -> memref<1x128xi32, #tpu.memory_space<vmem>>
    %dma_start3A_44 = tpu.memref_squeeze %dma_start3A_43 : memref<1x128xi32, #tpu.memory_space<vmem>> -> memref<128xi32, #tpu.memory_space<vmem>>
    %dma_start3A_45 = arith.constant 0 : i32
    %dma_start3A_46 = arith.constant 0 : i32
    %dma_start3A_47 = tpu.memref_slice %arg5[%dma_start3A_45, %dma_start3A_46] : memref<10240x64xf32, #tpu.memory_space<hbm>> -> memref<10240x64xf32, #tpu.memory_space<hbm>>
    tpu.enqueue_indirect_dma source(%dma_start3A_47 : memref<10240x64xf32, #tpu.memory_space<hbm>>) target(%dma_start3A_41 : memref<128x64xf32, #tpu.memory_space<vmem>>) offsets(%dma_start3A_44 : memref<128xi32, #tpu.memory_space<vmem>>) semaphore(%arg15 : memref<!tpu.dma_semaphore, #tpu.memory_space<semaphore_mem>>)
    %scan3A_48 = arith.constant 0 : i32
    %scan3A_49 = arith.constant 79 : i32
    %scan3A_50 = arith.addi %scan3A_48, %scan3A_49 : i32
    %scan3A_51 = arith.constant 1 : i32
    scf.for %scan3A_62 = %scan3A_48 to %scan3A_50 step %scan3A_51  : i32 {
      %mul3A_63 = arith.constant 1 : i32
      %mul3A_64 = arith.muli %scan3A_62, %mul3A_63 : i32
      %add3A_65 = arith.constant 0 : i32
      %add3A_66 = arith.addi %add3A_65, %mul3A_64 : i32
      %rem3A = arith.constant 2 : i32
      %rem3A_67 = arith.remsi %add3A_66, %rem3A : i32
      %dma_wait3A = arith.constant 0 : i32
      %dma_wait3A_68 = arith.constant 0 : i32
      %dma_wait3A_69 = tpu.memref_slice %arg13[%rem3A_67, %dma_wait3A, %dma_wait3A_68] : memref<2x128x64xf32, #tpu.memory_space<vmem>> -> memref<1x128x64xf32, #tpu.memory_space<vmem>>
      %dma_wait3A_70 = tpu.memref_squeeze %dma_wait3A_69 : memref<1x128x64xf32, #tpu.memory_space<vmem>> -> memref<128x64xf32, #tpu.memory_space<vmem>>
      %dma_wait3A_71 = arith.constant 0 : i32
      %dma_wait3A_72 = tpu.memref_slice %arg11[%add3A_66, %dma_wait3A_71] : memref<79x128xi32, #tpu.memory_space<vmem>> -> memref<1x128xi32, #tpu.memory_space<vmem>>
      %dma_wait3A_73 = tpu.memref_squeeze %dma_wait3A_72 : memref<1x128xi32, #tpu.memory_space<vmem>> -> memref<128xi32, #tpu.memory_space<vmem>>
      %dma_wait3A_74 = arith.constant 0 : i32
      %dma_wait3A_75 = arith.constant 0 : i32
      %dma_wait3A_76 = tpu.memref_slice %arg5[%dma_wait3A_74, %dma_wait3A_75] : memref<10240x64xf32, #tpu.memory_space<hbm>> -> memref<10240x64xf32, #tpu.memory_space<hbm>>
      tpu.wait_indirect_dma semaphore(%arg15 : memref<!tpu.dma_semaphore, #tpu.memory_space<semaphore_mem>>) src(%dma_wait3A_76 : memref<10240x64xf32, #tpu.memory_space<hbm>>) dst(%dma_wait3A_70 : memref<128x64xf32, #tpu.memory_space<vmem>>)
      %add3A_77 = arith.constant 1 : i32
      %add3A_78 = arith.addi %add3A_66, %add3A_77 : i32
      %lt3A = arith.constant 79 : i32
      %lt3A_79 = arith.cmpi slt, %add3A_78, %lt3A : i32
      %convert_element_type3A_80 = arith.extui %lt3A_79 : i1 to i32
      %cond3A_81 = arith.constant 0 : i32
      %cond3A_82 = arith.cmpi ne, %convert_element_type3A_80, %cond3A_81 : i32
      scf.if %cond3A_82 {
        %add3A_83 = arith.constant 1 : i32
        %add3A_84 = arith.addi %add3A_66, %add3A_83 : i32
        %sub3A = arith.constant 1 : i32
        %sub3A_85 = arith.subi %sub3A, %rem3A_67 : i32
        %dma_start3A_86 = arith.constant 0 : i32
        %dma_start3A_87 = arith.constant 0 : i32
        %dma_start3A_88 = tpu.memref_slice %arg13[%sub3A_85, %dma_start3A_86, %dma_start3A_87] : memref<2x128x64xf32, #tpu.memory_space<vmem>> -> memref<1x128x64xf32, #tpu.memory_space<vmem>>
        %dma_start3A_89 = tpu.memref_squeeze %dma_start3A_88 : memref<1x128x64xf32, #tpu.memory_space<vmem>> -> memref<128x64xf32, #tpu.memory_space<vmem>>
        %dma_start3A_90 = arith.constant 0 : i32
        %dma_start3A_91 = tpu.memref_slice %arg11[%add3A_84, %dma_start3A_90] : memref<79x128xi32, #tpu.memory_space<vmem>> -> memref<1x128xi32, #tpu.memory_space<vmem>>
        %dma_start3A_92 = tpu.memref_squeeze %dma_start3A_91 : memref<1x128xi32, #tpu.memory_space<vmem>> -> memref<128xi32, #tpu.memory_space<vmem>>
        %dma_start3A_93 = arith.constant 0 : i32
        %dma_start3A_94 = arith.constant 0 : i32
        %dma_start3A_95 = tpu.memref_slice %arg5[%dma_start3A_93, %dma_start3A_94] : memref<10240x64xf32, #tpu.memory_space<hbm>> -> memref<10240x64xf32, #tpu.memory_space<hbm>>
        tpu.enqueue_indirect_dma source(%dma_start3A_95 : memref<10240x64xf32, #tpu.memory_space<hbm>>) target(%dma_start3A_89 : memref<128x64xf32, #tpu.memory_space<vmem>>) offsets(%dma_start3A_92 : memref<128xi32, #tpu.memory_space<vmem>>) semaphore(%arg15 : memref<!tpu.dma_semaphore, #tpu.memory_space<semaphore_mem>>)
      } else {
      }
      "tpu.region"() ({
        %run_scoped3A_83 = tpu.sem_alloc : memref<!tpu.dma_semaphore, #tpu.memory_space<semaphore_mem>>
        %dma_start3A_84 = arith.constant 0 : i32
        %dma_start3A_85 = arith.constant 0 : i32
        %dma_start3A_86 = tpu.memref_slice %arg13[%rem3A_67, %dma_start3A_84, %dma_start3A_85] : memref<2x128x64xf32, #tpu.memory_space<vmem>> -> memref<1x128x64xf32, #tpu.memory_space<vmem>>
        %dma_start3A_87 = tpu.memref_squeeze %dma_start3A_86 : memref<1x128x64xf32, #tpu.memory_space<vmem>> -> memref<128x64xf32, #tpu.memory_space<vmem>>
        %dma_start3A_88 = arith.constant 0 : i32
        %dma_start3A_89 = tpu.memref_slice %arg12[%add3A_66, %dma_start3A_88] : memref<79x128xi32, #tpu.memory_space<vmem>> -> memref<1x128xi32, #tpu.memory_space<vmem>>
        %dma_start3A_90 = tpu.memref_squeeze %dma_start3A_89 : memref<1x128xi32, #tpu.memory_space<vmem>> -> memref<128xi32, #tpu.memory_space<vmem>>
        %dma_start3A_91 = arith.constant 0 : i32
        %dma_start3A_92 = arith.constant 0 : i32
        %dma_start3A_93 = tpu.memref_slice %arg14[%dma_start3A_91, %dma_start3A_92] : memref<10240x64xf32, #tpu.memory_space<vmem_shared>> -> memref<10240x64xf32, #tpu.memory_space<vmem_shared>>
        tpu.enqueue_indirect_dma source(%dma_start3A_87 : memref<128x64xf32, #tpu.memory_space<vmem>>) target(%dma_start3A_93 : memref<10240x64xf32, #tpu.memory_space<vmem_shared>>) offsets(%dma_start3A_90 : memref<128xi32, #tpu.memory_space<vmem>>) semaphore(%run_scoped3A_83 : memref<!tpu.dma_semaphore, #tpu.memory_space<semaphore_mem>>) {add = true}
        %dma_wait3A_94 = arith.constant 0 : i32
        %dma_wait3A_95 = arith.constant 0 : i32
        %dma_wait3A_96 = tpu.memref_slice %arg13[%rem3A_67, %dma_wait3A_94, %dma_wait3A_95] : memref<2x128x64xf32, #tpu.memory_space<vmem>> -> memref<1x128x64xf32, #tpu.memory_space<vmem>>
        %dma_wait3A_97 = tpu.memref_squeeze %dma_wait3A_96 : memref<1x128x64xf32, #tpu.memory_space<vmem>> -> memref<128x64xf32, #tpu.memory_space<vmem>>
        %dma_wait3A_98 = arith.constant 0 : i32
        %dma_wait3A_99 = tpu.memref_slice %arg12[%add3A_66, %dma_wait3A_98] : memref<79x128xi32, #tpu.memory_space<vmem>> -> memref<1x128xi32, #tpu.memory_space<vmem>>
        %dma_wait3A_100 = tpu.memref_squeeze %dma_wait3A_99 : memref<1x128xi32, #tpu.memory_space<vmem>> -> memref<128xi32, #tpu.memory_space<vmem>>
        %dma_wait3A_101 = arith.constant 0 : i32
        %dma_wait3A_102 = arith.constant 0 : i32
        %dma_wait3A_103 = tpu.memref_slice %arg14[%dma_wait3A_101, %dma_wait3A_102] : memref<10240x64xf32, #tpu.memory_space<vmem_shared>> -> memref<10240x64xf32, #tpu.memory_space<vmem_shared>>
        tpu.wait_indirect_dma semaphore(%run_scoped3A_83 : memref<!tpu.dma_semaphore, #tpu.memory_space<semaphore_mem>>) src(%dma_wait3A_97 : memref<128x64xf32, #tpu.memory_space<vmem>>) dst(%dma_wait3A_103 : memref<10240x64xf32, #tpu.memory_space<vmem_shared>>)
        tpu.yield
      }) : () -> ()
    }
    %scan3A_52 = arith.constant 79 : i32
    %barrier3A_53 = arith.constant 0 : index
    tpu.barrier barrier_id(%barrier3A_53)
    %run_scoped3A_54 = arith.constant 1 : i32
    "tpu.region"() ({
      %run_scoped3A_62 = tpu.sem_alloc : memref<!tpu.dma_semaphore, #tpu.memory_space<semaphore_mem>>
      %dma_start3A_63 = arith.constant 0 : i32
      %dma_start3A_64 = arith.constant 0 : i32
      %dma_start3A_65 = arith.constant 0 : i32
      %dma_start3A_66 = tpu.memref_slice %arg9[%run_scoped3A_54, %dma_start3A_63, %dma_start3A_64, %dma_start3A_65] : memref<2x2x10240x64xf32, #tpu.memory_space<hbm>> -> memref<1x2x10240x64xf32, #tpu.memory_space<hbm>>
      %dma_start3A_67 = tpu.memref_squeeze %dma_start3A_66 : memref<1x2x10240x64xf32, #tpu.memory_space<hbm>> -> memref<2x10240x64xf32, #tpu.memory_space<hbm>>
      %dma_start3A_68 = arith.constant 0 : i32
      %dma_start3A_69 = arith.constant 0 : i32
      %dma_start3A_70 = tpu.memref_slice %dma_start3A_67[%arg0, %dma_start3A_68, %dma_start3A_69] : memref<2x10240x64xf32, #tpu.memory_space<hbm>> -> memref<1x10240x64xf32, #tpu.memory_space<hbm>>
      %dma_start3A_71 = tpu.memref_squeeze %dma_start3A_70 : memref<1x10240x64xf32, #tpu.memory_space<hbm>> -> memref<10240x64xf32, #tpu.memory_space<hbm>>
      %dma_start3A_72 = arith.constant 0 : i32
      %dma_start3A_73 = tpu.memref_slice %dma_start3A_71[%mul3A_2, %dma_start3A_72] : memref<10240x64xf32, #tpu.memory_space<hbm>> -> memref<640x64xf32, #tpu.memory_space<hbm>>
      %dma_start3A_74 = arith.constant 0 : i32
      %dma_start3A_75 = tpu.memref_slice %arg14[%mul3A_2, %dma_start3A_74] : memref<10240x64xf32, #tpu.memory_space<vmem_shared>> -> memref<640x64xf32, #tpu.memory_space<vmem_shared>>
      tpu.enqueue_dma source(%dma_start3A_75 : memref<640x64xf32, #tpu.memory_space<vmem_shared>>) target(%dma_start3A_73 : memref<640x64xf32, #tpu.memory_space<hbm>>) target_semaphore(%run_scoped3A_62 : memref<!tpu.dma_semaphore, #tpu.memory_space<semaphore_mem>>)
      %dma_wait3A = arith.constant 0 : i32
      %dma_wait3A_76 = arith.constant 0 : i32
      %dma_wait3A_77 = arith.constant 0 : i32
      %dma_wait3A_78 = tpu.memref_slice %arg9[%run_scoped3A_54, %dma_wait3A, %dma_wait3A_76, %dma_wait3A_77] : memref<2x2x10240x64xf32, #tpu.memory_space<hbm>> -> memref<1x2x10240x64xf32, #tpu.memory_space<hbm>>
      %dma_wait3A_79 = tpu.memref_squeeze %dma_wait3A_78 : memref<1x2x10240x64xf32, #tpu.memory_space<hbm>> -> memref<2x10240x64xf32, #tpu.memory_space<hbm>>
      %dma_wait3A_80 = arith.constant 0 : i32
      %dma_wait3A_81 = arith.constant 0 : i32
      %dma_wait3A_82 = tpu.memref_slice %dma_wait3A_79[%arg0, %dma_wait3A_80, %dma_wait3A_81] : memref<2x10240x64xf32, #tpu.memory_space<hbm>> -> memref<1x10240x64xf32, #tpu.memory_space<hbm>>
      %dma_wait3A_83 = tpu.memref_squeeze %dma_wait3A_82 : memref<1x10240x64xf32, #tpu.memory_space<hbm>> -> memref<10240x64xf32, #tpu.memory_space<hbm>>
      %dma_wait3A_84 = arith.constant 0 : i32
      %dma_wait3A_85 = tpu.memref_slice %dma_wait3A_83[%mul3A_2, %dma_wait3A_84] : memref<10240x64xf32, #tpu.memory_space<hbm>> -> memref<640x64xf32, #tpu.memory_space<hbm>>
      %dma_wait3A_86 = arith.constant 0 : i32
      %dma_wait3A_87 = tpu.memref_slice %arg14[%mul3A_2, %dma_wait3A_86] : memref<10240x64xf32, #tpu.memory_space<vmem_shared>> -> memref<640x64xf32, #tpu.memory_space<vmem_shared>>
      tpu.wait_dma2 semaphore(%run_scoped3A_62 : memref<!tpu.dma_semaphore, #tpu.memory_space<semaphore_mem>>) src(%dma_wait3A_87 : memref<640x64xf32, #tpu.memory_space<vmem_shared>>) dst(%dma_wait3A_85 : memref<640x64xf32, #tpu.memory_space<hbm>>)
      tpu.yield
    }) : () -> ()
    "tpu.region"() ({
      %run_scoped3A_62 = tpu.sem_alloc : memref<!tpu.dma_semaphore, #tpu.memory_space<semaphore_mem>>
      %dma_start3A_63 = arith.constant 0 : i32
      %dma_start3A_64 = tpu.memref_slice %arg17[%mul3A_2, %dma_start3A_63] : memref<10240x16xf32, #tpu.memory_space<vmem_shared>> -> memref<640x16xf32, #tpu.memory_space<vmem_shared>>
      %dma_start3A_65 = arith.constant 0 : i32
      %dma_start3A_66 = arith.constant 0 : i32
      %dma_start3A_67 = tpu.memref_slice %arg7[%arg0, %dma_start3A_65, %dma_start3A_66] : memref<2x10240x16xf32, #tpu.memory_space<hbm>> -> memref<1x10240x16xf32, #tpu.memory_space<hbm>>
      %dma_start3A_68 = tpu.memref_squeeze %dma_start3A_67 : memref<1x10240x16xf32, #tpu.memory_space<hbm>> -> memref<10240x16xf32, #tpu.memory_space<hbm>>
      %dma_start3A_69 = arith.constant 0 : i32
      %dma_start3A_70 = tpu.memref_slice %dma_start3A_68[%mul3A_2, %dma_start3A_69] : memref<10240x16xf32, #tpu.memory_space<hbm>> -> memref<640x16xf32, #tpu.memory_space<hbm>>
      tpu.enqueue_dma source(%dma_start3A_70 : memref<640x16xf32, #tpu.memory_space<hbm>>) target(%dma_start3A_64 : memref<640x16xf32, #tpu.memory_space<vmem_shared>>) target_semaphore(%run_scoped3A_62 : memref<!tpu.dma_semaphore, #tpu.memory_space<semaphore_mem>>)
      %dma_wait3A = arith.constant 0 : i32
      %dma_wait3A_71 = tpu.memref_slice %arg17[%mul3A_2, %dma_wait3A] : memref<10240x16xf32, #tpu.memory_space<vmem_shared>> -> memref<640x16xf32, #tpu.memory_space<vmem_shared>>
      %dma_wait3A_72 = arith.constant 0 : i32
      %dma_wait3A_73 = arith.constant 0 : i32
      %dma_wait3A_74 = tpu.memref_slice %arg7[%arg0, %dma_wait3A_72, %dma_wait3A_73] : memref<2x10240x16xf32, #tpu.memory_space<hbm>> -> memref<1x10240x16xf32, #tpu.memory_space<hbm>>
      %dma_wait3A_75 = tpu.memref_squeeze %dma_wait3A_74 : memref<1x10240x16xf32, #tpu.memory_space<hbm>> -> memref<10240x16xf32, #tpu.memory_space<hbm>>
      %dma_wait3A_76 = arith.constant 0 : i32
      %dma_wait3A_77 = tpu.memref_slice %dma_wait3A_75[%mul3A_2, %dma_wait3A_76] : memref<10240x16xf32, #tpu.memory_space<hbm>> -> memref<640x16xf32, #tpu.memory_space<hbm>>
      tpu.wait_dma2 semaphore(%run_scoped3A_62 : memref<!tpu.dma_semaphore, #tpu.memory_space<semaphore_mem>>) src(%dma_wait3A_77 : memref<640x16xf32, #tpu.memory_space<hbm>>) dst(%dma_wait3A_71 : memref<640x16xf32, #tpu.memory_space<vmem_shared>>)
      tpu.yield
    }) : () -> ()
    "tpu.region"() ({
      %run_scoped3A_62 = tpu.sem_alloc : memref<!tpu.dma_semaphore, #tpu.memory_space<semaphore_mem>>
      tpu.enqueue_dma source(%arg8 : memref<128x16xf32, #tpu.memory_space<hbm>>) target(%arg16 : memref<128x16xf32, #tpu.memory_space<vmem>>) target_semaphore(%run_scoped3A_62 : memref<!tpu.dma_semaphore, #tpu.memory_space<semaphore_mem>>)
      tpu.wait_dma2 semaphore(%run_scoped3A_62 : memref<!tpu.dma_semaphore, #tpu.memory_space<semaphore_mem>>) src(%arg8 : memref<128x16xf32, #tpu.memory_space<hbm>>) dst(%arg16 : memref<128x16xf32, #tpu.memory_space<vmem>>)
      tpu.yield
    }) : () -> ()
    %barrier3A_55 = arith.constant 0 : index
    tpu.barrier barrier_id(%barrier3A_55)
    %scan3A_56 = arith.constant 0 : i32
    %scan3A_57 = arith.constant 79 : i32
    %scan3A_58 = arith.addi %scan3A_56, %scan3A_57 : i32
    %scan3A_59 = arith.constant 1 : i32
    scf.for %scan3A_62 = %scan3A_56 to %scan3A_58 step %scan3A_59  : i32 {
      %mul3A_63 = arith.constant 1 : i32
      %mul3A_64 = arith.muli %scan3A_62, %mul3A_63 : i32
      %add3A_65 = arith.constant 0 : i32
      %add3A_66 = arith.addi %add3A_65, %mul3A_64 : i32
      "tpu.region"() ({
        %run_scoped3A_67 = tpu.sem_alloc : memref<!tpu.dma_semaphore, #tpu.memory_space<semaphore_mem>>
        %dma_start3A_68 = arith.constant 0 : i32
        %dma_start3A_69 = tpu.memref_slice %arg12[%add3A_66, %dma_start3A_68] : memref<79x128xi32, #tpu.memory_space<vmem>> -> memref<1x128xi32, #tpu.memory_space<vmem>>
        %dma_start3A_70 = tpu.memref_squeeze %dma_start3A_69 : memref<1x128xi32, #tpu.memory_space<vmem>> -> memref<128xi32, #tpu.memory_space<vmem>>
        %dma_start3A_71 = arith.constant 0 : i32
        %dma_start3A_72 = arith.constant 0 : i32
        %dma_start3A_73 = tpu.memref_slice %arg17[%dma_start3A_71, %dma_start3A_72] : memref<10240x16xf32, #tpu.memory_space<vmem_shared>> -> memref<10240x16xf32, #tpu.memory_space<vmem_shared>>
        tpu.enqueue_indirect_dma source(%arg16 : memref<128x16xf32, #tpu.memory_space<vmem>>) target(%dma_start3A_73 : memref<10240x16xf32, #tpu.memory_space<vmem_shared>>) offsets(%dma_start3A_70 : memref<128xi32, #tpu.memory_space<vmem>>) semaphore(%run_scoped3A_67 : memref<!tpu.dma_semaphore, #tpu.memory_space<semaphore_mem>>) {add = true}
        %dma_wait3A = arith.constant 0 : i32
        %dma_wait3A_74 = tpu.memref_slice %arg12[%add3A_66, %dma_wait3A] : memref<79x128xi32, #tpu.memory_space<vmem>> -> memref<1x128xi32, #tpu.memory_space<vmem>>
        %dma_wait3A_75 = tpu.memref_squeeze %dma_wait3A_74 : memref<1x128xi32, #tpu.memory_space<vmem>> -> memref<128xi32, #tpu.memory_space<vmem>>
        %dma_wait3A_76 = arith.constant 0 : i32
        %dma_wait3A_77 = arith.constant 0 : i32
        %dma_wait3A_78 = tpu.memref_slice %arg17[%dma_wait3A_76, %dma_wait3A_77] : memref<10240x16xf32, #tpu.memory_space<vmem_shared>> -> memref<10240x16xf32, #tpu.memory_space<vmem_shared>>
        tpu.wait_indirect_dma semaphore(%run_scoped3A_67 : memref<!tpu.dma_semaphore, #tpu.memory_space<semaphore_mem>>) src(%arg16 : memref<128x16xf32, #tpu.memory_space<vmem>>) dst(%dma_wait3A_78 : memref<10240x16xf32, #tpu.memory_space<vmem_shared>>)
        tpu.yield
      }) : () -> ()
    }
    %scan3A_60 = arith.constant 79 : i32
    %barrier3A_61 = arith.constant 0 : index
    tpu.barrier barrier_id(%barrier3A_61)
    "tpu.region"() ({
      %run_scoped3A_62 = tpu.sem_alloc : memref<!tpu.dma_semaphore, #tpu.memory_space<semaphore_mem>>
      %dma_start3A_63 = arith.constant 0 : i32
      %dma_start3A_64 = arith.constant 0 : i32
      %dma_start3A_65 = tpu.memref_slice %arg10[%arg0, %dma_start3A_63, %dma_start3A_64] : memref<2x10240x16xf32, #tpu.memory_space<hbm>> -> memref<1x10240x16xf32, #tpu.memory_space<hbm>>
      %dma_start3A_66 = tpu.memref_squeeze %dma_start3A_65 : memref<1x10240x16xf32, #tpu.memory_space<hbm>> -> memref<10240x16xf32, #tpu.memory_space<hbm>>
      %dma_start3A_67 = arith.constant 0 : i32
      %dma_start3A_68 = tpu.memref_slice %dma_start3A_66[%mul3A_2, %dma_start3A_67] : memref<10240x16xf32, #tpu.memory_space<hbm>> -> memref<640x16xf32, #tpu.memory_space<hbm>>
      %dma_start3A_69 = arith.constant 0 : i32
      %dma_start3A_70 = tpu.memref_slice %arg17[%mul3A_2, %dma_start3A_69] : memref<10240x16xf32, #tpu.memory_space<vmem_shared>> -> memref<640x16xf32, #tpu.memory_space<vmem_shared>>
      tpu.enqueue_dma source(%dma_start3A_70 : memref<640x16xf32, #tpu.memory_space<vmem_shared>>) target(%dma_start3A_68 : memref<640x16xf32, #tpu.memory_space<hbm>>) target_semaphore(%run_scoped3A_62 : memref<!tpu.dma_semaphore, #tpu.memory_space<semaphore_mem>>)
      %dma_wait3A = arith.constant 0 : i32
      %dma_wait3A_71 = arith.constant 0 : i32
      %dma_wait3A_72 = tpu.memref_slice %arg10[%arg0, %dma_wait3A, %dma_wait3A_71] : memref<2x10240x16xf32, #tpu.memory_space<hbm>> -> memref<1x10240x16xf32, #tpu.memory_space<hbm>>
      %dma_wait3A_73 = tpu.memref_squeeze %dma_wait3A_72 : memref<1x10240x16xf32, #tpu.memory_space<hbm>> -> memref<10240x16xf32, #tpu.memory_space<hbm>>
      %dma_wait3A_74 = arith.constant 0 : i32
      %dma_wait3A_75 = tpu.memref_slice %dma_wait3A_73[%mul3A_2, %dma_wait3A_74] : memref<10240x16xf32, #tpu.memory_space<hbm>> -> memref<640x16xf32, #tpu.memory_space<hbm>>
      %dma_wait3A_76 = arith.constant 0 : i32
      %dma_wait3A_77 = tpu.memref_slice %arg17[%mul3A_2, %dma_wait3A_76] : memref<10240x16xf32, #tpu.memory_space<vmem_shared>> -> memref<640x16xf32, #tpu.memory_space<vmem_shared>>
      tpu.wait_dma2 semaphore(%run_scoped3A_62 : memref<!tpu.dma_semaphore, #tpu.memory_space<semaphore_mem>>) src(%dma_wait3A_77 : memref<640x16xf32, #tpu.memory_space<vmem_shared>>) dst(%dma_wait3A_75 : memref<640x16xf32, #tpu.memory_space<hbm>>)
      tpu.yield
    }) : () -> ()
    return
  }
}

#map = affine_map<(d0, d1) -> (0, 0, 0)>
#map1 = affine_map<(d0, d1) -> (0, 0)>
#map2 = affine_map<(d0, d1) -> (0, 0, 0, 0)>
module attributes {stable_mosaic.version = 14 : i64} {
  func.func @body(%arg0: i32, %arg1: i32, %arg2: memref<32x79x128xi32, #tpu.memory_space<hbm>>, %arg3: memref<32x79x128xi32, #tpu.memory_space<hbm>>, %arg4: memref<10240x64xf32, #tpu.memory_space<hbm>>, %arg5: memref<10240x64xf32, #tpu.memory_space<hbm>>, %arg6: memref<10240x64xf32, #tpu.memory_space<hbm>>, %arg7: memref<2x10240x16xf32, #tpu.memory_space<hbm>>, %arg8: memref<128x16xf32, #tpu.memory_space<hbm>>, %arg9: memref<2x2x10240x64xf32, #tpu.memory_space<hbm>>, %arg10: memref<79x128xi32, #tpu.memory_space<vmem>>, %arg11: memref<79x128xi32, #tpu.memory_space<vmem>>, %arg12: memref<2x128x64xf32, #tpu.memory_space<vmem>>, %arg13: memref<10240x64xf32, #tpu.memory_space<vmem_shared>>, %arg14: memref<!tpu.dma_semaphore, #tpu.memory_space<semaphore_mem>>) attributes {dimension_semantics = [#tpu.dimension_semantics<core_parallel>, #tpu.dimension_semantics<subcore_parallel>], iteration_bounds = array<i64: 2, 16>, scalar_prefetch = 0 : i64, scratch_operands = 5 : i64, tpu.core_type = #tpu.core_type<sc_vector_subcore>, window_params = [{transform_indices = #map}, {transform_indices = #map}, {transform_indices = #map1}, {transform_indices = #map1}, {transform_indices = #map1}, {transform_indices = #map}, {transform_indices = #map1}, {transform_indices = #map2}]} {
    %mul3A = arith.constant 16 : i32
    %mul3A_0 = arith.muli %arg0, %mul3A : i32
    %add3A = arith.addi %mul3A_0, %arg1 : i32
    %mul3A_1 = arith.constant 640 : i32
    %mul3A_2 = arith.muli %arg1, %mul3A_1 : i32
    "tpu.region"() ({
      %run_scoped3A_55 = tpu.sem_alloc : memref<!tpu.dma_semaphore, #tpu.memory_space<semaphore_mem>>
      %dma_start3A_56 = arith.constant 0 : i32
      %dma_start3A_57 = arith.constant 0 : i32
      %dma_start3A_58 = tpu.memref_slice %arg2[%add3A, %dma_start3A_56, %dma_start3A_57] : memref<32x79x128xi32, #tpu.memory_space<hbm>> -> memref<1x79x128xi32, #tpu.memory_space<hbm>>
      %dma_start3A_59 = tpu.memref_squeeze %dma_start3A_58 : memref<1x79x128xi32, #tpu.memory_space<hbm>> -> memref<79x128xi32, #tpu.memory_space<hbm>>
      %dma_start3A_60 = arith.constant 0 : i32
      %dma_start3A_61 = arith.constant 0 : i32
      %dma_start3A_62 = tpu.memref_slice %arg2[%add3A, %dma_start3A_60, %dma_start3A_61] : memref<32x79x128xi32, #tpu.memory_space<hbm>> -> memref<1x79x128xi32, #tpu.memory_space<hbm>>
      %dma_start3A_63 = tpu.memref_squeeze %dma_start3A_62 : memref<1x79x128xi32, #tpu.memory_space<hbm>> -> memref<79x128xi32, #tpu.memory_space<hbm>>
      tpu.enqueue_dma source(%dma_start3A_63 : memref<79x128xi32, #tpu.memory_space<hbm>>) target(%arg10 : memref<79x128xi32, #tpu.memory_space<vmem>>) target_semaphore(%run_scoped3A_55 : memref<!tpu.dma_semaphore, #tpu.memory_space<semaphore_mem>>)
      %dma_wait3A = arith.constant 0 : i32
      %dma_wait3A_64 = arith.constant 0 : i32
      %dma_wait3A_65 = tpu.memref_slice %arg2[%add3A, %dma_wait3A, %dma_wait3A_64] : memref<32x79x128xi32, #tpu.memory_space<hbm>> -> memref<1x79x128xi32, #tpu.memory_space<hbm>>
      %dma_wait3A_66 = tpu.memref_squeeze %dma_wait3A_65 : memref<1x79x128xi32, #tpu.memory_space<hbm>> -> memref<79x128xi32, #tpu.memory_space<hbm>>
      %dma_wait3A_67 = arith.constant 0 : i32
      %dma_wait3A_68 = arith.constant 0 : i32
      %dma_wait3A_69 = tpu.memref_slice %arg2[%add3A, %dma_wait3A_67, %dma_wait3A_68] : memref<32x79x128xi32, #tpu.memory_space<hbm>> -> memref<1x79x128xi32, #tpu.memory_space<hbm>>
      %dma_wait3A_70 = tpu.memref_squeeze %dma_wait3A_69 : memref<1x79x128xi32, #tpu.memory_space<hbm>> -> memref<79x128xi32, #tpu.memory_space<hbm>>
      tpu.wait_dma2 semaphore(%run_scoped3A_55 : memref<!tpu.dma_semaphore, #tpu.memory_space<semaphore_mem>>) src(%dma_wait3A_70 : memref<79x128xi32, #tpu.memory_space<hbm>>) dst(%arg10 : memref<79x128xi32, #tpu.memory_space<vmem>>)
      tpu.yield
    }) : () -> ()
    "tpu.region"() ({
      %run_scoped3A_55 = tpu.sem_alloc : memref<!tpu.dma_semaphore, #tpu.memory_space<semaphore_mem>>
      %dma_start3A_56 = arith.constant 0 : i32
      %dma_start3A_57 = arith.constant 0 : i32
      %dma_start3A_58 = tpu.memref_slice %arg3[%add3A, %dma_start3A_56, %dma_start3A_57] : memref<32x79x128xi32, #tpu.memory_space<hbm>> -> memref<1x79x128xi32, #tpu.memory_space<hbm>>
      %dma_start3A_59 = tpu.memref_squeeze %dma_start3A_58 : memref<1x79x128xi32, #tpu.memory_space<hbm>> -> memref<79x128xi32, #tpu.memory_space<hbm>>
      %dma_start3A_60 = arith.constant 0 : i32
      %dma_start3A_61 = arith.constant 0 : i32
      %dma_start3A_62 = tpu.memref_slice %arg3[%add3A, %dma_start3A_60, %dma_start3A_61] : memref<32x79x128xi32, #tpu.memory_space<hbm>> -> memref<1x79x128xi32, #tpu.memory_space<hbm>>
      %dma_start3A_63 = tpu.memref_squeeze %dma_start3A_62 : memref<1x79x128xi32, #tpu.memory_space<hbm>> -> memref<79x128xi32, #tpu.memory_space<hbm>>
      tpu.enqueue_dma source(%dma_start3A_63 : memref<79x128xi32, #tpu.memory_space<hbm>>) target(%arg11 : memref<79x128xi32, #tpu.memory_space<vmem>>) target_semaphore(%run_scoped3A_55 : memref<!tpu.dma_semaphore, #tpu.memory_space<semaphore_mem>>)
      %dma_wait3A = arith.constant 0 : i32
      %dma_wait3A_64 = arith.constant 0 : i32
      %dma_wait3A_65 = tpu.memref_slice %arg3[%add3A, %dma_wait3A, %dma_wait3A_64] : memref<32x79x128xi32, #tpu.memory_space<hbm>> -> memref<1x79x128xi32, #tpu.memory_space<hbm>>
      %dma_wait3A_66 = tpu.memref_squeeze %dma_wait3A_65 : memref<1x79x128xi32, #tpu.memory_space<hbm>> -> memref<79x128xi32, #tpu.memory_space<hbm>>
      %dma_wait3A_67 = arith.constant 0 : i32
      %dma_wait3A_68 = arith.constant 0 : i32
      %dma_wait3A_69 = tpu.memref_slice %arg3[%add3A, %dma_wait3A_67, %dma_wait3A_68] : memref<32x79x128xi32, #tpu.memory_space<hbm>> -> memref<1x79x128xi32, #tpu.memory_space<hbm>>
      %dma_wait3A_70 = tpu.memref_squeeze %dma_wait3A_69 : memref<1x79x128xi32, #tpu.memory_space<hbm>> -> memref<79x128xi32, #tpu.memory_space<hbm>>
      tpu.wait_dma2 semaphore(%run_scoped3A_55 : memref<!tpu.dma_semaphore, #tpu.memory_space<semaphore_mem>>) src(%dma_wait3A_70 : memref<79x128xi32, #tpu.memory_space<hbm>>) dst(%arg11 : memref<79x128xi32, #tpu.memory_space<vmem>>)
      tpu.yield
    }) : () -> ()
    %eq3A = arith.constant 0 : i32
    %eq3A_3 = arith.cmpi eq, %arg0, %eq3A : i32
    %convert_element_type3A = arith.extui %eq3A_3 : i1 to i32
    %cond3A = arith.constant 0 : i32
    %cond3A_4 = arith.cmpi ne, %convert_element_type3A, %cond3A : i32
    scf.if %cond3A_4 {
      "tpu.region"() ({
        %run_scoped3A_55 = tpu.sem_alloc : memref<!tpu.dma_semaphore, #tpu.memory_space<semaphore_mem>>
        %dma_start3A_56 = arith.constant 0 : i32
        %dma_start3A_57 = tpu.memref_slice %arg13[%mul3A_2, %dma_start3A_56] : memref<10240x64xf32, #tpu.memory_space<vmem_shared>> -> memref<640x64xf32, #tpu.memory_space<vmem_shared>>
        %dma_start3A_58 = arith.constant 0 : i32
        %dma_start3A_59 = tpu.memref_slice %arg4[%mul3A_2, %dma_start3A_58] : memref<10240x64xf32, #tpu.memory_space<hbm>> -> memref<640x64xf32, #tpu.memory_space<hbm>>
        tpu.enqueue_dma source(%dma_start3A_59 : memref<640x64xf32, #tpu.memory_space<hbm>>) target(%dma_start3A_57 : memref<640x64xf32, #tpu.memory_space<vmem_shared>>) target_semaphore(%run_scoped3A_55 : memref<!tpu.dma_semaphore, #tpu.memory_space<semaphore_mem>>)
        %dma_wait3A = arith.constant 0 : i32
        %dma_wait3A_60 = tpu.memref_slice %arg13[%mul3A_2, %dma_wait3A] : memref<10240x64xf32, #tpu.memory_space<vmem_shared>> -> memref<640x64xf32, #tpu.memory_space<vmem_shared>>
        %dma_wait3A_61 = arith.constant 0 : i32
        %dma_wait3A_62 = tpu.memref_slice %arg4[%mul3A_2, %dma_wait3A_61] : memref<10240x64xf32, #tpu.memory_space<hbm>> -> memref<640x64xf32, #tpu.memory_space<hbm>>
        tpu.wait_dma2 semaphore(%run_scoped3A_55 : memref<!tpu.dma_semaphore, #tpu.memory_space<semaphore_mem>>) src(%dma_wait3A_62 : memref<640x64xf32, #tpu.memory_space<hbm>>) dst(%dma_wait3A_60 : memref<640x64xf32, #tpu.memory_space<vmem_shared>>)
        tpu.yield
      }) : () -> ()
    } else {
    }
    %ne3A = arith.constant 0 : i32
    %ne3A_5 = arith.cmpi ne, %arg0, %ne3A : i32
    %convert_element_type3A_6 = arith.extui %ne3A_5 : i1 to i32
    %cond3A_7 = arith.constant 0 : i32
    %cond3A_8 = arith.cmpi ne, %convert_element_type3A_6, %cond3A_7 : i32
    scf.if %cond3A_8 {
      "tpu.region"() ({
        %run_scoped3A_55 = tpu.sem_alloc : memref<!tpu.dma_semaphore, #tpu.memory_space<semaphore_mem>>
        %dma_start3A_56 = arith.constant 0 : i32
        %dma_start3A_57 = tpu.memref_slice %arg13[%mul3A_2, %dma_start3A_56] : memref<10240x64xf32, #tpu.memory_space<vmem_shared>> -> memref<640x64xf32, #tpu.memory_space<vmem_shared>>
        %dma_start3A_58 = arith.constant 0 : i32
        %dma_start3A_59 = tpu.memref_slice %arg6[%mul3A_2, %dma_start3A_58] : memref<10240x64xf32, #tpu.memory_space<hbm>> -> memref<640x64xf32, #tpu.memory_space<hbm>>
        tpu.enqueue_dma source(%dma_start3A_59 : memref<640x64xf32, #tpu.memory_space<hbm>>) target(%dma_start3A_57 : memref<640x64xf32, #tpu.memory_space<vmem_shared>>) target_semaphore(%run_scoped3A_55 : memref<!tpu.dma_semaphore, #tpu.memory_space<semaphore_mem>>)
        %dma_wait3A = arith.constant 0 : i32
        %dma_wait3A_60 = tpu.memref_slice %arg13[%mul3A_2, %dma_wait3A] : memref<10240x64xf32, #tpu.memory_space<vmem_shared>> -> memref<640x64xf32, #tpu.memory_space<vmem_shared>>
        %dma_wait3A_61 = arith.constant 0 : i32
        %dma_wait3A_62 = tpu.memref_slice %arg6[%mul3A_2, %dma_wait3A_61] : memref<10240x64xf32, #tpu.memory_space<hbm>> -> memref<640x64xf32, #tpu.memory_space<hbm>>
        tpu.wait_dma2 semaphore(%run_scoped3A_55 : memref<!tpu.dma_semaphore, #tpu.memory_space<semaphore_mem>>) src(%dma_wait3A_62 : memref<640x64xf32, #tpu.memory_space<hbm>>) dst(%dma_wait3A_60 : memref<640x64xf32, #tpu.memory_space<vmem_shared>>)
        tpu.yield
      }) : () -> ()
    } else {
    }
    %barrier3A = arith.constant 0 : index
    tpu.barrier barrier_id(%barrier3A)
    %dma_start3A = arith.constant 0 : i32
    %dma_start3A_9 = arith.constant 0 : i32
    %dma_start3A_10 = arith.constant 0 : i32
    %dma_start3A_11 = arith.constant 0 : i32
    %dma_start3A_12 = tpu.memref_slice %arg12[%dma_start3A_9, %dma_start3A_10, %dma_start3A_11] : memref<2x128x64xf32, #tpu.memory_space<vmem>> -> memref<1x128x64xf32, #tpu.memory_space<vmem>>
    %dma_start3A_13 = tpu.memref_squeeze %dma_start3A_12 : memref<1x128x64xf32, #tpu.memory_space<vmem>> -> memref<128x64xf32, #tpu.memory_space<vmem>>
    %dma_start3A_14 = arith.constant 0 : i32
    %dma_start3A_15 = tpu.memref_slice %arg10[%dma_start3A, %dma_start3A_14] : memref<79x128xi32, #tpu.memory_space<vmem>> -> memref<1x128xi32, #tpu.memory_space<vmem>>
    %dma_start3A_16 = tpu.memref_squeeze %dma_start3A_15 : memref<1x128xi32, #tpu.memory_space<vmem>> -> memref<128xi32, #tpu.memory_space<vmem>>
    %dma_start3A_17 = arith.constant 0 : i32
    %dma_start3A_18 = arith.constant 0 : i32
    %dma_start3A_19 = tpu.memref_slice %arg4[%dma_start3A_17, %dma_start3A_18] : memref<10240x64xf32, #tpu.memory_space<hbm>> -> memref<10240x64xf32, #tpu.memory_space<hbm>>
    tpu.enqueue_indirect_dma source(%dma_start3A_19 : memref<10240x64xf32, #tpu.memory_space<hbm>>) target(%dma_start3A_13 : memref<128x64xf32, #tpu.memory_space<vmem>>) offsets(%dma_start3A_16 : memref<128xi32, #tpu.memory_space<vmem>>) semaphore(%arg14 : memref<!tpu.dma_semaphore, #tpu.memory_space<semaphore_mem>>)
    %scan3A = arith.constant 0 : i32
    %scan3A_20 = arith.constant 79 : i32
    %scan3A_21 = arith.addi %scan3A, %scan3A_20 : i32
    %scan3A_22 = arith.constant 1 : i32
    scf.for %scan3A_55 = %scan3A to %scan3A_21 step %scan3A_22  : i32 {
      %mul3A_56 = arith.constant 1 : i32
      %mul3A_57 = arith.muli %scan3A_55, %mul3A_56 : i32
      %add3A_58 = arith.constant 0 : i32
      %add3A_59 = arith.addi %add3A_58, %mul3A_57 : i32
      %rem3A = arith.constant 2 : i32
      %rem3A_60 = arith.remsi %add3A_59, %rem3A : i32
      %dma_wait3A = arith.constant 0 : i32
      %dma_wait3A_61 = arith.constant 0 : i32
      %dma_wait3A_62 = tpu.memref_slice %arg12[%rem3A_60, %dma_wait3A, %dma_wait3A_61] : memref<2x128x64xf32, #tpu.memory_space<vmem>> -> memref<1x128x64xf32, #tpu.memory_space<vmem>>
      %dma_wait3A_63 = tpu.memref_squeeze %dma_wait3A_62 : memref<1x128x64xf32, #tpu.memory_space<vmem>> -> memref<128x64xf32, #tpu.memory_space<vmem>>
      %dma_wait3A_64 = arith.constant 0 : i32
      %dma_wait3A_65 = tpu.memref_slice %arg10[%add3A_59, %dma_wait3A_64] : memref<79x128xi32, #tpu.memory_space<vmem>> -> memref<1x128xi32, #tpu.memory_space<vmem>>
      %dma_wait3A_66 = tpu.memref_squeeze %dma_wait3A_65 : memref<1x128xi32, #tpu.memory_space<vmem>> -> memref<128xi32, #tpu.memory_space<vmem>>
      %dma_wait3A_67 = arith.constant 0 : i32
      %dma_wait3A_68 = arith.constant 0 : i32
      %dma_wait3A_69 = tpu.memref_slice %arg4[%dma_wait3A_67, %dma_wait3A_68] : memref<10240x64xf32, #tpu.memory_space<hbm>> -> memref<10240x64xf32, #tpu.memory_space<hbm>>
      tpu.wait_indirect_dma semaphore(%arg14 : memref<!tpu.dma_semaphore, #tpu.memory_space<semaphore_mem>>) src(%dma_wait3A_69 : memref<10240x64xf32, #tpu.memory_space<hbm>>) dst(%dma_wait3A_63 : memref<128x64xf32, #tpu.memory_space<vmem>>)
      %add3A_70 = arith.constant 1 : i32
      %add3A_71 = arith.addi %add3A_59, %add3A_70 : i32
      %lt3A = arith.constant 79 : i32
      %lt3A_72 = arith.cmpi slt, %add3A_71, %lt3A : i32
      %convert_element_type3A_73 = arith.extui %lt3A_72 : i1 to i32
      %cond3A_74 = arith.constant 0 : i32
      %cond3A_75 = arith.cmpi ne, %convert_element_type3A_73, %cond3A_74 : i32
      scf.if %cond3A_75 {
        %add3A_76 = arith.constant 1 : i32
        %add3A_77 = arith.addi %add3A_59, %add3A_76 : i32
        %sub3A = arith.constant 1 : i32
        %sub3A_78 = arith.subi %sub3A, %rem3A_60 : i32
        %dma_start3A_79 = arith.constant 0 : i32
        %dma_start3A_80 = arith.constant 0 : i32
        %dma_start3A_81 = tpu.memref_slice %arg12[%sub3A_78, %dma_start3A_79, %dma_start3A_80] : memref<2x128x64xf32, #tpu.memory_space<vmem>> -> memref<1x128x64xf32, #tpu.memory_space<vmem>>
        %dma_start3A_82 = tpu.memref_squeeze %dma_start3A_81 : memref<1x128x64xf32, #tpu.memory_space<vmem>> -> memref<128x64xf32, #tpu.memory_space<vmem>>
        %dma_start3A_83 = arith.constant 0 : i32
        %dma_start3A_84 = tpu.memref_slice %arg10[%add3A_77, %dma_start3A_83] : memref<79x128xi32, #tpu.memory_space<vmem>> -> memref<1x128xi32, #tpu.memory_space<vmem>>
        %dma_start3A_85 = tpu.memref_squeeze %dma_start3A_84 : memref<1x128xi32, #tpu.memory_space<vmem>> -> memref<128xi32, #tpu.memory_space<vmem>>
        %dma_start3A_86 = arith.constant 0 : i32
        %dma_start3A_87 = arith.constant 0 : i32
        %dma_start3A_88 = tpu.memref_slice %arg4[%dma_start3A_86, %dma_start3A_87] : memref<10240x64xf32, #tpu.memory_space<hbm>> -> memref<10240x64xf32, #tpu.memory_space<hbm>>
        tpu.enqueue_indirect_dma source(%dma_start3A_88 : memref<10240x64xf32, #tpu.memory_space<hbm>>) target(%dma_start3A_82 : memref<128x64xf32, #tpu.memory_space<vmem>>) offsets(%dma_start3A_85 : memref<128xi32, #tpu.memory_space<vmem>>) semaphore(%arg14 : memref<!tpu.dma_semaphore, #tpu.memory_space<semaphore_mem>>)
      } else {
      }
      "tpu.region"() ({
        %run_scoped3A_76 = tpu.sem_alloc : memref<!tpu.dma_semaphore, #tpu.memory_space<semaphore_mem>>
        %dma_start3A_77 = arith.constant 0 : i32
        %dma_start3A_78 = arith.constant 0 : i32
        %dma_start3A_79 = tpu.memref_slice %arg12[%rem3A_60, %dma_start3A_77, %dma_start3A_78] : memref<2x128x64xf32, #tpu.memory_space<vmem>> -> memref<1x128x64xf32, #tpu.memory_space<vmem>>
        %dma_start3A_80 = tpu.memref_squeeze %dma_start3A_79 : memref<1x128x64xf32, #tpu.memory_space<vmem>> -> memref<128x64xf32, #tpu.memory_space<vmem>>
        %dma_start3A_81 = arith.constant 0 : i32
        %dma_start3A_82 = tpu.memref_slice %arg11[%add3A_59, %dma_start3A_81] : memref<79x128xi32, #tpu.memory_space<vmem>> -> memref<1x128xi32, #tpu.memory_space<vmem>>
        %dma_start3A_83 = tpu.memref_squeeze %dma_start3A_82 : memref<1x128xi32, #tpu.memory_space<vmem>> -> memref<128xi32, #tpu.memory_space<vmem>>
        %dma_start3A_84 = arith.constant 0 : i32
        %dma_start3A_85 = arith.constant 0 : i32
        %dma_start3A_86 = tpu.memref_slice %arg13[%dma_start3A_84, %dma_start3A_85] : memref<10240x64xf32, #tpu.memory_space<vmem_shared>> -> memref<10240x64xf32, #tpu.memory_space<vmem_shared>>
        tpu.enqueue_indirect_dma source(%dma_start3A_80 : memref<128x64xf32, #tpu.memory_space<vmem>>) target(%dma_start3A_86 : memref<10240x64xf32, #tpu.memory_space<vmem_shared>>) offsets(%dma_start3A_83 : memref<128xi32, #tpu.memory_space<vmem>>) semaphore(%run_scoped3A_76 : memref<!tpu.dma_semaphore, #tpu.memory_space<semaphore_mem>>) {add = true}
        %dma_wait3A_87 = arith.constant 0 : i32
        %dma_wait3A_88 = arith.constant 0 : i32
        %dma_wait3A_89 = tpu.memref_slice %arg12[%rem3A_60, %dma_wait3A_87, %dma_wait3A_88] : memref<2x128x64xf32, #tpu.memory_space<vmem>> -> memref<1x128x64xf32, #tpu.memory_space<vmem>>
        %dma_wait3A_90 = tpu.memref_squeeze %dma_wait3A_89 : memref<1x128x64xf32, #tpu.memory_space<vmem>> -> memref<128x64xf32, #tpu.memory_space<vmem>>
        %dma_wait3A_91 = arith.constant 0 : i32
        %dma_wait3A_92 = tpu.memref_slice %arg11[%add3A_59, %dma_wait3A_91] : memref<79x128xi32, #tpu.memory_space<vmem>> -> memref<1x128xi32, #tpu.memory_space<vmem>>
        %dma_wait3A_93 = tpu.memref_squeeze %dma_wait3A_92 : memref<1x128xi32, #tpu.memory_space<vmem>> -> memref<128xi32, #tpu.memory_space<vmem>>
        %dma_wait3A_94 = arith.constant 0 : i32
        %dma_wait3A_95 = arith.constant 0 : i32
        %dma_wait3A_96 = tpu.memref_slice %arg13[%dma_wait3A_94, %dma_wait3A_95] : memref<10240x64xf32, #tpu.memory_space<vmem_shared>> -> memref<10240x64xf32, #tpu.memory_space<vmem_shared>>
        tpu.wait_indirect_dma semaphore(%run_scoped3A_76 : memref<!tpu.dma_semaphore, #tpu.memory_space<semaphore_mem>>) src(%dma_wait3A_90 : memref<128x64xf32, #tpu.memory_space<vmem>>) dst(%dma_wait3A_96 : memref<10240x64xf32, #tpu.memory_space<vmem_shared>>)
        tpu.yield
      }) : () -> ()
    }
    %scan3A_23 = arith.constant 79 : i32
    %barrier3A_24 = arith.constant 0 : index
    tpu.barrier barrier_id(%barrier3A_24)
    %run_scoped3A = arith.constant 0 : i32
    "tpu.region"() ({
      %run_scoped3A_55 = tpu.sem_alloc : memref<!tpu.dma_semaphore, #tpu.memory_space<semaphore_mem>>
      %dma_start3A_56 = arith.constant 0 : i32
      %dma_start3A_57 = arith.constant 0 : i32
      %dma_start3A_58 = arith.constant 0 : i32
      %dma_start3A_59 = tpu.memref_slice %arg9[%run_scoped3A, %dma_start3A_56, %dma_start3A_57, %dma_start3A_58] : memref<2x2x10240x64xf32, #tpu.memory_space<hbm>> -> memref<1x2x10240x64xf32, #tpu.memory_space<hbm>>
      %dma_start3A_60 = tpu.memref_squeeze %dma_start3A_59 : memref<1x2x10240x64xf32, #tpu.memory_space<hbm>> -> memref<2x10240x64xf32, #tpu.memory_space<hbm>>
      %dma_start3A_61 = arith.constant 0 : i32
      %dma_start3A_62 = arith.constant 0 : i32
      %dma_start3A_63 = tpu.memref_slice %dma_start3A_60[%arg0, %dma_start3A_61, %dma_start3A_62] : memref<2x10240x64xf32, #tpu.memory_space<hbm>> -> memref<1x10240x64xf32, #tpu.memory_space<hbm>>
      %dma_start3A_64 = tpu.memref_squeeze %dma_start3A_63 : memref<1x10240x64xf32, #tpu.memory_space<hbm>> -> memref<10240x64xf32, #tpu.memory_space<hbm>>
      %dma_start3A_65 = arith.constant 0 : i32
      %dma_start3A_66 = tpu.memref_slice %dma_start3A_64[%mul3A_2, %dma_start3A_65] : memref<10240x64xf32, #tpu.memory_space<hbm>> -> memref<640x64xf32, #tpu.memory_space<hbm>>
      %dma_start3A_67 = arith.constant 0 : i32
      %dma_start3A_68 = tpu.memref_slice %arg13[%mul3A_2, %dma_start3A_67] : memref<10240x64xf32, #tpu.memory_space<vmem_shared>> -> memref<640x64xf32, #tpu.memory_space<vmem_shared>>
      tpu.enqueue_dma source(%dma_start3A_68 : memref<640x64xf32, #tpu.memory_space<vmem_shared>>) target(%dma_start3A_66 : memref<640x64xf32, #tpu.memory_space<hbm>>) target_semaphore(%run_scoped3A_55 : memref<!tpu.dma_semaphore, #tpu.memory_space<semaphore_mem>>)
      %dma_wait3A = arith.constant 0 : i32
      %dma_wait3A_69 = arith.constant 0 : i32
      %dma_wait3A_70 = arith.constant 0 : i32
      %dma_wait3A_71 = tpu.memref_slice %arg9[%run_scoped3A, %dma_wait3A, %dma_wait3A_69, %dma_wait3A_70] : memref<2x2x10240x64xf32, #tpu.memory_space<hbm>> -> memref<1x2x10240x64xf32, #tpu.memory_space<hbm>>
      %dma_wait3A_72 = tpu.memref_squeeze %dma_wait3A_71 : memref<1x2x10240x64xf32, #tpu.memory_space<hbm>> -> memref<2x10240x64xf32, #tpu.memory_space<hbm>>
      %dma_wait3A_73 = arith.constant 0 : i32
      %dma_wait3A_74 = arith.constant 0 : i32
      %dma_wait3A_75 = tpu.memref_slice %dma_wait3A_72[%arg0, %dma_wait3A_73, %dma_wait3A_74] : memref<2x10240x64xf32, #tpu.memory_space<hbm>> -> memref<1x10240x64xf32, #tpu.memory_space<hbm>>
      %dma_wait3A_76 = tpu.memref_squeeze %dma_wait3A_75 : memref<1x10240x64xf32, #tpu.memory_space<hbm>> -> memref<10240x64xf32, #tpu.memory_space<hbm>>
      %dma_wait3A_77 = arith.constant 0 : i32
      %dma_wait3A_78 = tpu.memref_slice %dma_wait3A_76[%mul3A_2, %dma_wait3A_77] : memref<10240x64xf32, #tpu.memory_space<hbm>> -> memref<640x64xf32, #tpu.memory_space<hbm>>
      %dma_wait3A_79 = arith.constant 0 : i32
      %dma_wait3A_80 = tpu.memref_slice %arg13[%mul3A_2, %dma_wait3A_79] : memref<10240x64xf32, #tpu.memory_space<vmem_shared>> -> memref<640x64xf32, #tpu.memory_space<vmem_shared>>
      tpu.wait_dma2 semaphore(%run_scoped3A_55 : memref<!tpu.dma_semaphore, #tpu.memory_space<semaphore_mem>>) src(%dma_wait3A_80 : memref<640x64xf32, #tpu.memory_space<vmem_shared>>) dst(%dma_wait3A_78 : memref<640x64xf32, #tpu.memory_space<hbm>>)
      tpu.yield
    }) : () -> ()
    %eq3A_25 = arith.constant 0 : i32
    %eq3A_26 = arith.cmpi eq, %arg0, %eq3A_25 : i32
    %convert_element_type3A_27 = arith.extui %eq3A_26 : i1 to i32
    %cond3A_28 = arith.constant 0 : i32
    %cond3A_29 = arith.cmpi ne, %convert_element_type3A_27, %cond3A_28 : i32
    scf.if %cond3A_29 {
      "tpu.region"() ({
        %run_scoped3A_55 = tpu.sem_alloc : memref<!tpu.dma_semaphore, #tpu.memory_space<semaphore_mem>>
        %dma_start3A_56 = arith.constant 0 : i32
        %dma_start3A_57 = tpu.memref_slice %arg13[%mul3A_2, %dma_start3A_56] : memref<10240x64xf32, #tpu.memory_space<vmem_shared>> -> memref<640x64xf32, #tpu.memory_space<vmem_shared>>
        %dma_start3A_58 = arith.constant 0 : i32
        %dma_start3A_59 = tpu.memref_slice %arg5[%mul3A_2, %dma_start3A_58] : memref<10240x64xf32, #tpu.memory_space<hbm>> -> memref<640x64xf32, #tpu.memory_space<hbm>>
        tpu.enqueue_dma source(%dma_start3A_59 : memref<640x64xf32, #tpu.memory_space<hbm>>) target(%dma_start3A_57 : memref<640x64xf32, #tpu.memory_space<vmem_shared>>) target_semaphore(%run_scoped3A_55 : memref<!tpu.dma_semaphore, #tpu.memory_space<semaphore_mem>>)
        %dma_wait3A = arith.constant 0 : i32
        %dma_wait3A_60 = tpu.memref_slice %arg13[%mul3A_2, %dma_wait3A] : memref<10240x64xf32, #tpu.memory_space<vmem_shared>> -> memref<640x64xf32, #tpu.memory_space<vmem_shared>>
        %dma_wait3A_61 = arith.constant 0 : i32
        %dma_wait3A_62 = tpu.memref_slice %arg5[%mul3A_2, %dma_wait3A_61] : memref<10240x64xf32, #tpu.memory_space<hbm>> -> memref<640x64xf32, #tpu.memory_space<hbm>>
        tpu.wait_dma2 semaphore(%run_scoped3A_55 : memref<!tpu.dma_semaphore, #tpu.memory_space<semaphore_mem>>) src(%dma_wait3A_62 : memref<640x64xf32, #tpu.memory_space<hbm>>) dst(%dma_wait3A_60 : memref<640x64xf32, #tpu.memory_space<vmem_shared>>)
        tpu.yield
      }) : () -> ()
    } else {
    }
    %ne3A_30 = arith.constant 0 : i32
    %ne3A_31 = arith.cmpi ne, %arg0, %ne3A_30 : i32
    %convert_element_type3A_32 = arith.extui %ne3A_31 : i1 to i32
    %cond3A_33 = arith.constant 0 : i32
    %cond3A_34 = arith.cmpi ne, %convert_element_type3A_32, %cond3A_33 : i32
    scf.if %cond3A_34 {
      "tpu.region"() ({
        %run_scoped3A_55 = tpu.sem_alloc : memref<!tpu.dma_semaphore, #tpu.memory_space<semaphore_mem>>
        %dma_start3A_56 = arith.constant 0 : i32
        %dma_start3A_57 = tpu.memref_slice %arg13[%mul3A_2, %dma_start3A_56] : memref<10240x64xf32, #tpu.memory_space<vmem_shared>> -> memref<640x64xf32, #tpu.memory_space<vmem_shared>>
        %dma_start3A_58 = arith.constant 0 : i32
        %dma_start3A_59 = tpu.memref_slice %arg6[%mul3A_2, %dma_start3A_58] : memref<10240x64xf32, #tpu.memory_space<hbm>> -> memref<640x64xf32, #tpu.memory_space<hbm>>
        tpu.enqueue_dma source(%dma_start3A_59 : memref<640x64xf32, #tpu.memory_space<hbm>>) target(%dma_start3A_57 : memref<640x64xf32, #tpu.memory_space<vmem_shared>>) target_semaphore(%run_scoped3A_55 : memref<!tpu.dma_semaphore, #tpu.memory_space<semaphore_mem>>)
        %dma_wait3A = arith.constant 0 : i32
        %dma_wait3A_60 = tpu.memref_slice %arg13[%mul3A_2, %dma_wait3A] : memref<10240x64xf32, #tpu.memory_space<vmem_shared>> -> memref<640x64xf32, #tpu.memory_space<vmem_shared>>
        %dma_wait3A_61 = arith.constant 0 : i32
        %dma_wait3A_62 = tpu.memref_slice %arg6[%mul3A_2, %dma_wait3A_61] : memref<10240x64xf32, #tpu.memory_space<hbm>> -> memref<640x64xf32, #tpu.memory_space<hbm>>
        tpu.wait_dma2 semaphore(%run_scoped3A_55 : memref<!tpu.dma_semaphore, #tpu.memory_space<semaphore_mem>>) src(%dma_wait3A_62 : memref<640x64xf32, #tpu.memory_space<hbm>>) dst(%dma_wait3A_60 : memref<640x64xf32, #tpu.memory_space<vmem_shared>>)
        tpu.yield
      }) : () -> ()
    } else {
    }
    %barrier3A_35 = arith.constant 0 : index
    tpu.barrier barrier_id(%barrier3A_35)
    %dma_start3A_36 = arith.constant 0 : i32
    %dma_start3A_37 = arith.constant 0 : i32
    %dma_start3A_38 = arith.constant 0 : i32
    %dma_start3A_39 = arith.constant 0 : i32
    %dma_start3A_40 = tpu.memref_slice %arg12[%dma_start3A_37, %dma_start3A_38, %dma_start3A_39] : memref<2x128x64xf32, #tpu.memory_space<vmem>> -> memref<1x128x64xf32, #tpu.memory_space<vmem>>
    %dma_start3A_41 = tpu.memref_squeeze %dma_start3A_40 : memref<1x128x64xf32, #tpu.memory_space<vmem>> -> memref<128x64xf32, #tpu.memory_space<vmem>>
    %dma_start3A_42 = arith.constant 0 : i32
    %dma_start3A_43 = tpu.memref_slice %arg10[%dma_start3A_36, %dma_start3A_42] : memref<79x128xi32, #tpu.memory_space<vmem>> -> memref<1x128xi32, #tpu.memory_space<vmem>>
    %dma_start3A_44 = tpu.memref_squeeze %dma_start3A_43 : memref<1x128xi32, #tpu.memory_space<vmem>> -> memref<128xi32, #tpu.memory_space<vmem>>
    %dma_start3A_45 = arith.constant 0 : i32
    %dma_start3A_46 = arith.constant 0 : i32
    %dma_start3A_47 = tpu.memref_slice %arg5[%dma_start3A_45, %dma_start3A_46] : memref<10240x64xf32, #tpu.memory_space<hbm>> -> memref<10240x64xf32, #tpu.memory_space<hbm>>
    tpu.enqueue_indirect_dma source(%dma_start3A_47 : memref<10240x64xf32, #tpu.memory_space<hbm>>) target(%dma_start3A_41 : memref<128x64xf32, #tpu.memory_space<vmem>>) offsets(%dma_start3A_44 : memref<128xi32, #tpu.memory_space<vmem>>) semaphore(%arg14 : memref<!tpu.dma_semaphore, #tpu.memory_space<semaphore_mem>>)
    %scan3A_48 = arith.constant 0 : i32
    %scan3A_49 = arith.constant 79 : i32
    %scan3A_50 = arith.addi %scan3A_48, %scan3A_49 : i32
    %scan3A_51 = arith.constant 1 : i32
    scf.for %scan3A_55 = %scan3A_48 to %scan3A_50 step %scan3A_51  : i32 {
      %mul3A_56 = arith.constant 1 : i32
      %mul3A_57 = arith.muli %scan3A_55, %mul3A_56 : i32
      %add3A_58 = arith.constant 0 : i32
      %add3A_59 = arith.addi %add3A_58, %mul3A_57 : i32
      %rem3A = arith.constant 2 : i32
      %rem3A_60 = arith.remsi %add3A_59, %rem3A : i32
      %dma_wait3A = arith.constant 0 : i32
      %dma_wait3A_61 = arith.constant 0 : i32
      %dma_wait3A_62 = tpu.memref_slice %arg12[%rem3A_60, %dma_wait3A, %dma_wait3A_61] : memref<2x128x64xf32, #tpu.memory_space<vmem>> -> memref<1x128x64xf32, #tpu.memory_space<vmem>>
      %dma_wait3A_63 = tpu.memref_squeeze %dma_wait3A_62 : memref<1x128x64xf32, #tpu.memory_space<vmem>> -> memref<128x64xf32, #tpu.memory_space<vmem>>
      %dma_wait3A_64 = arith.constant 0 : i32
      %dma_wait3A_65 = tpu.memref_slice %arg10[%add3A_59, %dma_wait3A_64] : memref<79x128xi32, #tpu.memory_space<vmem>> -> memref<1x128xi32, #tpu.memory_space<vmem>>
      %dma_wait3A_66 = tpu.memref_squeeze %dma_wait3A_65 : memref<1x128xi32, #tpu.memory_space<vmem>> -> memref<128xi32, #tpu.memory_space<vmem>>
      %dma_wait3A_67 = arith.constant 0 : i32
      %dma_wait3A_68 = arith.constant 0 : i32
      %dma_wait3A_69 = tpu.memref_slice %arg5[%dma_wait3A_67, %dma_wait3A_68] : memref<10240x64xf32, #tpu.memory_space<hbm>> -> memref<10240x64xf32, #tpu.memory_space<hbm>>
      tpu.wait_indirect_dma semaphore(%arg14 : memref<!tpu.dma_semaphore, #tpu.memory_space<semaphore_mem>>) src(%dma_wait3A_69 : memref<10240x64xf32, #tpu.memory_space<hbm>>) dst(%dma_wait3A_63 : memref<128x64xf32, #tpu.memory_space<vmem>>)
      %add3A_70 = arith.constant 1 : i32
      %add3A_71 = arith.addi %add3A_59, %add3A_70 : i32
      %lt3A = arith.constant 79 : i32
      %lt3A_72 = arith.cmpi slt, %add3A_71, %lt3A : i32
      %convert_element_type3A_73 = arith.extui %lt3A_72 : i1 to i32
      %cond3A_74 = arith.constant 0 : i32
      %cond3A_75 = arith.cmpi ne, %convert_element_type3A_73, %cond3A_74 : i32
      scf.if %cond3A_75 {
        %add3A_76 = arith.constant 1 : i32
        %add3A_77 = arith.addi %add3A_59, %add3A_76 : i32
        %sub3A = arith.constant 1 : i32
        %sub3A_78 = arith.subi %sub3A, %rem3A_60 : i32
        %dma_start3A_79 = arith.constant 0 : i32
        %dma_start3A_80 = arith.constant 0 : i32
        %dma_start3A_81 = tpu.memref_slice %arg12[%sub3A_78, %dma_start3A_79, %dma_start3A_80] : memref<2x128x64xf32, #tpu.memory_space<vmem>> -> memref<1x128x64xf32, #tpu.memory_space<vmem>>
        %dma_start3A_82 = tpu.memref_squeeze %dma_start3A_81 : memref<1x128x64xf32, #tpu.memory_space<vmem>> -> memref<128x64xf32, #tpu.memory_space<vmem>>
        %dma_start3A_83 = arith.constant 0 : i32
        %dma_start3A_84 = tpu.memref_slice %arg10[%add3A_77, %dma_start3A_83] : memref<79x128xi32, #tpu.memory_space<vmem>> -> memref<1x128xi32, #tpu.memory_space<vmem>>
        %dma_start3A_85 = tpu.memref_squeeze %dma_start3A_84 : memref<1x128xi32, #tpu.memory_space<vmem>> -> memref<128xi32, #tpu.memory_space<vmem>>
        %dma_start3A_86 = arith.constant 0 : i32
        %dma_start3A_87 = arith.constant 0 : i32
        %dma_start3A_88 = tpu.memref_slice %arg5[%dma_start3A_86, %dma_start3A_87] : memref<10240x64xf32, #tpu.memory_space<hbm>> -> memref<10240x64xf32, #tpu.memory_space<hbm>>
        tpu.enqueue_indirect_dma source(%dma_start3A_88 : memref<10240x64xf32, #tpu.memory_space<hbm>>) target(%dma_start3A_82 : memref<128x64xf32, #tpu.memory_space<vmem>>) offsets(%dma_start3A_85 : memref<128xi32, #tpu.memory_space<vmem>>) semaphore(%arg14 : memref<!tpu.dma_semaphore, #tpu.memory_space<semaphore_mem>>)
      } else {
      }
      "tpu.region"() ({
        %run_scoped3A_76 = tpu.sem_alloc : memref<!tpu.dma_semaphore, #tpu.memory_space<semaphore_mem>>
        %dma_start3A_77 = arith.constant 0 : i32
        %dma_start3A_78 = arith.constant 0 : i32
        %dma_start3A_79 = tpu.memref_slice %arg12[%rem3A_60, %dma_start3A_77, %dma_start3A_78] : memref<2x128x64xf32, #tpu.memory_space<vmem>> -> memref<1x128x64xf32, #tpu.memory_space<vmem>>
        %dma_start3A_80 = tpu.memref_squeeze %dma_start3A_79 : memref<1x128x64xf32, #tpu.memory_space<vmem>> -> memref<128x64xf32, #tpu.memory_space<vmem>>
        %dma_start3A_81 = arith.constant 0 : i32
        %dma_start3A_82 = tpu.memref_slice %arg11[%add3A_59, %dma_start3A_81] : memref<79x128xi32, #tpu.memory_space<vmem>> -> memref<1x128xi32, #tpu.memory_space<vmem>>
        %dma_start3A_83 = tpu.memref_squeeze %dma_start3A_82 : memref<1x128xi32, #tpu.memory_space<vmem>> -> memref<128xi32, #tpu.memory_space<vmem>>
        %dma_start3A_84 = arith.constant 0 : i32
        %dma_start3A_85 = arith.constant 0 : i32
        %dma_start3A_86 = tpu.memref_slice %arg13[%dma_start3A_84, %dma_start3A_85] : memref<10240x64xf32, #tpu.memory_space<vmem_shared>> -> memref<10240x64xf32, #tpu.memory_space<vmem_shared>>
        tpu.enqueue_indirect_dma source(%dma_start3A_80 : memref<128x64xf32, #tpu.memory_space<vmem>>) target(%dma_start3A_86 : memref<10240x64xf32, #tpu.memory_space<vmem_shared>>) offsets(%dma_start3A_83 : memref<128xi32, #tpu.memory_space<vmem>>) semaphore(%run_scoped3A_76 : memref<!tpu.dma_semaphore, #tpu.memory_space<semaphore_mem>>) {add = true}
        %dma_wait3A_87 = arith.constant 0 : i32
        %dma_wait3A_88 = arith.constant 0 : i32
        %dma_wait3A_89 = tpu.memref_slice %arg12[%rem3A_60, %dma_wait3A_87, %dma_wait3A_88] : memref<2x128x64xf32, #tpu.memory_space<vmem>> -> memref<1x128x64xf32, #tpu.memory_space<vmem>>
        %dma_wait3A_90 = tpu.memref_squeeze %dma_wait3A_89 : memref<1x128x64xf32, #tpu.memory_space<vmem>> -> memref<128x64xf32, #tpu.memory_space<vmem>>
        %dma_wait3A_91 = arith.constant 0 : i32
        %dma_wait3A_92 = tpu.memref_slice %arg11[%add3A_59, %dma_wait3A_91] : memref<79x128xi32, #tpu.memory_space<vmem>> -> memref<1x128xi32, #tpu.memory_space<vmem>>
        %dma_wait3A_93 = tpu.memref_squeeze %dma_wait3A_92 : memref<1x128xi32, #tpu.memory_space<vmem>> -> memref<128xi32, #tpu.memory_space<vmem>>
        %dma_wait3A_94 = arith.constant 0 : i32
        %dma_wait3A_95 = arith.constant 0 : i32
        %dma_wait3A_96 = tpu.memref_slice %arg13[%dma_wait3A_94, %dma_wait3A_95] : memref<10240x64xf32, #tpu.memory_space<vmem_shared>> -> memref<10240x64xf32, #tpu.memory_space<vmem_shared>>
        tpu.wait_indirect_dma semaphore(%run_scoped3A_76 : memref<!tpu.dma_semaphore, #tpu.memory_space<semaphore_mem>>) src(%dma_wait3A_90 : memref<128x64xf32, #tpu.memory_space<vmem>>) dst(%dma_wait3A_96 : memref<10240x64xf32, #tpu.memory_space<vmem_shared>>)
        tpu.yield
      }) : () -> ()
    }
    %scan3A_52 = arith.constant 79 : i32
    %barrier3A_53 = arith.constant 0 : index
    tpu.barrier barrier_id(%barrier3A_53)
    %run_scoped3A_54 = arith.constant 1 : i32
    "tpu.region"() ({
      %run_scoped3A_55 = tpu.sem_alloc : memref<!tpu.dma_semaphore, #tpu.memory_space<semaphore_mem>>
      %dma_start3A_56 = arith.constant 0 : i32
      %dma_start3A_57 = arith.constant 0 : i32
      %dma_start3A_58 = arith.constant 0 : i32
      %dma_start3A_59 = tpu.memref_slice %arg9[%run_scoped3A_54, %dma_start3A_56, %dma_start3A_57, %dma_start3A_58] : memref<2x2x10240x64xf32, #tpu.memory_space<hbm>> -> memref<1x2x10240x64xf32, #tpu.memory_space<hbm>>
      %dma_start3A_60 = tpu.memref_squeeze %dma_start3A_59 : memref<1x2x10240x64xf32, #tpu.memory_space<hbm>> -> memref<2x10240x64xf32, #tpu.memory_space<hbm>>
      %dma_start3A_61 = arith.constant 0 : i32
      %dma_start3A_62 = arith.constant 0 : i32
      %dma_start3A_63 = tpu.memref_slice %dma_start3A_60[%arg0, %dma_start3A_61, %dma_start3A_62] : memref<2x10240x64xf32, #tpu.memory_space<hbm>> -> memref<1x10240x64xf32, #tpu.memory_space<hbm>>
      %dma_start3A_64 = tpu.memref_squeeze %dma_start3A_63 : memref<1x10240x64xf32, #tpu.memory_space<hbm>> -> memref<10240x64xf32, #tpu.memory_space<hbm>>
      %dma_start3A_65 = arith.constant 0 : i32
      %dma_start3A_66 = tpu.memref_slice %dma_start3A_64[%mul3A_2, %dma_start3A_65] : memref<10240x64xf32, #tpu.memory_space<hbm>> -> memref<640x64xf32, #tpu.memory_space<hbm>>
      %dma_start3A_67 = arith.constant 0 : i32
      %dma_start3A_68 = tpu.memref_slice %arg13[%mul3A_2, %dma_start3A_67] : memref<10240x64xf32, #tpu.memory_space<vmem_shared>> -> memref<640x64xf32, #tpu.memory_space<vmem_shared>>
      tpu.enqueue_dma source(%dma_start3A_68 : memref<640x64xf32, #tpu.memory_space<vmem_shared>>) target(%dma_start3A_66 : memref<640x64xf32, #tpu.memory_space<hbm>>) target_semaphore(%run_scoped3A_55 : memref<!tpu.dma_semaphore, #tpu.memory_space<semaphore_mem>>)
      %dma_wait3A = arith.constant 0 : i32
      %dma_wait3A_69 = arith.constant 0 : i32
      %dma_wait3A_70 = arith.constant 0 : i32
      %dma_wait3A_71 = tpu.memref_slice %arg9[%run_scoped3A_54, %dma_wait3A, %dma_wait3A_69, %dma_wait3A_70] : memref<2x2x10240x64xf32, #tpu.memory_space<hbm>> -> memref<1x2x10240x64xf32, #tpu.memory_space<hbm>>
      %dma_wait3A_72 = tpu.memref_squeeze %dma_wait3A_71 : memref<1x2x10240x64xf32, #tpu.memory_space<hbm>> -> memref<2x10240x64xf32, #tpu.memory_space<hbm>>
      %dma_wait3A_73 = arith.constant 0 : i32
      %dma_wait3A_74 = arith.constant 0 : i32
      %dma_wait3A_75 = tpu.memref_slice %dma_wait3A_72[%arg0, %dma_wait3A_73, %dma_wait3A_74] : memref<2x10240x64xf32, #tpu.memory_space<hbm>> -> memref<1x10240x64xf32, #tpu.memory_space<hbm>>
      %dma_wait3A_76 = tpu.memref_squeeze %dma_wait3A_75 : memref<1x10240x64xf32, #tpu.memory_space<hbm>> -> memref<10240x64xf32, #tpu.memory_space<hbm>>
      %dma_wait3A_77 = arith.constant 0 : i32
      %dma_wait3A_78 = tpu.memref_slice %dma_wait3A_76[%mul3A_2, %dma_wait3A_77] : memref<10240x64xf32, #tpu.memory_space<hbm>> -> memref<640x64xf32, #tpu.memory_space<hbm>>
      %dma_wait3A_79 = arith.constant 0 : i32
      %dma_wait3A_80 = tpu.memref_slice %arg13[%mul3A_2, %dma_wait3A_79] : memref<10240x64xf32, #tpu.memory_space<vmem_shared>> -> memref<640x64xf32, #tpu.memory_space<vmem_shared>>
      tpu.wait_dma2 semaphore(%run_scoped3A_55 : memref<!tpu.dma_semaphore, #tpu.memory_space<semaphore_mem>>) src(%dma_wait3A_80 : memref<640x64xf32, #tpu.memory_space<vmem_shared>>) dst(%dma_wait3A_78 : memref<640x64xf32, #tpu.memory_space<hbm>>)
      tpu.yield
    }) : () -> ()
    return
  }
}

module attributes {stable_mosaic.version = 14 : i64} {
  func.func @_mm_body(%arg0: i32, %arg1: memref<1024x128xf32, #tpu.memory_space<vmem>>, %arg2: memref<128x128xf32, #tpu.memory_space<vmem>>, %arg3: memref<1024x64xf32, #tpu.memory_space<vmem>>, %arg4: memref<1024x64xf32, #tpu.memory_space<vmem>>) attributes {dimension_semantics = [#tpu.dimension_semantics<arbitrary>], iteration_bounds = array<i64: 10>, scalar_prefetch = 0 : i64, scratch_operands = 0 : i64, tpu.core_type = #tpu.core_type<tc>, window_params = [{transform_indices = @transform_0, window_bounds = array<i64: 1024, 128>}, {pipeline_mode = #tpu.pipeline_mode<synchronous>, transform_indices = @transform_1, window_bounds = array<i64: 128, 128>}, {transform_indices = @transform_2, window_bounds = array<i64: 1024, 64>}, {transform_indices = @transform_3, window_bounds = array<i64: 1024, 64>}]} {
    %get3A = arith.constant 0 : index
    %get3A_0 = arith.constant 0 : index
    %get3A_1 = vector.load %arg1[%get3A, %get3A_0] : memref<1024x128xf32, #tpu.memory_space<vmem>>, vector<1024x128xf32>
    %get3A_2 = arith.constant 0 : index
    %get3A_3 = arith.constant 0 : index
    %get3A_4 = vector.load %arg2[%get3A_2, %get3A_3] : memref<128x128xf32, #tpu.memory_space<vmem>>, vector<128x128xf32>
    %dot_general3A = arith.constant dense<0.000000e+00> : vector<1024x128xf32>
    %dot_general3A_5 = tpu.matmul %get3A_1, %get3A_4, %dot_general3A {dimension_numbers = #tpu.dot_dimension_numbers<[1], [0], [0], [1], [0, 0, 1, 1], [], []>, transpose_lhs_hint = false} : vector<1024x128xf32>, vector<128x128xf32>, vector<1024x128xf32> -> vector<1024x128xf32>
    %slice3A = vector.extract_strided_slice %dot_general3A_5 {offsets = [0, 0], sizes = [1024, 64], strides = [1, 1]} : vector<1024x128xf32> to vector<1024x64xf32>
    %swap3A = arith.constant 0 : index
    %swap3A_6 = arith.constant 0 : index
    %swap3A_7 = vector.load %arg3[%swap3A, %swap3A_6] : memref<1024x64xf32, #tpu.memory_space<vmem>>, vector<1024x64xf32>
    tpu.vector_store %arg3[%swap3A, %swap3A_6], %slice3A {strides = array<i32>} : memref<1024x64xf32, #tpu.memory_space<vmem>>, vector<1024x64xf32>,
    %slice3A_8 = vector.extract_strided_slice %dot_general3A_5 {offsets = [0, 64], sizes = [1024, 64], strides = [1, 1]} : vector<1024x128xf32> to vector<1024x64xf32>
    %swap3A_9 = arith.constant 0 : index
    %swap3A_10 = arith.constant 0 : index
    %swap3A_11 = vector.load %arg4[%swap3A_9, %swap3A_10] : memref<1024x64xf32, #tpu.memory_space<vmem>>, vector<1024x64xf32>
    tpu.vector_store %arg4[%swap3A_9, %swap3A_10], %slice3A_8 {strides = array<i32>} : memref<1024x64xf32, #tpu.memory_space<vmem>>, vector<1024x64xf32>,
    return
  }
  func.func @transform_0(%arg0: i32) -> (i32, i32) {
    %c0_i32 = arith.constant 0 : i32
    %c0_i32_0 = arith.constant 0 : i32
    return %arg0, %c0_i32 : i32, i32
  }
  func.func @transform_1(%arg0: i32) -> (i32, i32) {
    %c0_i32 = arith.constant 0 : i32
    %c0_i32_0 = arith.constant 0 : i32
    %c0_i32_1 = arith.constant 0 : i32
    return %c0_i32, %c0_i32_0 : i32, i32
  }
  func.func @transform_2(%arg0: i32) -> (i32, i32) {
    %c0_i32 = arith.constant 0 : i32
    %c0_i32_0 = arith.constant 0 : i32
    return %arg0, %c0_i32 : i32, i32
  }
  func.func @transform_3(%arg0: i32) -> (i32, i32) {
    %c0_i32 = arith.constant 0 : i32
    %c0_i32_0 = arith.constant 0 : i32
    return %arg0, %c0_i32 : i32, i32
  }
}

module attributes {stable_mosaic.version = 14 : i64} {
  func.func @_comb_mm_body(%arg0: i32, %arg1: memref<1024x64xf32, #tpu.memory_space<vmem>>, %arg2: memref<1024x64xf32, #tpu.memory_space<vmem>>, %arg3: memref<1024x64xf32, #tpu.memory_space<vmem>>, %arg4: memref<1024x64xf32, #tpu.memory_space<vmem>>, %arg5: memref<1024x16xf32, #tpu.memory_space<vmem>>, %arg6: memref<1024x16xf32, #tpu.memory_space<vmem>>, %arg7: memref<1x128xf32, #tpu.memory_space<vmem>>, %arg8: memref<128x128xf32, #tpu.memory_space<vmem>>, %arg9: memref<1024x64xf32, #tpu.memory_space<vmem>>, %arg10: memref<1024x64xf32, #tpu.memory_space<vmem>>) attributes {dimension_semantics = [#tpu.dimension_semantics<arbitrary>], iteration_bounds = array<i64: 10>, scalar_prefetch = 0 : i64, scratch_operands = 0 : i64, tpu.core_type = #tpu.core_type<tc>, window_params = [{transform_indices = @transform_0, window_bounds = array<i64: 1024, 64>}, {transform_indices = @transform_1, window_bounds = array<i64: 1024, 64>}, {transform_indices = @transform_2, window_bounds = array<i64: 1024, 64>}, {transform_indices = @transform_3, window_bounds = array<i64: 1024, 64>}, {transform_indices = @transform_4, window_bounds = array<i64: 1024, 16>}, {transform_indices = @transform_5, window_bounds = array<i64: 1024, 16>}, {pipeline_mode = #tpu.pipeline_mode<synchronous>, transform_indices = @transform_6, window_bounds = array<i64: 1, 128>}, {pipeline_mode = #tpu.pipeline_mode<synchronous>, transform_indices = @transform_7, window_bounds = array<i64: 128, 128>}, {transform_indices = @transform_8, window_bounds = array<i64: 1024, 64>}, {transform_indices = @transform_9, window_bounds = array<i64: 1024, 64>}]} {
    %get3A = arith.constant 0 : index
    %get3A_0 = arith.constant 0 : index
    %get3A_1 = vector.load %arg5[%get3A, %get3A_0] : memref<1024x16xf32, #tpu.memory_space<vmem>>, vector<1024x16xf32>
    %slice3A = vector.extract_strided_slice %get3A_1 {offsets = [0, 0], sizes = [1024, 1], strides = [1, 1]} : vector<1024x16xf32> to vector<1024x1xf32>
    %get3A_2 = arith.constant 0 : index
    %get3A_3 = arith.constant 0 : index
    %get3A_4 = vector.load %arg6[%get3A_2, %get3A_3] : memref<1024x16xf32, #tpu.memory_space<vmem>>, vector<1024x16xf32>
    %slice3A_5 = vector.extract_strided_slice %get3A_4 {offsets = [0, 0], sizes = [1024, 1], strides = [1, 1]} : vector<1024x16xf32> to vector<1024x1xf32>
    %add3A = arith.addf %slice3A, %slice3A_5 : vector<1024x1xf32>
    %get3A_6 = arith.constant 0 : index
    %get3A_7 = arith.constant 0 : index
    %get3A_8 = vector.load %arg1[%get3A_6, %get3A_7] : memref<1024x64xf32, #tpu.memory_space<vmem>>, vector<1024x64xf32>
    %get3A_9 = arith.constant 0 : index
    %get3A_10 = arith.constant 0 : index
    %get3A_11 = vector.load %arg2[%get3A_9, %get3A_10] : memref<1024x64xf32, #tpu.memory_space<vmem>>, vector<1024x64xf32>
    %add3A_12 = arith.addf %get3A_8, %get3A_11 : vector<1024x64xf32>
    %get3A_13 = arith.constant 0 : index
    %get3A_14 = arith.constant 0 : index
    %get3A_15 = vector.load %arg3[%get3A_13, %get3A_14] : memref<1024x64xf32, #tpu.memory_space<vmem>>, vector<1024x64xf32>
    %get3A_16 = arith.constant 0 : index
    %get3A_17 = arith.constant 0 : index
    %get3A_18 = vector.load %arg4[%get3A_16, %get3A_17] : memref<1024x64xf32, #tpu.memory_space<vmem>>, vector<1024x64xf32>
    %add3A_19 = arith.addf %get3A_15, %get3A_18 : vector<1024x64xf32>
    %concatenate3A = tpu.concatenate %add3A_12, %add3A_19 in 1 : vector<1024x64xf32>, vector<1024x64xf32> -> vector<1024x128xf32>
    %div3A = vector.broadcast %add3A : vector<1024x1xf32> to vector<1024x128xf32>
    %div3A_20 = arith.divf %concatenate3A, %div3A : vector<1024x128xf32>
    %get3A_21 = arith.constant 0 : index
    %get3A_22 = arith.constant 0 : index
    %get3A_23 = vector.load %arg7[%get3A_21, %get3A_22] : memref<1x128xf32, #tpu.memory_space<vmem>>, vector<1x128xf32>
    %add3A_24 = vector.broadcast %get3A_23 : vector<1x128xf32> to vector<1024x128xf32>
    %add3A_25 = arith.addf %div3A_20, %add3A_24 : vector<1024x128xf32>
    %max3A = arith.constant 0.000000e+00 : f32
    %max3A_26 = vector.broadcast %max3A : f32 to vector<1024x128xf32>
    %max3A_27 = arith.maximumf %add3A_25, %max3A_26 : vector<1024x128xf32>
    %get3A_28 = arith.constant 0 : index
    %get3A_29 = arith.constant 0 : index
    %get3A_30 = vector.load %arg8[%get3A_28, %get3A_29] : memref<128x128xf32, #tpu.memory_space<vmem>>, vector<128x128xf32>
    %dot_general3A = arith.constant dense<0.000000e+00> : vector<1024x128xf32>
    %dot_general3A_31 = tpu.matmul %max3A_27, %get3A_30, %dot_general3A {dimension_numbers = #tpu.dot_dimension_numbers<[1], [0], [0], [1], [0, 0, 1, 1], [], []>, transpose_lhs_hint = false} : vector<1024x128xf32>, vector<128x128xf32>, vector<1024x128xf32> -> vector<1024x128xf32>
    %slice3A_32 = vector.extract_strided_slice %dot_general3A_31 {offsets = [0, 0], sizes = [1024, 64], strides = [1, 1]} : vector<1024x128xf32> to vector<1024x64xf32>
    %swap3A = arith.constant 0 : index
    %swap3A_33 = arith.constant 0 : index
    %swap3A_34 = vector.load %arg9[%swap3A, %swap3A_33] : memref<1024x64xf32, #tpu.memory_space<vmem>>, vector<1024x64xf32>
    tpu.vector_store %arg9[%swap3A, %swap3A_33], %slice3A_32 {strides = array<i32>} : memref<1024x64xf32, #tpu.memory_space<vmem>>, vector<1024x64xf32>,
    %slice3A_35 = vector.extract_strided_slice %dot_general3A_31 {offsets = [0, 64], sizes = [1024, 64], strides = [1, 1]} : vector<1024x128xf32> to vector<1024x64xf32>
    %swap3A_36 = arith.constant 0 : index
    %swap3A_37 = arith.constant 0 : index
    %swap3A_38 = vector.load %arg10[%swap3A_36, %swap3A_37] : memref<1024x64xf32, #tpu.memory_space<vmem>>, vector<1024x64xf32>
    tpu.vector_store %arg10[%swap3A_36, %swap3A_37], %slice3A_35 {strides = array<i32>} : memref<1024x64xf32, #tpu.memory_space<vmem>>, vector<1024x64xf32>,
    return
  }
  func.func @transform_0(%arg0: i32) -> (i32, i32) {
    %c0_i32 = arith.constant 0 : i32
    %c0_i32_0 = arith.constant 0 : i32
    return %arg0, %c0_i32 : i32, i32
  }
  func.func @transform_1(%arg0: i32) -> (i32, i32) {
    %c0_i32 = arith.constant 0 : i32
    %c0_i32_0 = arith.constant 0 : i32
    return %arg0, %c0_i32 : i32, i32
  }
  func.func @transform_2(%arg0: i32) -> (i32, i32) {
    %c0_i32 = arith.constant 0 : i32
    %c0_i32_0 = arith.constant 0 : i32
    return %arg0, %c0_i32 : i32, i32
  }
  func.func @transform_3(%arg0: i32) -> (i32, i32) {
    %c0_i32 = arith.constant 0 : i32
    %c0_i32_0 = arith.constant 0 : i32
    return %arg0, %c0_i32 : i32, i32
  }
  func.func @transform_4(%arg0: i32) -> (i32, i32) {
    %c0_i32 = arith.constant 0 : i32
    %c0_i32_0 = arith.constant 0 : i32
    return %arg0, %c0_i32 : i32, i32
  }
  func.func @transform_5(%arg0: i32) -> (i32, i32) {
    %c0_i32 = arith.constant 0 : i32
    %c0_i32_0 = arith.constant 0 : i32
    return %arg0, %c0_i32 : i32, i32
  }
  func.func @transform_6(%arg0: i32) -> (i32, i32) {
    %c0_i32 = arith.constant 0 : i32
    %c0_i32_0 = arith.constant 0 : i32
    %c0_i32_1 = arith.constant 0 : i32
    return %c0_i32, %c0_i32_0 : i32, i32
  }
  func.func @transform_7(%arg0: i32) -> (i32, i32) {
    %c0_i32 = arith.constant 0 : i32
    %c0_i32_0 = arith.constant 0 : i32
    %c0_i32_1 = arith.constant 0 : i32
    return %c0_i32, %c0_i32_0 : i32, i32
  }
  func.func @transform_8(%arg0: i32) -> (i32, i32) {
    %c0_i32 = arith.constant 0 : i32
    %c0_i32_0 = arith.constant 0 : i32
    return %arg0, %c0_i32 : i32, i32
  }
  func.func @transform_9(%arg0: i32) -> (i32, i32) {
    %c0_i32 = arith.constant 0 : i32
    %c0_i32_0 = arith.constant 0 : i32
    return %arg0, %c0_i32 : i32, i32
  }
}

module attributes {stable_mosaic.version = 14 : i64} {
  func.func @_final_body(%arg0: i32, %arg1: memref<1024x64xf32, #tpu.memory_space<vmem>>, %arg2: memref<1024x64xf32, #tpu.memory_space<vmem>>, %arg3: memref<1024x64xf32, #tpu.memory_space<vmem>>, %arg4: memref<1024x64xf32, #tpu.memory_space<vmem>>, %arg5: memref<1024x16xf32, #tpu.memory_space<vmem>>, %arg6: memref<1024x16xf32, #tpu.memory_space<vmem>>, %arg7: memref<1x128xf32, #tpu.memory_space<vmem>>, %arg8: memref<1024x128xf32, #tpu.memory_space<vmem>>) attributes {dimension_semantics = [#tpu.dimension_semantics<arbitrary>], iteration_bounds = array<i64: 10>, scalar_prefetch = 0 : i64, scratch_operands = 0 : i64, tpu.core_type = #tpu.core_type<tc>, window_params = [{transform_indices = @transform_0, window_bounds = array<i64: 1024, 64>}, {transform_indices = @transform_1, window_bounds = array<i64: 1024, 64>}, {transform_indices = @transform_2, window_bounds = array<i64: 1024, 64>}, {transform_indices = @transform_3, window_bounds = array<i64: 1024, 64>}, {transform_indices = @transform_4, window_bounds = array<i64: 1024, 16>}, {transform_indices = @transform_5, window_bounds = array<i64: 1024, 16>}, {pipeline_mode = #tpu.pipeline_mode<synchronous>, transform_indices = @transform_6, window_bounds = array<i64: 1, 128>}, {transform_indices = @transform_7, window_bounds = array<i64: 1024, 128>}]} {
    %get3A = arith.constant 0 : index
    %get3A_0 = arith.constant 0 : index
    %get3A_1 = vector.load %arg5[%get3A, %get3A_0] : memref<1024x16xf32, #tpu.memory_space<vmem>>, vector<1024x16xf32>
    %slice3A = vector.extract_strided_slice %get3A_1 {offsets = [0, 0], sizes = [1024, 1], strides = [1, 1]} : vector<1024x16xf32> to vector<1024x1xf32>
    %get3A_2 = arith.constant 0 : index
    %get3A_3 = arith.constant 0 : index
    %get3A_4 = vector.load %arg6[%get3A_2, %get3A_3] : memref<1024x16xf32, #tpu.memory_space<vmem>>, vector<1024x16xf32>
    %slice3A_5 = vector.extract_strided_slice %get3A_4 {offsets = [0, 0], sizes = [1024, 1], strides = [1, 1]} : vector<1024x16xf32> to vector<1024x1xf32>
    %add3A = arith.addf %slice3A, %slice3A_5 : vector<1024x1xf32>
    %get3A_6 = arith.constant 0 : index
    %get3A_7 = arith.constant 0 : index
    %get3A_8 = vector.load %arg1[%get3A_6, %get3A_7] : memref<1024x64xf32, #tpu.memory_space<vmem>>, vector<1024x64xf32>
    %get3A_9 = arith.constant 0 : index
    %get3A_10 = arith.constant 0 : index
    %get3A_11 = vector.load %arg2[%get3A_9, %get3A_10] : memref<1024x64xf32, #tpu.memory_space<vmem>>, vector<1024x64xf32>
    %add3A_12 = arith.addf %get3A_8, %get3A_11 : vector<1024x64xf32>
    %get3A_13 = arith.constant 0 : index
    %get3A_14 = arith.constant 0 : index
    %get3A_15 = vector.load %arg3[%get3A_13, %get3A_14] : memref<1024x64xf32, #tpu.memory_space<vmem>>, vector<1024x64xf32>
    %get3A_16 = arith.constant 0 : index
    %get3A_17 = arith.constant 0 : index
    %get3A_18 = vector.load %arg4[%get3A_16, %get3A_17] : memref<1024x64xf32, #tpu.memory_space<vmem>>, vector<1024x64xf32>
    %add3A_19 = arith.addf %get3A_15, %get3A_18 : vector<1024x64xf32>
    %concatenate3A = tpu.concatenate %add3A_12, %add3A_19 in 1 : vector<1024x64xf32>, vector<1024x64xf32> -> vector<1024x128xf32>
    %div3A = vector.broadcast %add3A : vector<1024x1xf32> to vector<1024x128xf32>
    %div3A_20 = arith.divf %concatenate3A, %div3A : vector<1024x128xf32>
    %get3A_21 = arith.constant 0 : index
    %get3A_22 = arith.constant 0 : index
    %get3A_23 = vector.load %arg7[%get3A_21, %get3A_22] : memref<1x128xf32, #tpu.memory_space<vmem>>, vector<1x128xf32>
    %add3A_24 = vector.broadcast %get3A_23 : vector<1x128xf32> to vector<1024x128xf32>
    %add3A_25 = arith.addf %div3A_20, %add3A_24 : vector<1024x128xf32>
    %swap3A = arith.constant 0 : index
    %swap3A_26 = arith.constant 0 : index
    %swap3A_27 = vector.load %arg8[%swap3A, %swap3A_26] : memref<1024x128xf32, #tpu.memory_space<vmem>>, vector<1024x128xf32>
    tpu.vector_store %arg8[%swap3A, %swap3A_26], %add3A_25 {strides = array<i32>} : memref<1024x128xf32, #tpu.memory_space<vmem>>, vector<1024x128xf32>,
    return
  }
  func.func @transform_0(%arg0: i32) -> (i32, i32) {
    %c0_i32 = arith.constant 0 : i32
    %c0_i32_0 = arith.constant 0 : i32
    return %arg0, %c0_i32 : i32, i32
  }
  func.func @transform_1(%arg0: i32) -> (i32, i32) {
    %c0_i32 = arith.constant 0 : i32
    %c0_i32_0 = arith.constant 0 : i32
    return %arg0, %c0_i32 : i32, i32
  }
  func.func @transform_2(%arg0: i32) -> (i32, i32) {
    %c0_i32 = arith.constant 0 : i32
    %c0_i32_0 = arith.constant 0 : i32
    return %arg0, %c0_i32 : i32, i32
  }
  func.func @transform_3(%arg0: i32) -> (i32, i32) {
    %c0_i32 = arith.constant 0 : i32
    %c0_i32_0 = arith.constant 0 : i32
    return %arg0, %c0_i32 : i32, i32
  }
  func.func @transform_4(%arg0: i32) -> (i32, i32) {
    %c0_i32 = arith.constant 0 : i32
    %c0_i32_0 = arith.constant 0 : i32
    return %arg0, %c0_i32 : i32, i32
  }
  func.func @transform_5(%arg0: i32) -> (i32, i32) {
    %c0_i32 = arith.constant 0 : i32
    %c0_i32_0 = arith.constant 0 : i32
    return %arg0, %c0_i32 : i32, i32
  }
  func.func @transform_6(%arg0: i32) -> (i32, i32) {
    %c0_i32 = arith.constant 0 : i32
    %c0_i32_0 = arith.constant 0 : i32
    %c0_i32_1 = arith.constant 0 : i32
    return %c0_i32, %c0_i32_0 : i32, i32
  }
  func.func @transform_7(%arg0: i32) -> (i32, i32) {
    %c0_i32 = arith.constant 0 : i32
    %c0_i32_0 = arith.constant 0 : i32
    return %arg0, %c0_i32 : i32, i32
  }
}

</mosaic_0001>

<sc_bundles>
// kernel: kernel.12.cloned.1.call-start
scs
__scs_entry_jumppad:
0x0: {  	(pc) =	sbr.rel $0x88, $3  }
0x1: {  	(tag) =	ssettag $0x0;
	lr =	simm.s32 $0x1  }
0x2: {  	[smem:$0x3F99] =	sst lr;
	_ =	strace $0xD0000000  }
0x3: {  	_ = 	snop  }
0x4: {  	_ = 	snop  }
0x5: {  	_ = 	snop  }
0x6: {  	_ = 	snop  }
0x7: {  	_ = 	snop  }
__scs_overlays_trampoline_lowered:
0x8: {  	[smem:$0x3FA8] =	sst s0  }
0x9: {  	[smem:$0x3FA9] =	sst s1  }
0xa: {  	[smem:$0x3FAA] =	sst s2  }
0xb: {  	[smem:$0x3FAB] =	sst s3  }
0xc: {  	[smem:$0x3FAC] =	sst s4  }
0xd: {  	[smem:$0x3FAD] =	sst s5  }
0xe: {  	[smem:$0x3FAE] =	sst s6  }
0xf: {  	[smem:$0x3FAF] =	sst s7  }
0x10: {  	[smem:$0x3FB0] =	sst s8  }
0x11: {  	[smem:$0x3FB1] =	sst s9;
	s0 =	simm.s32 @!p0 $0x0  }
0x12: {  	s1 =	sld [smem:$0x3F97];
	s0 =	simm.s32 @p0 $0x1  }
0x13: {  	[smem:$0x3FB2] =	sst s0;
	s0 =	simm.s32 @!p1 $0x0  }
0x14: {  	s2 =	sld [smem:$0x3F96];
	s0 =	simm.s32 @p1 $0x1  }
0x15: {  	[smem:$0x3FB3] =	sst s0;
	s0 =	simm.s32 @!p2 $0x0  }
0x16: {  	s3 =	sld [smem:$0x3FDB];
	s0 =	simm.s32 @p2 $0x1  }
0x17: {  	s4 =	simm.s32 $0x1BF5;
	[smem:$0x3FB5] =	sst s0  }
0x18: {  	s0 =	sld [smem:$0x3F98];
	_ =	swait.ge [sflag:s4], $0x0  }
0x19: {  	s7 =	sld [smem:$0x3F99]  }
0x1a: {  	s8 =	sadd.s32 $0xFFFFE003, lr  }
0x1b: {  	s9 =	sadd.s32 $0xFFFFFEF7, lr;
	s5 =	simm.s32 $0xFFFFFFFF;
	p2 =	slt.u32 s8, $0xFFFFF086  }
0x1c: {  	p1 =	slt.u32 s9, $0xF7A;
	s5 =	simm.s32 @!p2 $0x0  }
0x1d: {  	s5 =	simm.s32 @p1 $0x1;
	p0 =	seq.s32 s7, s2  }
0x1e: {  	s7 =	smul.u32 @!p0 $0xF7A, s2;
	p2 =	seq.s32 @!p0 s5, $0x0  }
0x1f: {  	s9 =	smul.u32 $0xF7A, s1;
	s8 =	simm.s32 @!p0 $0x1BF5;
	p2 =	por !p2, p0  }
0x20: {  	[sflag:s8] =	ssyncset.s32 @!p0 $0xFFFFF086;
	s6 =	sadd.s32 @!p0 s3, s7;
	s7 =	simm.s32 @!p0 $0x108  }
0x21: {  	s3 =	sadd.s32 s3, s9;
	s6 =	sadd.s32 @!p0 $0x88, s6;
	s7 =	simm.s32 @p2 $0x1082  }
0x22: {  	[simem:s7], [sflag:s8] =	dma.local @!p0 [hbm:s6], $0xF7A  }
0x23: {  	s9 =	sor.u32 $0xD0000000, s2;
	s6 =	simm.s32 $0x108;
	_ =	swait.ge @!p0 [sflag:s8], $0x0  }
0x24: {  	s3 =	sadd.s32 $0x88, s3;
	s6 =	simm.s32 @!p1 $0x1082;
	[sflag:s4] =	ssyncset.s32 $0xFFFFF086  }
0x25: {  	[simem:s6], [sflag:s4] =	dma.local [hbm:s3], $0xF7A  }
0x26: {  	[smem:$0x3F99] =	sst s1;
	(tag) =	ssettag s2;
	_ =	strace s9  }
0x27: {  	s1 =	sld [smem:$0x3FA9]  }
0x28: {  	s2 =	sld [smem:$0x3FAA]  }
0x29: {  	s4 =	sld [smem:$0x3FAC]  }
0x2a: {  	p0 =	seq.s32 s5, $0x0;
	s5 =	sld [smem:$0x3FAD]  }
0x2b: {  	s6 =	sld [smem:$0x3FAE]  }
0x2c: {  	s7 =	sld [smem:$0x3FAF]  }
0x2d: {  	s3 =	simm.s32 $0x108;
	s8 =	sld [smem:$0x3FB0]  }
0x2e: {  	s3 =	simm.s32 @!p0 $0x1082;
	s9 =	sld [smem:$0x3FB1]  }
0x2f: {  	lr =	sadd.s32 s0, s3;
	s0 =	sld [smem:$0x3FA8]  }
0x30: {  	s3 =	sld [smem:$0x3FAB]  }
0x31: {  	[smem:$0x3FB4] =	sst s10  }
0x32: {  	s10 =	sld [smem:$0x3FB2];
	_ =	sdelay $0x3  }
0x33: {  	p0 =	seq.s32 s10, $0x1;
	s10 =	sld [smem:$0x3FB4];
	_ =	sdelay $0x3  }
0x34: {  	[smem:$0x3FB4] =	sst s10  }
0x35: {  	s10 =	sld [smem:$0x3FB3];
	_ =	sdelay $0x3  }
0x36: {  	p1 =	seq.s32 s10, $0x1;
	s10 =	sld [smem:$0x3FB4];
	_ =	sdelay $0x3  }
0x37: {  	[smem:$0x3FB4] =	sst s10  }
0x38: {  	s10 =	sld [smem:$0x3FB5]  }
0x39: {  	_ = 	snop;
	(pc) =	sbr.ind lr, $3  }
0x3a: {  	_ = 	snop  }
0x3b: {  	_ = 	snop  }
0x3c: {  	p2 =	seq.s32 s10, $0x1;
	s10 =	sld [smem:$0x3FB4]  }
0x3d: {  	_ =	shalt  }
0x3e: {  	_ =	shalt  }
0x3f: {  	_ =	shalt  }
0x40: {  	_ =	shalt  }
0x41: {  	_ =	shalt  }
0x42: {  	_ =	shalt  }
0x43: {  	_ =	shalt  }
0x44: {  	_ =	shalt  }
0x45: {  	_ =	shalt  }
0x46: {  	_ =	shalt  }
0x47: {  	_ =	shalt  }
0x48: {  	_ =	shalt  }
0x49: {  	_ =	shalt  }
0x4a: {  	_ =	shalt  }
0x4b: {  	_ =	shalt  }
0x4c: {  	_ =	shalt  }
0x4d: {  	_ =	shalt  }
0x4e: {  	_ =	shalt  }
0x4f: {  	_ =	shalt  }
0x50: {  	_ =	shalt  }
0x51: {  	_ =	shalt  }
0x52: {  	_ =	shalt  }
0x53: {  	_ =	shalt  }
0x54: {  	_ =	shalt  }
0x55: {  	_ =	shalt  }
0x56: {  	_ =	shalt  }
0x57: {  	_ =	shalt  }
0x58: {  	_ =	shalt  }
0x59: {  	_ =	shalt  }
0x5a: {  	_ =	shalt  }
0x5b: {  	_ =	shalt  }
0x5c: {  	_ =	shalt  }
0x5d: {  	_ =	shalt  }
0x5e: {  	_ =	shalt  }
0x5f: {  	_ =	shalt  }
0x60: {  	_ =	shalt  }
0x61: {  	_ =	shalt  }
0x62: {  	_ =	shalt  }
0x63: {  	_ =	shalt  }
0x64: {  	_ =	shalt  }
0x65: {  	_ =	shalt  }
0x66: {  	_ =	shalt  }
0x67: {  	_ =	shalt  }
0x68: {  	_ =	shalt  }
0x69: {  	_ =	shalt  }
0x6a: {  	_ =	shalt  }
0x6b: {  	_ =	shalt  }
0x6c: {  	_ =	shalt  }
0x6d: {  	_ =	shalt  }
0x6e: {  	_ =	shalt  }
0x6f: {  	_ =	shalt  }
0x70: {  	_ =	shalt  }
0x71: {  	_ =	shalt  }
0x72: {  	_ =	shalt  }
0x73: {  	_ =	shalt  }
0x74: {  	_ =	shalt  }
0x75: {  	_ =	shalt  }
0x76: {  	_ =	shalt  }
0x77: {  	_ =	shalt  }
0x78: {  	_ =	shalt  }
0x79: {  	_ =	shalt  }
0x7a: {  	_ =	shalt  }
0x7b: {  	_ =	shalt  }
0x7c: {  	_ =	shalt  }
0x7d: {  	_ =	shalt  }
0x7e: {  	_ =	shalt  }
0x7f: {  	_ =	shalt  }
0x80: {  	_ =	shalt  }
0x81: {  	_ =	shalt  }
0x82: {  	_ =	shalt  }
0x83: {  	_ =	shalt  }
0x84: {  	_ =	shalt  }
0x85: {  	_ =	shalt  }
0x86: {  	_ =	shalt  }
0x87: {  	_ =	shalt  }
.Lfunc_end0:
.L_simem_size_0:
called_computation.1_lowered:
.L_overlay_start_0:
0x88: {  	s2 =	sld [smem:$0x3FD9]  }
0x89: {  	s3 =	sld [smem:$0x3FFE];
	_ =	sdelay $0x1  }
0x8a: {  	s1 =	srdreg.scid  }
0x8b: {  	s0 =	sand.u32 $0x1, s1  }
0x8c: {  	s16 =	sshll.u32 s0, $0xA;
	s2 =	sadd.s32 s3, s2  }
0x8d: {  	s2 =	sadd.s32 s2, s16  }
0x8e: {  	[smem:$0x3FC0] =	sst s2  }
0x8f: {  	_ = 	snop  }
0x90: {  	(tm) =	ssettm $0x1  }
0x91: {  	s17 =	sld [smem:$0x3FFB];
	_ =	sdelay $0x3  }
0x92: {  	_ =	strace s17  }
0x93: {  	s2 =	sld [smem:$0x3FFC];
	_ =	sdelay $0x3  }
0x94: {  	_ =	strace s2  }
0x95: {  	s2 =	sld [smem:$0x3FFD];
	_ =	sdelay $0x3  }
0x96: {  	_ =	strace s2  }
0x97: {  	_ =	strace $0x8FFFFFFF  }
0x98: {  	s18 =	sld [smem:$0x3FDB];
	_ =	sdelay $0x1  }
0x99: {  	s19 =	simm.s32 $_scs_section_size  }
0x9a: {  	s4 =	simm.s32 $_size__tile_overlayer_lowered;
	s5 =	simm.s32 $_tile_overlayer_lowered  }
0x9b: {  	s22 =	simm.s32 $0x1BFF;
	s21 =	sshll.u32 s5, $0x1;
	s2 =	sadd.s32 s19, s18  }
0x9c: {  	s6 =	simm.s32 $0x0;
	s20 =	sshll.u32 s4, $0x1;
	s4 =	sadd.s32 s21, s2  }
0x9d: {  	[timem:s6], [sflag:s22] =	dma.local [hbm:s4], s20  }
0x9e: {  	_ =	swait.ge [sflag:s22], s20  }
0x9f: {  	s3 =	ssub.s32 $0x0, s20;
	[sflag:s22] =	ssyncset.done $0x0  }
0xa0: {  	[sflag:s22] =	ssyncadd.s32 s3;
	_ =	sdelay $0x1  }
0xa1: {  	s23 =	simm.s32 $0x1B8B  }
0xa2: {  	_ =	swait.ge [sflag:s23], $0x1  }
0xa3: {  	[sflag:s23] =	ssyncset.done $0x0  }
0xa4: {  	s25 =	simm.s32 $0x1B8E;
	s24 =	sld [smem:$0x3FFE];
	[sflag:s23] =	ssyncadd.s32 $0xFFFFFFFF  }
0xa5: {  	s26 =	simm.s32 $execute0_lowered;
	[smem:$0x3FD2] =	sst s25  }
0xa6: {  	s4 =	sshll.u32 s26, $0x1;
	_ =	strace $0x80000049;
	[dreg:$0x1] =	wrdreg $0xFFFFFFFF  }
0xa7: {  	s28 =	simm.s32 $_size_execute0_lowered;
	s2 =	sadd.s32 s2, s4;
	[dreg:$0x0] =	wrdreg $0x0  }
0xa8: {  	s4 =	sshll.u32 s28, $0x1;
	[dreg:$0x2] =	wrdreg s2  }
0xa9: {  	[dreg:$0x3] =	wrdreg s4  }
0xaa: {  	[dreg:$0x4] =	wrdreg $0xC0  }
0xab: {  	_ =	task [dreg:s6], $0x5FFFF  }
0xac: {  	[dreg:$0x1] =	wrdreg $0xFFFFFFFF  }
0xad: {  	[dreg:$0x0] =	wrdreg $0x60  }
0xae: {  	[dreg:$0x2] =	wrdreg s24  }
0xaf: {  	[dreg:$0x3] =	wrdreg $0x8F000  }
0xb0: {  	[dreg:$0x4] =	wrdreg $0x9  }
0xb1: {  	_ =	task.clear_ibuf [dreg:s6], $0x5FFFF;
	_ =	strace $0x90000049  }
0xb2: {  	s29 =	simm.s32 $0x9;
	_ =	strace $0x8000004B  }
0xb3: {  	_ =	swait.ge [sflag:s29], $0x1  }
0xb4: {  	[sflag:s29] =	ssyncadd.s32 $0xFFFFFFFF  }
0xb5: {  	_ =	strace $0x9000004B  }
0xb6: {  	_ =	sfence  }
0xb7: {  	s30 =	sld [smem:$0x0];
	_ =	sdelay $0x2  }
0xb8: {  	s31 =	sshll.u32 s1, $0xD;
	s1 =	sshrl.u32 s1, $0x2  }
0xb9: {  	s3 =	sand.u32 $0x4000, s31;
	s1 =	sadd.s32 s1, s30  }
0xba: {  	s0 =	sor.u32 s3, s0;
	s1 =	sshll.u32 s1, $0x11  }
0xbb: {  	s0 =	sor.u32 s1, s0  }
0xbc: {  	s0 =	sadd.s32 $0x8F2B, s0  }
0xbd: {  	[sflag:s0] =	ssyncadd.remote.s32 $0x1  }
0xbe: {  	_ =	sfence.sel $0xFFFF  }
0xbf: {  	[dreg:$0x0] =	wrdreg $0xFFFFFFFF;
	(pc) =	sbr.abs _section_cstart, $3  }
0xc0: {  	[dreg:$0x1] =	wrdreg $0xFFFFFFFF  }
0xc1: {  	_ =	task.clear_ibuf [dreg:s6], $0x2FFFF;
	_ =	strace $0x9FFFFFFF  }
0xc2: {  	(tm) =	ssettm $0x7FFFFFFF  }
0xc3: {  	_ =	shalt  }
tec
execute0_lowered:
.L_overlay_start_1:
0x0: {  	(tag) =	ssettag $0x1  }
0x1: {  	s9 =	rddreg [dreg:$0x0]  }
0x2: {  	s0 =	srdreg.scid;
	s2 =	rddreg [dreg:$0x1]  }
0x3: {  	s3 =	simm.s32 $0x0;
	s15 =	simm.s32 $0x1;
	s16 =	simm.s32 $0x80  }
0x4: {  	s17 =	simm.s32 $0x4E80;
	s8 =	sand.u32 $0x1, s0;
	s0 =	stileid.u32  }
0x5: {  	[smem:$0x7FF] =	sst s3;
	s5 =	sadd.s32 $0x16A00, s9;
	s10 =	smul.u32 $0xA000, s0  }
0x6: {  	s21 =	sadd.s32 $0xF2C00, s9;
	s1 =	sshll.u32 s8, $0x4;
	s18 =	smul.u32 $0x14000, s8  }
0x7: {  	s6 =	ssub.s32 $0x2, s8;
	p0 =	seq.s32 s8, $0x0;
	s31 =	sshll.u32 s0, $0x6  }
0x8: {  	s4 =	sor.u32 s0, s1;
	s1 =	rddreg [dreg:$0x2];
	_ =	strace $0x8000004A  }
0x9: {  	s11 =	sshrl.u32 s6, $0x1;
	s4 =	smul.u32 $0x4F0, s4;
	s19 =	sshrl.u32 s10, $0x3  }
0xa: {  	s13 =	sadd.s32 s18, s9;
	s11 =	ssub.s32 s6, s11;
	s14 =	sadd.s32 s10, s2  }
0xb: {  	s21 =	sadd.s32 s18, s21;
	s12 =	sadd.s32 s19, s9;
	s20 =	sadd.s32 $0xCAC00, s13  }
0xc: {  	s13 =	sadd.s32 s5, s19;
	s10 =	smax.u32 s11, $0x1;
	s11 =	simm.s32 $0x2  }
0xd: {  	s7 =	sadd.s32 s4, s9;
	s4 =	sadd.s32 $0x2AA00, s9;
	s8 =	sadd.s32 $0x3EA00, s12  }
0xe: {  	s18 =	sadd.s32 s19, s20;
	s20 =	simm.s32 $0x0;
	s6 =	sadd.s32 $0xCC00, s7  }
0xf: {  	s7 =	sadd.s32 $0x2E00, s7;
	s12 =	sadd.s32 s4, s19;
	s9 =	smov.u32 s8  }
0x10: {  	s8 =	smov.u32 @p0 s13;
	s13 =	sshrl.u32 s14, $0x3;
	s14 =	simm.s32 $0x4F00  }
0x11: {  	s19 =	sadd.s32 s19, s21;
	s9 =	smov.u32 @p0 s12;
	s12 =	sor.u32 $0x1C02, s31  }
.LBB2_1:
0x12: {  	[tilespmem:s3], [sflag:$0x2] =	stream.linear.gather [hbm4b:s6+s3], $0x2780, $0x38;
	[tilespmem:$0x12F00] =	vst v63  }
0x13: {  	_ =	swait.ge [sflag:s11], $0x2780  }
0x14: {  	[sflag:s11] =	ssyncset.done $0x0  }
0x15: {  	s21 =	simm.s32 $0x2780;
	[sflag:s11] =	ssyncadd.s32 $0xFFFFD880  }
0x16: {  	[tilespmem:s21], [sflag:$0x2] =	stream.linear.gather [hbm4b:s7+s3], $0x2780, $0x38;
	[tilespmem:$0x12F00] =	vst v63  }
0x17: {  	_ =	swait.ge [sflag:s11], $0x2780  }
0x18: {  	[sflag:s11] =	ssyncset.done $0x0  }
0x19: {  	[sflag:s11] =	ssyncadd.s32 $0xFFFFD880  }
0x1a: {  	[spmem:s13], [sflag:s12] =	dma.local [hbm:s9], $0x1400  }
0x1b: {  	_ =	swait.ge [sflag:s11], $0x1400  }
0x1c: {  	[sflag:s11] =	ssyncset.done $0x0  }
0x1d: {  	[sflag:s11] =	ssyncadd.s32 $0xFFFFEC00  }
0x1e: {  	[bflag:$0x0] =	sbarrier.arrive $0xFFFF  }
0x1f: {  	[tilespmem:s14], [sflag:$0x1] =	stream.indirect.gather [hbm4b:s4+s16], $0x40, s3, s16, $0xb8;
	[tilespmem:$0x12F00] =	vst v63  }
0x20: {  	s22 =	simm.s32 $0x0;
	_ =	swait.ge [sflag:s15], $0x2000  }
0x21: {  	s22 =	sand.u32 $0x2000, s22;
	[sflag:s15] =	ssyncset.done $0x0  }
0x22: {  	s23 =	sxor.u32 $0x6F00, s22;
	[sflag:s15] =	ssyncadd.s32 $0xFFFFE000  }
0x23: {  	[tilespmem:s23], [sflag:$0x1] =	stream.indirect.gather [hbm4b:s4+s16], $0x40, s16, s16, $0xb8;
	[tilespmem:$0x12F00] =	vst v63  }
0x24: {  	s22 =	sor.u32 $0x4F00, s22  }
0x25: {  	[spmem:s2] =	stream.indirect.scatter.add.f32 [tilespmem:s22], [sflag:$0x2], $0x40, s21, s16, $0xb8;
	[tilespmem:$0x12F00] =	vst v63  }
0x26: {  	_ =	swait.ge [sflag:s11], $0x2000  }
0x27: {  	s23 =	simm.s32 $0x80;
	s22 =	simm.s32 $0x1;
	[sflag:s11] =	ssyncset.done $0x0  }
.LBB2_2:
0x28: {  	[sflag:s11] =	ssyncadd.s32 $0xFFFFE000;
	s21 =	sadd.s32 $0x80, s21;
	s23 =	sadd.s32 $0x80, s23  }
0x29: {  	p0 =	sne.s32 s22, $0x4D;
	s24 =	smov.u32 s22;
	s22 =	sadd.s32 $0x1, s22  }
0x2a: {  	s24 =	sshll.u32 s24, $0xD;
	_ =	swait.ge [sflag:s15], $0x2000  }
0x2b: {  	s24 =	sand.u32 $0x2000, s24;
	[sflag:s15] =	ssyncset.done $0x0  }
0x2c: {  	s25 =	sxor.u32 $0x6F00, s24;
	[sflag:s15] =	ssyncadd.s32 $0xFFFFE000  }
0x2d: {  	[tilespmem:s25], [sflag:$0x1] =	stream.indirect.gather [hbm4b:s4+s16], $0x40, s23, s16, $0xb8;
	[tilespmem:$0x12F00] =	vst v63  }
.Ltmp0:
0x2e: {  	_ = 	snop;
	(pc) =	sbr.rel @p0 .LBB2_2-.Ltmp0, $4  }
0x2f: {  	s24 =	sor.u32 $0x4F00, s24  }
0x30: {  	[spmem:s2] =	stream.indirect.scatter.add.f32 [tilespmem:s24], [sflag:$0x2], $0x40, s21, s16, $0xb8;
	[tilespmem:$0x12F00] =	vst v63  }
0x31: {  	_ =	swait.ge [sflag:s11], $0x2000  }
0x32: {  	[sflag:s11] =	ssyncset.done $0x0  }
0x33: {  	[sflag:s11] =	ssyncadd.s32 $0xFFFFE000  }
0x34: {  	_ =	swait.ge [sflag:s15], $0x2000  }
0x35: {  	[sflag:s15] =	ssyncset.done $0x0  }
0x36: {  	s21 =	simm.s32 $0x80;
	[sflag:s15] =	ssyncadd.s32 $0xFFFFE000  }
0x37: {  	[spmem:s2] =	stream.indirect.scatter.add.f32 [tilespmem:s14], [sflag:$0x2], $0x40, s17, s21, $0xb8;
	[tilespmem:$0x12F00] =	vst v63  }
0x38: {  	_ =	swait.ge [sflag:s11], $0x2000  }
0x39: {  	[sflag:s11] =	ssyncset.done $0x0  }
0x3a: {  	[sflag:s11] =	ssyncadd.s32 $0xFFFFE000  }
0x3b: {  	[bflag:$0x0] =	sbarrier.arrive $0xFFFF  }
0x3c: {  	[hbm:s18], [sflag:s12] =	dma.local [spmem:s13], $0x1400  }
0x3d: {  	_ =	swait.ge [sflag:s11], $0x1400  }
0x3e: {  	[sflag:s11] =	ssyncset.done $0x0  }
0x3f: {  	[sflag:s11] =	ssyncadd.s32 $0xFFFFEC00  }
0x40: {  	[spmem:s13], [sflag:s12] =	dma.local [hbm:s8], $0x1400  }
0x41: {  	_ =	swait.ge [sflag:s11], $0x1400  }
0x42: {  	[sflag:s11] =	ssyncset.done $0x0  }
0x43: {  	[sflag:s11] =	ssyncadd.s32 $0xFFFFEC00  }
0x44: {  	s22 =	simm.s32 $0x0;
	[bflag:$0x0] =	sbarrier.arrive $0xFFFF  }
0x45: {  	[tilespmem:s14], [sflag:$0x1] =	stream.indirect.gather [hbm4b:s5+s21], $0x40, s22, s21, $0xb8;
	[tilespmem:$0x12F00] =	vst v63  }
0x46: {  	s31 =	simm.s32 $0x0;
	_ =	swait.ge [sflag:s15], $0x2000  }
0x47: {  	s23 =	sand.u32 $0x2000, s31;
	[sflag:s15] =	ssyncset.done $0x0  }
0x48: {  	s22 =	sxor.u32 $0x6F00, s23;
	[sflag:s15] =	ssyncadd.s32 $0xFFFFE000  }
0x49: {  	[tilespmem:s22], [sflag:$0x1] =	stream.indirect.gather [hbm4b:s5+s16], $0x40, s21, s16, $0xb8;
	[tilespmem:$0x12F00] =	vst v63  }
0x4a: {  	s23 =	sor.u32 $0x4F00, s23;
	s22 =	simm.s32 $0x2780  }
0x4b: {  	[spmem:s2] =	stream.indirect.scatter.add.f32 [tilespmem:s23], [sflag:$0x2], $0x40, s22, s16, $0xb8;
	[tilespmem:$0x12F00] =	vst v63  }
0x4c: {  	_ =	swait.ge [sflag:s11], $0x2000  }
0x4d: {  	s23 =	simm.s32 $0x1;
	[sflag:s11] =	ssyncset.done $0x0  }
.LBB2_4:
0x4e: {  	[sflag:s11] =	ssyncadd.s32 $0xFFFFE000;
	s22 =	sadd.s32 $0x80, s22;
	s21 =	sadd.s32 $0x80, s21  }
0x4f: {  	p0 =	sne.s32 s23, $0x4D;
	s24 =	smov.u32 s23;
	s23 =	sadd.s32 $0x1, s23  }
0x50: {  	s24 =	sshll.u32 s24, $0xD;
	_ =	swait.ge [sflag:s15], $0x2000  }
0x51: {  	s24 =	sand.u32 $0x2000, s24;
	[sflag:s15] =	ssyncset.done $0x0  }
0x52: {  	s25 =	sxor.u32 $0x6F00, s24;
	[sflag:s15] =	ssyncadd.s32 $0xFFFFE000  }
0x53: {  	[tilespmem:s25], [sflag:$0x1] =	stream.indirect.gather [hbm4b:s5+s16], $0x40, s21, s16, $0xb8;
	[tilespmem:$0x12F00] =	vst v63  }
.Ltmp1:
0x54: {  	_ = 	snop;
	(pc) =	sbr.rel @p0 .LBB2_4-.Ltmp1, $4  }
0x55: {  	s24 =	sor.u32 $0x4F00, s24  }
0x56: {  	[spmem:s2] =	stream.indirect.scatter.add.f32 [tilespmem:s24], [sflag:$0x2], $0x40, s22, s16, $0xb8;
	[tilespmem:$0x12F00] =	vst v63  }
0x57: {  	_ =	swait.ge [sflag:s11], $0x2000  }
0x58: {  	[sflag:s11] =	ssyncset.done $0x0  }
0x59: {  	[sflag:s11] =	ssyncadd.s32 $0xFFFFE000  }
0x5a: {  	_ =	swait.ge [sflag:s15], $0x2000  }
0x5b: {  	[sflag:s15] =	ssyncset.done $0x0  }
0x5c: {  	[sflag:s15] =	ssyncadd.s32 $0xFFFFE000  }
0x5d: {  	[spmem:s2] =	stream.indirect.scatter.add.f32 [tilespmem:s14], [sflag:$0x2], $0x40, s17, s16, $0xb8;
	[tilespmem:$0x12F00] =	vst v63  }
0x5e: {  	_ =	swait.ge [sflag:s11], $0x2000  }
0x5f: {  	s20 =	sadd.s32 $0x1, s20;
	[sflag:s11] =	ssyncset.done $0x0  }
0x60: {  	p0 =	sne.s32 s20, s10;
	[sflag:s11] =	ssyncadd.s32 $0xFFFFE000  }
.Ltmp2:
0x61: {  	[bflag:$0x0] =	sbarrier.arrive $0xFFFF;
	(pc) =	sbr.rel @p0 .LBB2_1-.Ltmp2, $4  }
0x62: {  	[hbm:s19], [sflag:s12] =	dma.local [spmem:s13], $0x1400  }
0x63: {  	_ =	swait.ge [sflag:s11], $0x1400  }
0x64: {  	[sflag:s11] =	ssyncset.done $0x0  }
0x65: {  	[sflag:s11] =	ssyncadd.s32 $0xFFFFEC00  }
0x66: {  	_ =	sfence.sel $0x180000  }
0x67: {  	[bflag:$0x0] =	sbarrier.arrive $0xFFFF  }
0x68: {  	p0 =	sne.s32 s0, $0x0;
	_ =	strace $0x9000004A  }
0x69: {  	s0 =	sadd.s32 @!p0 $0x100000, s1;
	[bflag:$0x2] =	sbarrier.arrive $0xFFFF  }
0x6a: {  	[sflag:s0] =	ssyncadd.tile.s32 @!p0 $0x1;
	_ =	shalt  }
.Lfunc_end2:
_tile_overlayer_lowered:
.L_overlay_start_2:
0x6b: {  	(tag) =	ssettag $0x2  }
0x6c: {  	s0 =	rddreg [dreg:$0x0];
	s2 =	stileid.u32  }
0x6d: {  	s1 =	rddreg [dreg:$0x1];
	p0 =	sne.s32 s2, $0x0  }
0x6e: {  	s3 =	rddreg [dreg:$0x2];
	[bflag:$0x3] =	sbarrier.arrive $0xFFFF;
	s2 =	simm.s32 @!p0 $0x1C02  }
0x6f: {  	[timem:s3], [sflag:s2] =	dma.local @!p0 [hbm:s0], s1  }
0x70: {  	s0 =	simm.s32 @!p0 $0x2  }
0x71: {  	_ =	swait.ge @!p0 [sflag:s0], s1  }
0x72: {  	s1 =	ssub.s32 @!p0 $0x0, s1;
	[sflag:s0] =	ssyncset.done @!p0 $0x0  }
0x73: {  	[sflag:s0] =	ssyncadd.s32 @!p0 s1  }
0x74: {  	[bflag:$0x3] =	sbarrier.arrive $0xFFFF  }
0x75: {  	_ =	shalt  }

// kernel: kernel.15.cloned.1.call-start
scs
__scs_entry_jumppad:
0x0: {  	(pc) =	sbr.rel $0x88, $3  }
0x1: {  	(tag) =	ssettag $0x0;
	lr =	simm.s32 $0x1  }
0x2: {  	[smem:$0x3F99] =	sst lr;
	_ =	strace $0xD0000000  }
0x3: {  	_ = 	snop  }
0x4: {  	_ = 	snop  }
0x5: {  	_ = 	snop  }
0x6: {  	_ = 	snop  }
0x7: {  	_ = 	snop  }
__scs_overlays_trampoline_lowered:
0x8: {  	[smem:$0x3FA8] =	sst s0  }
0x9: {  	[smem:$0x3FA9] =	sst s1  }
0xa: {  	[smem:$0x3FAA] =	sst s2  }
0xb: {  	[smem:$0x3FAB] =	sst s3  }
0xc: {  	[smem:$0x3FAC] =	sst s4  }
0xd: {  	[smem:$0x3FAD] =	sst s5  }
0xe: {  	[smem:$0x3FAE] =	sst s6  }
0xf: {  	[smem:$0x3FAF] =	sst s7  }
0x10: {  	[smem:$0x3FB0] =	sst s8  }
0x11: {  	[smem:$0x3FB1] =	sst s9;
	s0 =	simm.s32 @!p0 $0x0  }
0x12: {  	s1 =	sld [smem:$0x3F97];
	s0 =	simm.s32 @p0 $0x1  }
0x13: {  	[smem:$0x3FB2] =	sst s0;
	s0 =	simm.s32 @!p1 $0x0  }
0x14: {  	s2 =	sld [smem:$0x3F96];
	s0 =	simm.s32 @p1 $0x1  }
0x15: {  	[smem:$0x3FB3] =	sst s0;
	s0 =	simm.s32 @!p2 $0x0  }
0x16: {  	s3 =	sld [smem:$0x3FDB];
	s0 =	simm.s32 @p2 $0x1  }
0x17: {  	s4 =	simm.s32 $0x1BF5;
	[smem:$0x3FB5] =	sst s0  }
0x18: {  	s0 =	sld [smem:$0x3F98];
	_ =	swait.ge [sflag:s4], $0x0  }
0x19: {  	s7 =	sld [smem:$0x3F99]  }
0x1a: {  	s8 =	sadd.s32 $0xFFFFE003, lr  }
0x1b: {  	s9 =	sadd.s32 $0xFFFFFEF7, lr;
	s5 =	simm.s32 $0xFFFFFFFF;
	p2 =	slt.u32 s8, $0xFFFFF086  }
0x1c: {  	p1 =	slt.u32 s9, $0xF7A;
	s5 =	simm.s32 @!p2 $0x0  }
0x1d: {  	s5 =	simm.s32 @p1 $0x1;
	p0 =	seq.s32 s7, s2  }
0x1e: {  	s7 =	smul.u32 @!p0 $0xF7A, s2;
	p2 =	seq.s32 @!p0 s5, $0x0  }
0x1f: {  	s9 =	smul.u32 $0xF7A, s1;
	s8 =	simm.s32 @!p0 $0x1BF5;
	p2 =	por !p2, p0  }
0x20: {  	[sflag:s8] =	ssyncset.s32 @!p0 $0xFFFFF086;
	s6 =	sadd.s32 @!p0 s3, s7;
	s7 =	simm.s32 @!p0 $0x108  }
0x21: {  	s3 =	sadd.s32 s3, s9;
	s6 =	sadd.s32 @!p0 $0x88, s6;
	s7 =	simm.s32 @p2 $0x1082  }
0x22: {  	[simem:s7], [sflag:s8] =	dma.local @!p0 [hbm:s6], $0xF7A  }
0x23: {  	s9 =	sor.u32 $0xD0000000, s2;
	s6 =	simm.s32 $0x108;
	_ =	swait.ge @!p0 [sflag:s8], $0x0  }
0x24: {  	s3 =	sadd.s32 $0x88, s3;
	s6 =	simm.s32 @!p1 $0x1082;
	[sflag:s4] =	ssyncset.s32 $0xFFFFF086  }
0x25: {  	[simem:s6], [sflag:s4] =	dma.local [hbm:s3], $0xF7A  }
0x26: {  	[smem:$0x3F99] =	sst s1;
	(tag) =	ssettag s2;
	_ =	strace s9  }
0x27: {  	s1 =	sld [smem:$0x3FA9]  }
0x28: {  	s2 =	sld [smem:$0x3FAA]  }
0x29: {  	s4 =	sld [smem:$0x3FAC]  }
0x2a: {  	p0 =	seq.s32 s5, $0x0;
	s5 =	sld [smem:$0x3FAD]  }
0x2b: {  	s6 =	sld [smem:$0x3FAE]  }
0x2c: {  	s7 =	sld [smem:$0x3FAF]  }
0x2d: {  	s3 =	simm.s32 $0x108;
	s8 =	sld [smem:$0x3FB0]  }
0x2e: {  	s3 =	simm.s32 @!p0 $0x1082;
	s9 =	sld [smem:$0x3FB1]  }
0x2f: {  	lr =	sadd.s32 s0, s3;
	s0 =	sld [smem:$0x3FA8]  }
0x30: {  	s3 =	sld [smem:$0x3FAB]  }
0x31: {  	[smem:$0x3FB4] =	sst s10  }
0x32: {  	s10 =	sld [smem:$0x3FB2];
	_ =	sdelay $0x3  }
0x33: {  	p0 =	seq.s32 s10, $0x1;
	s10 =	sld [smem:$0x3FB4];
	_ =	sdelay $0x3  }
0x34: {  	[smem:$0x3FB4] =	sst s10  }
0x35: {  	s10 =	sld [smem:$0x3FB3];
	_ =	sdelay $0x3  }
0x36: {  	p1 =	seq.s32 s10, $0x1;
	s10 =	sld [smem:$0x3FB4];
	_ =	sdelay $0x3  }
0x37: {  	[smem:$0x3FB4] =	sst s10  }
0x38: {  	s10 =	sld [smem:$0x3FB5]  }
0x39: {  	_ = 	snop;
	(pc) =	sbr.ind lr, $3  }
0x3a: {  	_ = 	snop  }
0x3b: {  	_ = 	snop  }
0x3c: {  	p2 =	seq.s32 s10, $0x1;
	s10 =	sld [smem:$0x3FB4]  }
0x3d: {  	_ =	shalt  }
0x3e: {  	_ =	shalt  }
0x3f: {  	_ =	shalt  }
0x40: {  	_ =	shalt  }
0x41: {  	_ =	shalt  }
0x42: {  	_ =	shalt  }
0x43: {  	_ =	shalt  }
0x44: {  	_ =	shalt  }
0x45: {  	_ =	shalt  }
0x46: {  	_ =	shalt  }
0x47: {  	_ =	shalt  }
0x48: {  	_ =	shalt  }
0x49: {  	_ =	shalt  }
0x4a: {  	_ =	shalt  }
0x4b: {  	_ =	shalt  }
0x4c: {  	_ =	shalt  }
0x4d: {  	_ =	shalt  }
0x4e: {  	_ =	shalt  }
0x4f: {  	_ =	shalt  }
0x50: {  	_ =	shalt  }
0x51: {  	_ =	shalt  }
0x52: {  	_ =	shalt  }
0x53: {  	_ =	shalt  }
0x54: {  	_ =	shalt  }
0x55: {  	_ =	shalt  }
0x56: {  	_ =	shalt  }
0x57: {  	_ =	shalt  }
0x58: {  	_ =	shalt  }
0x59: {  	_ =	shalt  }
0x5a: {  	_ =	shalt  }
0x5b: {  	_ =	shalt  }
0x5c: {  	_ =	shalt  }
0x5d: {  	_ =	shalt  }
0x5e: {  	_ =	shalt  }
0x5f: {  	_ =	shalt  }
0x60: {  	_ =	shalt  }
0x61: {  	_ =	shalt  }
0x62: {  	_ =	shalt  }
0x63: {  	_ =	shalt  }
0x64: {  	_ =	shalt  }
0x65: {  	_ =	shalt  }
0x66: {  	_ =	shalt  }
0x67: {  	_ =	shalt  }
0x68: {  	_ =	shalt  }
0x69: {  	_ =	shalt  }
0x6a: {  	_ =	shalt  }
0x6b: {  	_ =	shalt  }
0x6c: {  	_ =	shalt  }
0x6d: {  	_ =	shalt  }
0x6e: {  	_ =	shalt  }
0x6f: {  	_ =	shalt  }
0x70: {  	_ =	shalt  }
0x71: {  	_ =	shalt  }
0x72: {  	_ =	shalt  }
0x73: {  	_ =	shalt  }
0x74: {  	_ =	shalt  }
0x75: {  	_ =	shalt  }
0x76: {  	_ =	shalt  }
0x77: {  	_ =	shalt  }
0x78: {  	_ =	shalt  }
0x79: {  	_ =	shalt  }
0x7a: {  	_ =	shalt  }
0x7b: {  	_ =	shalt  }
0x7c: {  	_ =	shalt  }
0x7d: {  	_ =	shalt  }
0x7e: {  	_ =	shalt  }
0x7f: {  	_ =	shalt  }
0x80: {  	_ =	shalt  }
0x81: {  	_ =	shalt  }
0x82: {  	_ =	shalt  }
0x83: {  	_ =	shalt  }
0x84: {  	_ =	shalt  }
0x85: {  	_ =	shalt  }
0x86: {  	_ =	shalt  }
0x87: {  	_ =	shalt  }
.Lfunc_end0:
.L_simem_size_0:
called_computation.2_lowered:
.L_overlay_start_0:
0x88: {  	s2 =	sld [smem:$0x3FD9]  }
0x89: {  	s3 =	sld [smem:$0x3FFE];
	_ =	sdelay $0x1  }
0x8a: {  	s1 =	srdreg.scid  }
0x8b: {  	s0 =	sand.u32 $0x1, s1  }
0x8c: {  	s16 =	sshll.u32 s0, $0xA;
	s2 =	sadd.s32 s3, s2  }
0x8d: {  	s2 =	sadd.s32 s2, s16  }
0x8e: {  	[smem:$0x3FC0] =	sst s2  }
0x8f: {  	_ = 	snop  }
0x90: {  	(tm) =	ssettm $0x1  }
0x91: {  	s17 =	sld [smem:$0x3FFB];
	_ =	sdelay $0x3  }
0x92: {  	_ =	strace s17  }
0x93: {  	s2 =	sld [smem:$0x3FFC];
	_ =	sdelay $0x3  }
0x94: {  	_ =	strace s2  }
0x95: {  	s2 =	sld [smem:$0x3FFD];
	_ =	sdelay $0x3  }
0x96: {  	_ =	strace s2  }
0x97: {  	_ =	strace $0x8FFFFFFF  }
0x98: {  	s18 =	sld [smem:$0x3FDB];
	_ =	sdelay $0x1  }
0x99: {  	s19 =	simm.s32 $_scs_section_size  }
0x9a: {  	s4 =	simm.s32 $_size__tile_overlayer_lowered;
	s5 =	simm.s32 $_tile_overlayer_lowered  }
0x9b: {  	s22 =	simm.s32 $0x1BFF;
	s21 =	sshll.u32 s5, $0x1;
	s2 =	sadd.s32 s19, s18  }
0x9c: {  	s6 =	simm.s32 $0x0;
	s20 =	sshll.u32 s4, $0x1;
	s4 =	sadd.s32 s21, s2  }
0x9d: {  	[timem:s6], [sflag:s22] =	dma.local [hbm:s4], s20  }
0x9e: {  	_ =	swait.ge [sflag:s22], s20  }
0x9f: {  	s3 =	ssub.s32 $0x0, s20;
	[sflag:s22] =	ssyncset.done $0x0  }
0xa0: {  	[sflag:s22] =	ssyncadd.s32 s3;
	_ =	sdelay $0x1  }
0xa1: {  	s23 =	simm.s32 $0x1B8B  }
0xa2: {  	_ =	swait.ge [sflag:s23], $0x1  }
0xa3: {  	[sflag:s23] =	ssyncset.done $0x0  }
0xa4: {  	s25 =	simm.s32 $0x1B8E;
	s24 =	sld [smem:$0x3FFE];
	[sflag:s23] =	ssyncadd.s32 $0xFFFFFFFF  }
0xa5: {  	s26 =	simm.s32 $execute0_lowered;
	[smem:$0x3FD2] =	sst s25  }
0xa6: {  	s4 =	sshll.u32 s26, $0x1;
	_ =	strace $0x8000004C;
	[dreg:$0x1] =	wrdreg $0xFFFFFFFF  }
0xa7: {  	s28 =	simm.s32 $_size_execute0_lowered;
	s2 =	sadd.s32 s2, s4;
	[dreg:$0x0] =	wrdreg $0x0  }
0xa8: {  	s4 =	sshll.u32 s28, $0x1;
	[dreg:$0x2] =	wrdreg s2  }
0xa9: {  	[dreg:$0x3] =	wrdreg s4  }
0xaa: {  	[dreg:$0x4] =	wrdreg $0xC0  }
0xab: {  	_ =	task [dreg:s6], $0x5FFFF  }
0xac: {  	[dreg:$0x1] =	wrdreg $0xFFFFFFFF  }
0xad: {  	[dreg:$0x0] =	wrdreg $0x60  }
0xae: {  	[dreg:$0x2] =	wrdreg s24  }
0xaf: {  	[dreg:$0x3] =	wrdreg $0x8F000  }
0xb0: {  	[dreg:$0x4] =	wrdreg $0x9  }
0xb1: {  	_ =	task.clear_ibuf [dreg:s6], $0x5FFFF;
	_ =	strace $0x9000004C  }
0xb2: {  	s29 =	simm.s32 $0x9;
	_ =	strace $0x8000004E  }
0xb3: {  	_ =	swait.ge [sflag:s29], $0x1  }
0xb4: {  	[sflag:s29] =	ssyncadd.s32 $0xFFFFFFFF  }
0xb5: {  	_ =	strace $0x9000004E  }
0xb6: {  	_ =	sfence  }
0xb7: {  	s30 =	sld [smem:$0x0];
	_ =	sdelay $0x2  }
0xb8: {  	s31 =	sshll.u32 s1, $0xD;
	s1 =	sshrl.u32 s1, $0x2  }
0xb9: {  	s3 =	sand.u32 $0x4000, s31;
	s1 =	sadd.s32 s1, s30  }
0xba: {  	s0 =	sor.u32 s3, s0;
	s1 =	sshll.u32 s1, $0x11  }
0xbb: {  	s0 =	sor.u32 s1, s0  }
0xbc: {  	s0 =	sadd.s32 $0x8F2B, s0  }
0xbd: {  	[sflag:s0] =	ssyncadd.remote.s32 $0x1  }
0xbe: {  	_ =	sfence.sel $0xFFFF  }
0xbf: {  	[dreg:$0x0] =	wrdreg $0xFFFFFFFF;
	(pc) =	sbr.abs _section_cstart, $3  }
0xc0: {  	[dreg:$0x1] =	wrdreg $0xFFFFFFFF  }
0xc1: {  	_ =	task.clear_ibuf [dreg:s6], $0x2FFFF;
	_ =	strace $0x9FFFFFFF  }
0xc2: {  	(tm) =	ssettm $0x7FFFFFFF  }
0xc3: {  	_ =	shalt  }
tec
execute0_lowered:
.L_overlay_start_1:
0x0: {  	(tag) =	ssettag $0x1  }
0x1: {  	s9 =	rddreg [dreg:$0x0]  }
0x2: {  	s0 =	srdreg.scid;
	s2 =	rddreg [dreg:$0x1]  }
0x3: {  	s3 =	simm.s32 $0x0;
	s15 =	simm.s32 $0x1;
	s16 =	simm.s32 $0x80  }
0x4: {  	s17 =	simm.s32 $0x4E80;
	s8 =	sand.u32 $0x1, s0;
	s0 =	stileid.u32  }
0x5: {  	[smem:$0x7FF] =	sst s3;
	s5 =	sadd.s32 $0x16A00, s9;
	s10 =	smul.u32 $0xA000, s0  }
0x6: {  	s21 =	sadd.s32 $0xF2C00, s9;
	s1 =	sshll.u32 s8, $0x4;
	s18 =	smul.u32 $0x14000, s8  }
0x7: {  	s6 =	ssub.s32 $0x2, s8;
	p0 =	seq.s32 s8, $0x0;
	s31 =	sshll.u32 s0, $0x6  }
0x8: {  	s4 =	sor.u32 s0, s1;
	s1 =	rddreg [dreg:$0x2];
	_ =	strace $0x8000004D  }
0x9: {  	s11 =	sshrl.u32 s6, $0x1;
	s4 =	smul.u32 $0x4F0, s4;
	s19 =	sshrl.u32 s10, $0x3  }
0xa: {  	s13 =	sadd.s32 s18, s9;
	s11 =	ssub.s32 s6, s11;
	s14 =	sadd.s32 s10, s2  }
0xb: {  	s21 =	sadd.s32 s18, s21;
	s12 =	sadd.s32 s19, s9;
	s20 =	sadd.s32 $0xCAC00, s13  }
0xc: {  	s13 =	sadd.s32 s5, s19;
	s10 =	smax.u32 s11, $0x1;
	s11 =	simm.s32 $0x2  }
0xd: {  	s7 =	sadd.s32 s4, s9;
	s4 =	sadd.s32 $0x2AA00, s9;
	s8 =	sadd.s32 $0x3EA00, s12  }
0xe: {  	s18 =	sadd.s32 s19, s20;
	s20 =	simm.s32 $0x0;
	s6 =	sadd.s32 $0xCC00, s7  }
0xf: {  	s7 =	sadd.s32 $0x2E00, s7;
	s12 =	sadd.s32 s4, s19;
	s9 =	smov.u32 s8  }
0x10: {  	s8 =	smov.u32 @p0 s13;
	s13 =	sshrl.u32 s14, $0x3;
	s14 =	simm.s32 $0x4F00  }
0x11: {  	s19 =	sadd.s32 s19, s21;
	s9 =	smov.u32 @p0 s12;
	s12 =	sor.u32 $0x1C02, s31  }
.LBB2_1:
0x12: {  	[tilespmem:s3], [sflag:$0x2] =	stream.linear.gather [hbm4b:s6+s3], $0x2780, $0x38;
	[tilespmem:$0x12F00] =	vst v63  }
0x13: {  	_ =	swait.ge [sflag:s11], $0x2780  }
0x14: {  	[sflag:s11] =	ssyncset.done $0x0  }
0x15: {  	s21 =	simm.s32 $0x2780;
	[sflag:s11] =	ssyncadd.s32 $0xFFFFD880  }
0x16: {  	[tilespmem:s21], [sflag:$0x2] =	stream.linear.gather [hbm4b:s7+s3], $0x2780, $0x38;
	[tilespmem:$0x12F00] =	vst v63  }
0x17: {  	_ =	swait.ge [sflag:s11], $0x2780  }
0x18: {  	[sflag:s11] =	ssyncset.done $0x0  }
0x19: {  	[sflag:s11] =	ssyncadd.s32 $0xFFFFD880  }
0x1a: {  	[spmem:s13], [sflag:s12] =	dma.local [hbm:s9], $0x1400  }
0x1b: {  	_ =	swait.ge [sflag:s11], $0x1400  }
0x1c: {  	[sflag:s11] =	ssyncset.done $0x0  }
0x1d: {  	[sflag:s11] =	ssyncadd.s32 $0xFFFFEC00  }
0x1e: {  	[bflag:$0x0] =	sbarrier.arrive $0xFFFF  }
0x1f: {  	[tilespmem:s14], [sflag:$0x1] =	stream.indirect.gather [hbm4b:s4+s16], $0x40, s3, s16, $0xb8;
	[tilespmem:$0x12F00] =	vst v63  }
0x20: {  	s22 =	simm.s32 $0x0;
	_ =	swait.ge [sflag:s15], $0x2000  }
0x21: {  	s22 =	sand.u32 $0x2000, s22;
	[sflag:s15] =	ssyncset.done $0x0  }
0x22: {  	s23 =	sxor.u32 $0x6F00, s22;
	[sflag:s15] =	ssyncadd.s32 $0xFFFFE000  }
0x23: {  	[tilespmem:s23], [sflag:$0x1] =	stream.indirect.gather [hbm4b:s4+s16], $0x40, s16, s16, $0xb8;
	[tilespmem:$0x12F00] =	vst v63  }
0x24: {  	s22 =	sor.u32 $0x4F00, s22  }
0x25: {  	[spmem:s2] =	stream.indirect.scatter.add.f32 [tilespmem:s22], [sflag:$0x2], $0x40, s21, s16, $0xb8;
	[tilespmem:$0x12F00] =	vst v63  }
0x26: {  	_ =	swait.ge [sflag:s11], $0x2000  }
0x27: {  	s23 =	simm.s32 $0x80;
	s22 =	simm.s32 $0x1;
	[sflag:s11] =	ssyncset.done $0x0  }
.LBB2_2:
0x28: {  	[sflag:s11] =	ssyncadd.s32 $0xFFFFE000;
	s21 =	sadd.s32 $0x80, s21;
	s23 =	sadd.s32 $0x80, s23  }
0x29: {  	p0 =	sne.s32 s22, $0x4D;
	s24 =	smov.u32 s22;
	s22 =	sadd.s32 $0x1, s22  }
0x2a: {  	s24 =	sshll.u32 s24, $0xD;
	_ =	swait.ge [sflag:s15], $0x2000  }
0x2b: {  	s24 =	sand.u32 $0x2000, s24;
	[sflag:s15] =	ssyncset.done $0x0  }
0x2c: {  	s25 =	sxor.u32 $0x6F00, s24;
	[sflag:s15] =	ssyncadd.s32 $0xFFFFE000  }
0x2d: {  	[tilespmem:s25], [sflag:$0x1] =	stream.indirect.gather [hbm4b:s4+s16], $0x40, s23, s16, $0xb8;
	[tilespmem:$0x12F00] =	vst v63  }
.Ltmp0:
0x2e: {  	_ = 	snop;
	(pc) =	sbr.rel @p0 .LBB2_2-.Ltmp0, $4  }
0x2f: {  	s24 =	sor.u32 $0x4F00, s24  }
0x30: {  	[spmem:s2] =	stream.indirect.scatter.add.f32 [tilespmem:s24], [sflag:$0x2], $0x40, s21, s16, $0xb8;
	[tilespmem:$0x12F00] =	vst v63  }
0x31: {  	_ =	swait.ge [sflag:s11], $0x2000  }
0x32: {  	[sflag:s11] =	ssyncset.done $0x0  }
0x33: {  	[sflag:s11] =	ssyncadd.s32 $0xFFFFE000  }
0x34: {  	_ =	swait.ge [sflag:s15], $0x2000  }
0x35: {  	[sflag:s15] =	ssyncset.done $0x0  }
0x36: {  	s21 =	simm.s32 $0x80;
	[sflag:s15] =	ssyncadd.s32 $0xFFFFE000  }
0x37: {  	[spmem:s2] =	stream.indirect.scatter.add.f32 [tilespmem:s14], [sflag:$0x2], $0x40, s17, s21, $0xb8;
	[tilespmem:$0x12F00] =	vst v63  }
0x38: {  	_ =	swait.ge [sflag:s11], $0x2000  }
0x39: {  	[sflag:s11] =	ssyncset.done $0x0  }
0x3a: {  	[sflag:s11] =	ssyncadd.s32 $0xFFFFE000  }
0x3b: {  	[bflag:$0x0] =	sbarrier.arrive $0xFFFF  }
0x3c: {  	[hbm:s18], [sflag:s12] =	dma.local [spmem:s13], $0x1400  }
0x3d: {  	_ =	swait.ge [sflag:s11], $0x1400  }
0x3e: {  	[sflag:s11] =	ssyncset.done $0x0  }
0x3f: {  	[sflag:s11] =	ssyncadd.s32 $0xFFFFEC00  }
0x40: {  	[spmem:s13], [sflag:s12] =	dma.local [hbm:s8], $0x1400  }
0x41: {  	_ =	swait.ge [sflag:s11], $0x1400  }
0x42: {  	[sflag:s11] =	ssyncset.done $0x0  }
0x43: {  	[sflag:s11] =	ssyncadd.s32 $0xFFFFEC00  }
0x44: {  	s22 =	simm.s32 $0x0;
	[bflag:$0x0] =	sbarrier.arrive $0xFFFF  }
0x45: {  	[tilespmem:s14], [sflag:$0x1] =	stream.indirect.gather [hbm4b:s5+s21], $0x40, s22, s21, $0xb8;
	[tilespmem:$0x12F00] =	vst v63  }
0x46: {  	s31 =	simm.s32 $0x0;
	_ =	swait.ge [sflag:s15], $0x2000  }
0x47: {  	s23 =	sand.u32 $0x2000, s31;
	[sflag:s15] =	ssyncset.done $0x0  }
0x48: {  	s22 =	sxor.u32 $0x6F00, s23;
	[sflag:s15] =	ssyncadd.s32 $0xFFFFE000  }
0x49: {  	[tilespmem:s22], [sflag:$0x1] =	stream.indirect.gather [hbm4b:s5+s16], $0x40, s21, s16, $0xb8;
	[tilespmem:$0x12F00] =	vst v63  }
0x4a: {  	s23 =	sor.u32 $0x4F00, s23;
	s22 =	simm.s32 $0x2780  }
0x4b: {  	[spmem:s2] =	stream.indirect.scatter.add.f32 [tilespmem:s23], [sflag:$0x2], $0x40, s22, s16, $0xb8;
	[tilespmem:$0x12F00] =	vst v63  }
0x4c: {  	_ =	swait.ge [sflag:s11], $0x2000  }
0x4d: {  	s23 =	simm.s32 $0x1;
	[sflag:s11] =	ssyncset.done $0x0  }
.LBB2_4:
0x4e: {  	[sflag:s11] =	ssyncadd.s32 $0xFFFFE000;
	s22 =	sadd.s32 $0x80, s22;
	s21 =	sadd.s32 $0x80, s21  }
0x4f: {  	p0 =	sne.s32 s23, $0x4D;
	s24 =	smov.u32 s23;
	s23 =	sadd.s32 $0x1, s23  }
0x50: {  	s24 =	sshll.u32 s24, $0xD;
	_ =	swait.ge [sflag:s15], $0x2000  }
0x51: {  	s24 =	sand.u32 $0x2000, s24;
	[sflag:s15] =	ssyncset.done $0x0  }
0x52: {  	s25 =	sxor.u32 $0x6F00, s24;
	[sflag:s15] =	ssyncadd.s32 $0xFFFFE000  }
0x53: {  	[tilespmem:s25], [sflag:$0x1] =	stream.indirect.gather [hbm4b:s5+s16], $0x40, s21, s16, $0xb8;
	[tilespmem:$0x12F00] =	vst v63  }
.Ltmp1:
0x54: {  	_ = 	snop;
	(pc) =	sbr.rel @p0 .LBB2_4-.Ltmp1, $4  }
0x55: {  	s24 =	sor.u32 $0x4F00, s24  }
0x56: {  	[spmem:s2] =	stream.indirect.scatter.add.f32 [tilespmem:s24], [sflag:$0x2], $0x40, s22, s16, $0xb8;
	[tilespmem:$0x12F00] =	vst v63  }
0x57: {  	_ =	swait.ge [sflag:s11], $0x2000  }
0x58: {  	[sflag:s11] =	ssyncset.done $0x0  }
0x59: {  	[sflag:s11] =	ssyncadd.s32 $0xFFFFE000  }
0x5a: {  	_ =	swait.ge [sflag:s15], $0x2000  }
0x5b: {  	[sflag:s15] =	ssyncset.done $0x0  }
0x5c: {  	[sflag:s15] =	ssyncadd.s32 $0xFFFFE000  }
0x5d: {  	[spmem:s2] =	stream.indirect.scatter.add.f32 [tilespmem:s14], [sflag:$0x2], $0x40, s17, s16, $0xb8;
	[tilespmem:$0x12F00] =	vst v63  }
0x5e: {  	_ =	swait.ge [sflag:s11], $0x2000  }
0x5f: {  	s20 =	sadd.s32 $0x1, s20;
	[sflag:s11] =	ssyncset.done $0x0  }
0x60: {  	p0 =	sne.s32 s20, s10;
	[sflag:s11] =	ssyncadd.s32 $0xFFFFE000  }
.Ltmp2:
0x61: {  	[bflag:$0x0] =	sbarrier.arrive $0xFFFF;
	(pc) =	sbr.rel @p0 .LBB2_1-.Ltmp2, $4  }
0x62: {  	[hbm:s19], [sflag:s12] =	dma.local [spmem:s13], $0x1400  }
0x63: {  	_ =	swait.ge [sflag:s11], $0x1400  }
0x64: {  	[sflag:s11] =	ssyncset.done $0x0  }
0x65: {  	[sflag:s11] =	ssyncadd.s32 $0xFFFFEC00  }
0x66: {  	_ =	sfence.sel $0x180000  }
0x67: {  	[bflag:$0x0] =	sbarrier.arrive $0xFFFF  }
0x68: {  	p0 =	sne.s32 s0, $0x0;
	_ =	strace $0x9000004D  }
0x69: {  	s0 =	sadd.s32 @!p0 $0x100000, s1;
	[bflag:$0x2] =	sbarrier.arrive $0xFFFF  }
0x6a: {  	[sflag:s0] =	ssyncadd.tile.s32 @!p0 $0x1;
	_ =	shalt  }
.Lfunc_end2:
_tile_overlayer_lowered:
.L_overlay_start_2:
0x6b: {  	(tag) =	ssettag $0x2  }
0x6c: {  	s0 =	rddreg [dreg:$0x0];
	s2 =	stileid.u32  }
0x6d: {  	s1 =	rddreg [dreg:$0x1];
	p0 =	sne.s32 s2, $0x0  }
0x6e: {  	s3 =	rddreg [dreg:$0x2];
	[bflag:$0x3] =	sbarrier.arrive $0xFFFF;
	s2 =	simm.s32 @!p0 $0x1C02  }
0x6f: {  	[timem:s3], [sflag:s2] =	dma.local @!p0 [hbm:s0], s1  }
0x70: {  	s0 =	simm.s32 @!p0 $0x2  }
0x71: {  	_ =	swait.ge @!p0 [sflag:s0], s1  }
0x72: {  	s1 =	ssub.s32 @!p0 $0x0, s1;
	[sflag:s0] =	ssyncset.done @!p0 $0x0  }
0x73: {  	[sflag:s0] =	ssyncadd.s32 @!p0 s1  }
0x74: {  	[bflag:$0x3] =	sbarrier.arrive $0xFFFF  }
0x75: {  	_ =	shalt  }

// kernel: kernel.9.cloned.1.call-start
scs
__scs_entry_jumppad:
0x0: {  	(pc) =	sbr.rel $0x88, $3  }
0x1: {  	(tag) =	ssettag $0x0;
	lr =	simm.s32 $0x1  }
0x2: {  	[smem:$0x3F99] =	sst lr;
	_ =	strace $0xD0000000  }
0x3: {  	_ = 	snop  }
0x4: {  	_ = 	snop  }
0x5: {  	_ = 	snop  }
0x6: {  	_ = 	snop  }
0x7: {  	_ = 	snop  }
__scs_overlays_trampoline_lowered:
0x8: {  	[smem:$0x3FA8] =	sst s0  }
0x9: {  	[smem:$0x3FA9] =	sst s1  }
0xa: {  	[smem:$0x3FAA] =	sst s2  }
0xb: {  	[smem:$0x3FAB] =	sst s3  }
0xc: {  	[smem:$0x3FAC] =	sst s4  }
0xd: {  	[smem:$0x3FAD] =	sst s5  }
0xe: {  	[smem:$0x3FAE] =	sst s6  }
0xf: {  	[smem:$0x3FAF] =	sst s7  }
0x10: {  	[smem:$0x3FB0] =	sst s8  }
0x11: {  	[smem:$0x3FB1] =	sst s9;
	s0 =	simm.s32 @!p0 $0x0  }
0x12: {  	s1 =	sld [smem:$0x3F97];
	s0 =	simm.s32 @p0 $0x1  }
0x13: {  	[smem:$0x3FB2] =	sst s0;
	s0 =	simm.s32 @!p1 $0x0  }
0x14: {  	s2 =	sld [smem:$0x3F96];
	s0 =	simm.s32 @p1 $0x1  }
0x15: {  	[smem:$0x3FB3] =	sst s0;
	s0 =	simm.s32 @!p2 $0x0  }
0x16: {  	s3 =	sld [smem:$0x3FDB];
	s0 =	simm.s32 @p2 $0x1  }
0x17: {  	s4 =	simm.s32 $0x1BF5;
	[smem:$0x3FB5] =	sst s0  }
0x18: {  	s0 =	sld [smem:$0x3F98];
	_ =	swait.ge [sflag:s4], $0x0  }
0x19: {  	s7 =	sld [smem:$0x3F99]  }
0x1a: {  	s8 =	sadd.s32 $0xFFFFE003, lr  }
0x1b: {  	s9 =	sadd.s32 $0xFFFFFEF7, lr;
	s5 =	simm.s32 $0xFFFFFFFF;
	p2 =	slt.u32 s8, $0xFFFFF086  }
0x1c: {  	p1 =	slt.u32 s9, $0xF7A;
	s5 =	simm.s32 @!p2 $0x0  }
0x1d: {  	s5 =	simm.s32 @p1 $0x1;
	p0 =	seq.s32 s7, s2  }
0x1e: {  	s7 =	smul.u32 @!p0 $0xF7A, s2;
	p2 =	seq.s32 @!p0 s5, $0x0  }
0x1f: {  	s9 =	smul.u32 $0xF7A, s1;
	s8 =	simm.s32 @!p0 $0x1BF5;
	p2 =	por !p2, p0  }
0x20: {  	[sflag:s8] =	ssyncset.s32 @!p0 $0xFFFFF086;
	s6 =	sadd.s32 @!p0 s3, s7;
	s7 =	simm.s32 @!p0 $0x108  }
0x21: {  	s3 =	sadd.s32 s3, s9;
	s6 =	sadd.s32 @!p0 $0x88, s6;
	s7 =	simm.s32 @p2 $0x1082  }
0x22: {  	[simem:s7], [sflag:s8] =	dma.local @!p0 [hbm:s6], $0xF7A  }
0x23: {  	s9 =	sor.u32 $0xD0000000, s2;
	s6 =	simm.s32 $0x108;
	_ =	swait.ge @!p0 [sflag:s8], $0x0  }
0x24: {  	s3 =	sadd.s32 $0x88, s3;
	s6 =	simm.s32 @!p1 $0x1082;
	[sflag:s4] =	ssyncset.s32 $0xFFFFF086  }
0x25: {  	[simem:s6], [sflag:s4] =	dma.local [hbm:s3], $0xF7A  }
0x26: {  	[smem:$0x3F99] =	sst s1;
	(tag) =	ssettag s2;
	_ =	strace s9  }
0x27: {  	s1 =	sld [smem:$0x3FA9]  }
0x28: {  	s2 =	sld [smem:$0x3FAA]  }
0x29: {  	s4 =	sld [smem:$0x3FAC]  }
0x2a: {  	p0 =	seq.s32 s5, $0x0;
	s5 =	sld [smem:$0x3FAD]  }
0x2b: {  	s6 =	sld [smem:$0x3FAE]  }
0x2c: {  	s7 =	sld [smem:$0x3FAF]  }
0x2d: {  	s3 =	simm.s32 $0x108;
	s8 =	sld [smem:$0x3FB0]  }
0x2e: {  	s3 =	simm.s32 @!p0 $0x1082;
	s9 =	sld [smem:$0x3FB1]  }
0x2f: {  	lr =	sadd.s32 s0, s3;
	s0 =	sld [smem:$0x3FA8]  }
0x30: {  	s3 =	sld [smem:$0x3FAB]  }
0x31: {  	[smem:$0x3FB4] =	sst s10  }
0x32: {  	s10 =	sld [smem:$0x3FB2];
	_ =	sdelay $0x3  }
0x33: {  	p0 =	seq.s32 s10, $0x1;
	s10 =	sld [smem:$0x3FB4];
	_ =	sdelay $0x3  }
0x34: {  	[smem:$0x3FB4] =	sst s10  }
0x35: {  	s10 =	sld [smem:$0x3FB3];
	_ =	sdelay $0x3  }
0x36: {  	p1 =	seq.s32 s10, $0x1;
	s10 =	sld [smem:$0x3FB4];
	_ =	sdelay $0x3  }
0x37: {  	[smem:$0x3FB4] =	sst s10  }
0x38: {  	s10 =	sld [smem:$0x3FB5]  }
0x39: {  	_ = 	snop;
	(pc) =	sbr.ind lr, $3  }
0x3a: {  	_ = 	snop  }
0x3b: {  	_ = 	snop  }
0x3c: {  	p2 =	seq.s32 s10, $0x1;
	s10 =	sld [smem:$0x3FB4]  }
0x3d: {  	_ =	shalt  }
0x3e: {  	_ =	shalt  }
0x3f: {  	_ =	shalt  }
0x40: {  	_ =	shalt  }
0x41: {  	_ =	shalt  }
0x42: {  	_ =	shalt  }
0x43: {  	_ =	shalt  }
0x44: {  	_ =	shalt  }
0x45: {  	_ =	shalt  }
0x46: {  	_ =	shalt  }
0x47: {  	_ =	shalt  }
0x48: {  	_ =	shalt  }
0x49: {  	_ =	shalt  }
0x4a: {  	_ =	shalt  }
0x4b: {  	_ =	shalt  }
0x4c: {  	_ =	shalt  }
0x4d: {  	_ =	shalt  }
0x4e: {  	_ =	shalt  }
0x4f: {  	_ =	shalt  }
0x50: {  	_ =	shalt  }
0x51: {  	_ =	shalt  }
0x52: {  	_ =	shalt  }
0x53: {  	_ =	shalt  }
0x54: {  	_ =	shalt  }
0x55: {  	_ =	shalt  }
0x56: {  	_ =	shalt  }
0x57: {  	_ =	shalt  }
0x58: {  	_ =	shalt  }
0x59: {  	_ =	shalt  }
0x5a: {  	_ =	shalt  }
0x5b: {  	_ =	shalt  }
0x5c: {  	_ =	shalt  }
0x5d: {  	_ =	shalt  }
0x5e: {  	_ =	shalt  }
0x5f: {  	_ =	shalt  }
0x60: {  	_ =	shalt  }
0x61: {  	_ =	shalt  }
0x62: {  	_ =	shalt  }
0x63: {  	_ =	shalt  }
0x64: {  	_ =	shalt  }
0x65: {  	_ =	shalt  }
0x66: {  	_ =	shalt  }
0x67: {  	_ =	shalt  }
0x68: {  	_ =	shalt  }
0x69: {  	_ =	shalt  }
0x6a: {  	_ =	shalt  }
0x6b: {  	_ =	shalt  }
0x6c: {  	_ =	shalt  }
0x6d: {  	_ =	shalt  }
0x6e: {  	_ =	shalt  }
0x6f: {  	_ =	shalt  }
0x70: {  	_ =	shalt  }
0x71: {  	_ =	shalt  }
0x72: {  	_ =	shalt  }
0x73: {  	_ =	shalt  }
0x74: {  	_ =	shalt  }
0x75: {  	_ =	shalt  }
0x76: {  	_ =	shalt  }
0x77: {  	_ =	shalt  }
0x78: {  	_ =	shalt  }
0x79: {  	_ =	shalt  }
0x7a: {  	_ =	shalt  }
0x7b: {  	_ =	shalt  }
0x7c: {  	_ =	shalt  }
0x7d: {  	_ =	shalt  }
0x7e: {  	_ =	shalt  }
0x7f: {  	_ =	shalt  }
0x80: {  	_ =	shalt  }
0x81: {  	_ =	shalt  }
0x82: {  	_ =	shalt  }
0x83: {  	_ =	shalt  }
0x84: {  	_ =	shalt  }
0x85: {  	_ =	shalt  }
0x86: {  	_ =	shalt  }
0x87: {  	_ =	shalt  }
.Lfunc_end0:
.L_simem_size_0:
called_computation_lowered:
.L_overlay_start_0:
0x88: {  	s2 =	sld [smem:$0x3FD9]  }
0x89: {  	s3 =	sld [smem:$0x3FFE];
	_ =	sdelay $0x1  }
0x8a: {  	s1 =	srdreg.scid  }
0x8b: {  	s0 =	sand.u32 $0x1, s1  }
0x8c: {  	s17 =	sshll.u32 s0, $0xA;
	s2 =	sadd.s32 s3, s2  }
0x8d: {  	s2 =	sadd.s32 s2, s17  }
0x8e: {  	[smem:$0x3FC0] =	sst s2  }
0x8f: {  	_ = 	snop  }
0x90: {  	s2 =	sld [smem:$0x3FD0];
	(tm) =	ssettm $0x1  }
0x91: {  	s18 =	sld [smem:$0x3FFB];
	_ =	sdelay $0x3  }
0x92: {  	_ =	strace s18  }
0x93: {  	s3 =	sld [smem:$0x3FFC];
	_ =	sdelay $0x3  }
0x94: {  	_ =	strace s3  }
0x95: {  	s3 =	sld [smem:$0x3FFD];
	_ =	sdelay $0x3  }
0x96: {  	_ =	strace s3  }
0x97: {  	_ =	strace $0x8FFFFFFF  }
0x98: {  	s19 =	sld [smem:$0x3FDB];
	_ =	sdelay $0x1  }
0x99: {  	s4 =	simm.s32 $_scs_section_size  }
0x9a: {  	s5 =	simm.s32 $_size__tile_overlayer_lowered;
	s6 =	simm.s32 $_tile_overlayer_lowered  }
0x9b: {  	s22 =	simm.s32 $0x1BFF;
	s21 =	sshll.u32 s6, $0x1;
	s3 =	sadd.s32 s4, s19  }
0x9c: {  	s7 =	simm.s32 $0x0;
	s20 =	sshll.u32 s5, $0x1;
	s5 =	sadd.s32 s21, s3  }
0x9d: {  	[timem:s7], [sflag:s22] =	dma.local [hbm:s5], s20  }
0x9e: {  	_ =	swait.ge [sflag:s22], s20  }
0x9f: {  	s4 =	ssub.s32 $0x0, s20;
	[sflag:s22] =	ssyncset.done $0x0  }
0xa0: {  	[sflag:s22] =	ssyncadd.s32 s4;
	_ =	sdelay $0x1  }
0xa1: {  	s23 =	simm.s32 $0x1B8B  }
0xa2: {  	_ =	swait.ge [sflag:s23], $0x1  }
0xa3: {  	[sflag:s23] =	ssyncset.done $0x0  }
0xa4: {  	s25 =	simm.s32 $0x1B8E;
	s24 =	sld [smem:$0x3FFE];
	[sflag:s23] =	ssyncadd.s32 $0xFFFFFFFF  }
0xa5: {  	s26 =	simm.s32 $execute0_lowered;
	[smem:$0x3FD2] =	sst s25  }
0xa6: {  	s5 =	sshll.u32 s26, $0x1;
	_ =	strace $0x80000046;
	[dreg:$0x1] =	wrdreg $0xFFFFFFFF  }
0xa7: {  	s28 =	simm.s32 $_size_execute0_lowered;
	s3 =	sadd.s32 s3, s5;
	[dreg:$0x0] =	wrdreg $0x0  }
0xa8: {  	s5 =	sshll.u32 s28, $0x1;
	[dreg:$0x2] =	wrdreg s3  }
0xa9: {  	[dreg:$0x3] =	wrdreg s5  }
0xaa: {  	[dreg:$0x4] =	wrdreg $0xC0  }
0xab: {  	_ =	task [dreg:s7], $0x5FFFF  }
0xac: {  	[dreg:$0x1] =	wrdreg $0xFFFFFFFF  }
0xad: {  	[dreg:$0x0] =	wrdreg $0x60  }
0xae: {  	[dreg:$0x2] =	wrdreg s24  }
0xaf: {  	[dreg:$0x3] =	wrdreg s2  }
0xb0: {  	[dreg:$0x4] =	wrdreg $0x8F000  }
0xb1: {  	[dreg:$0x5] =	wrdreg $0x137000  }
0xb2: {  	[dreg:$0x6] =	wrdreg $0x9  }
0xb3: {  	_ =	task.clear_ibuf [dreg:s7], $0x7FFFF;
	_ =	strace $0x90000046  }
0xb4: {  	s29 =	simm.s32 $0x9;
	_ =	strace $0x80000048  }
0xb5: {  	_ =	swait.ge [sflag:s29], $0x1  }
0xb6: {  	[sflag:s29] =	ssyncadd.s32 $0xFFFFFFFF  }
0xb7: {  	_ =	strace $0x90000048  }
0xb8: {  	_ =	sfence  }
0xb9: {  	s30 =	sld [smem:$0x0];
	_ =	sdelay $0x2  }
0xba: {  	s31 =	sshll.u32 s1, $0xD;
	s1 =	sshrl.u32 s1, $0x2  }
0xbb: {  	s3 =	sand.u32 $0x4000, s31;
	s1 =	sadd.s32 s1, s30  }
0xbc: {  	s0 =	sor.u32 s3, s0;
	s1 =	sshll.u32 s1, $0x11  }
0xbd: {  	s0 =	sor.u32 s1, s0  }
0xbe: {  	s0 =	sadd.s32 $0x8F2B, s0  }
0xbf: {  	[sflag:s0] =	ssyncadd.remote.s32 $0x1  }
0xc0: {  	_ =	sfence.sel $0xFFFF  }
0xc1: {  	[dreg:$0x0] =	wrdreg $0xFFFFFFFF;
	(pc) =	sbr.abs _section_cstart, $3  }
0xc2: {  	[dreg:$0x1] =	wrdreg $0xFFFFFFFF  }
0xc3: {  	_ =	task.clear_ibuf [dreg:s7], $0x2FFFF;
	_ =	strace $0x9FFFFFFF  }
0xc4: {  	(tm) =	ssettm $0x7FFFFFFF  }
0xc5: {  	_ =	shalt  }
tec
execute0_lowered:
.L_overlay_start_1:
0x0: {  	(tag) =	ssettag $0x1  }
0x1: {  	s12 =	rddreg [dreg:$0x0]  }
0x2: {  	s13 =	rddreg [dreg:$0x1]  }
0x3: {  	s0 =	srdreg.scid;
	s2 =	rddreg [dreg:$0x2]  }
0x4: {  	s3 =	rddreg [dreg:$0x3];
	s31 =	stileid.u32  }
0x5: {  	s4 =	simm.s32 $0x0;
	s10 =	sand.u32 $0x1, s0;
	s11 =	smul.u32 $0xA000, s31  }
0x6: {  	[smem:$0x7FF] =	sst s4;
	s6 =	sadd.s32 $0x16A00, s12;
	s20 =	smul.u32 $0x2800, s31  }
0x7: {  	s7 =	sadd.s32 $0x52A00, s12;
	s23 =	sadd.s32 $0x7AC00, s12;
	s19 =	smul.u32 $0x14000, s10  }
0x8: {  	s5 =	sshll.u32 s10, $0x4;
	_ =	strace $0x80000047;
	s14 =	smul.u32 $0x5000, s10  }
0x9: {  	s8 =	ssub.s32 $0x2, s10;
	p0 =	seq.s32 s10, $0x0;
	s5 =	sor.u32 s31, s5  }
0xa: {  	s21 =	sshrl.u32 s11, $0x3;
	s18 =	sshrl.u32 s8, $0x1;
	s10 =	sadd.s32 s11, s2  }
0xb: {  	s25 =	sshrl.u32 s20, $0x3;
	s5 =	smul.u32 $0x4F0, s5;
	s15 =	sadd.s32 s21, s12  }
0xc: {  	s16 =	sadd.s32 s19, s12;
	s17 =	sadd.s32 s14, s12;
	s18 =	ssub.s32 s8, s18  }
0xd: {  	s24 =	sadd.s32 s13, s14;
	s23 =	sadd.s32 s19, s23;
	s19 =	simm.s32 $0x4E80  }
0xe: {  	s11 =	sadd.s32 $0x3EA00, s15;
	s22 =	sadd.s32 $0x52C00, s16;
	s16 =	sadd.s32 s6, s21  }
0xf: {  	s26 =	sadd.s32 $0xA2C00, s17;
	s14 =	smax.u32 s18, $0x1;
	s17 =	simm.s32 $0x1  }
0x10: {  	s18 =	simm.s32 $0x80;
	s9 =	sadd.s32 s5, s12;
	s5 =	sadd.s32 $0x2AA00, s12  }
0x11: {  	s12 =	sadd.s32 s20, s3;
	s13 =	smov.u32 s11;
	s11 =	smov.u32 @p0 s16  }
0x12: {  	s16 =	simm.s32 $0x4F00;
	s20 =	sadd.s32 s21, s22;
	s22 =	sadd.s32 s25, s24  }
0x13: {  	s24 =	sadd.s32 s25, s26;
	s25 =	simm.s32 $0x0;
	s8 =	sadd.s32 $0xCC00, s9  }
0x14: {  	s9 =	sadd.s32 $0x2E00, s9;
	s15 =	sadd.s32 s5, s21;
	s21 =	sadd.s32 s21, s23  }
0x15: {  	s23 =	simm.s32 $0x12F00;
	s13 =	smov.u32 @p0 s15;
	s15 =	simm.s32 $0x2  }
.LBB2_1:
0x16: {  	[tilespmem:s4], [sflag:$0x2] =	stream.linear.gather [hbm4b:s8+s4], $0x2780, $0x38;
	[tilespmem:$0x15F00] =	vst v63  }
0x17: {  	_ =	swait.ge [sflag:s15], $0x2780  }
0x18: {  	[sflag:s15] =	ssyncset.done $0x0  }
0x19: {  	s29 =	simm.s32 $0x2780;
	[sflag:s15] =	ssyncadd.s32 $0xFFFFD880  }
0x1a: {  	[tilespmem:s29], [sflag:$0x2] =	stream.linear.gather [hbm4b:s9+s4], $0x2780, $0x38;
	[tilespmem:$0x15F00] =	vst v63  }
0x1b: {  	s0 =	stileid.u32;
	_ =	swait.ge [sflag:s15], $0x2780  }
0x1c: {  	s26 =	sshll.u32 s0, $0x6;
	[sflag:s15] =	ssyncset.done $0x0  }
0x1d: {  	s28 =	sshrl.u32 s10, $0x3;
	s26 =	sor.u32 $0x1C02, s26;
	[sflag:s15] =	ssyncadd.s32 $0xFFFFD880  }
0x1e: {  	[spmem:s28], [sflag:s26] =	dma.local [hbm:s13], $0x1400  }
0x1f: {  	_ =	swait.ge [sflag:s15], $0x1400  }
0x20: {  	[sflag:s15] =	ssyncset.done $0x0  }
0x21: {  	[sflag:s15] =	ssyncadd.s32 $0xFFFFEC00  }
0x22: {  	[bflag:$0x0] =	sbarrier.arrive $0xFFFF  }
0x23: {  	[tilespmem:s16], [sflag:$0x1] =	stream.indirect.gather [hbm4b:s5+s18], $0x40, s4, s18, $0xb8;
	[tilespmem:$0x15F00] =	vst v63  }
0x24: {  	s30 =	simm.s32 $0x0;
	_ =	swait.ge [sflag:s17], $0x2000  }
0x25: {  	s30 =	sand.u32 $0x2000, s30;
	[sflag:s17] =	ssyncset.done $0x0  }
0x26: {  	s31 =	sxor.u32 $0x6F00, s30;
	[sflag:s17] =	ssyncadd.s32 $0xFFFFE000  }
0x27: {  	[tilespmem:s31], [sflag:$0x1] =	stream.indirect.gather [hbm4b:s5+s18], $0x40, s18, s18, $0xb8;
	[tilespmem:$0x15F00] =	vst v63  }
0x28: {  	s30 =	sor.u32 $0x4F00, s30  }
0x29: {  	[spmem:s2] =	stream.indirect.scatter.add.f32 [tilespmem:s30], [sflag:$0x2], $0x40, s29, s18, $0xb8;
	[tilespmem:$0x15F00] =	vst v63  }
0x2a: {  	_ =	swait.ge [sflag:s15], $0x2000  }
0x2b: {  	s31 =	simm.s32 $0x80;
	s30 =	simm.s32 $0x1;
	[sflag:s15] =	ssyncset.done $0x0  }
.LBB2_2:
0x2c: {  	[sflag:s15] =	ssyncadd.s32 $0xFFFFE000;
	s29 =	sadd.s32 $0x80, s29;
	s31 =	sadd.s32 $0x80, s31  }
0x2d: {  	p0 =	sne.s32 s30, $0x4D;
	s0 =	smov.u32 s30;
	s30 =	sadd.s32 $0x1, s30  }
0x2e: {  	s0 =	sshll.u32 s0, $0xD;
	_ =	swait.ge [sflag:s17], $0x2000  }
0x2f: {  	s0 =	sand.u32 $0x2000, s0;
	[sflag:s17] =	ssyncset.done $0x0  }
0x30: {  	s1 =	sxor.u32 $0x6F00, s0;
	[sflag:s17] =	ssyncadd.s32 $0xFFFFE000  }
0x31: {  	[tilespmem:s1], [sflag:$0x1] =	stream.indirect.gather [hbm4b:s5+s18], $0x40, s31, s18, $0xb8;
	[tilespmem:$0x15F00] =	vst v63  }
.Ltmp0:
0x32: {  	_ = 	snop;
	(pc) =	sbr.rel @p0 .LBB2_2-.Ltmp0, $4  }
0x33: {  	s0 =	sor.u32 $0x4F00, s0  }
0x34: {  	[spmem:s2] =	stream.indirect.scatter.add.f32 [tilespmem:s0], [sflag:$0x2], $0x40, s29, s18, $0xb8;
	[tilespmem:$0x15F00] =	vst v63  }
0x35: {  	_ =	swait.ge [sflag:s15], $0x2000  }
0x36: {  	[sflag:s15] =	ssyncset.done $0x0  }
0x37: {  	[sflag:s15] =	ssyncadd.s32 $0xFFFFE000  }
0x38: {  	_ =	swait.ge [sflag:s17], $0x2000  }
0x39: {  	[sflag:s17] =	ssyncset.done $0x0  }
0x3a: {  	s29 =	simm.s32 $0x80;
	[sflag:s17] =	ssyncadd.s32 $0xFFFFE000  }
0x3b: {  	[spmem:s2] =	stream.indirect.scatter.add.f32 [tilespmem:s16], [sflag:$0x2], $0x40, s19, s29, $0xb8;
	[tilespmem:$0x15F00] =	vst v63  }
0x3c: {  	_ =	swait.ge [sflag:s15], $0x2000  }
0x3d: {  	[sflag:s15] =	ssyncset.done $0x0  }
0x3e: {  	[sflag:s15] =	ssyncadd.s32 $0xFFFFE000  }
0x3f: {  	[bflag:$0x0] =	sbarrier.arrive $0xFFFF  }
0x40: {  	[hbm:s20], [sflag:s26] =	dma.local [spmem:s28], $0x1400  }
0x41: {  	_ =	swait.ge [sflag:s15], $0x1400  }
0x42: {  	[sflag:s15] =	ssyncset.done $0x0  }
0x43: {  	[sflag:s15] =	ssyncadd.s32 $0xFFFFEC00  }
0x44: {  	[spmem:s28], [sflag:s26] =	dma.local [hbm:s11], $0x1400  }
0x45: {  	_ =	swait.ge [sflag:s15], $0x1400  }
0x46: {  	[sflag:s15] =	ssyncset.done $0x0  }
0x47: {  	[sflag:s15] =	ssyncadd.s32 $0xFFFFEC00  }
0x48: {  	s0 =	simm.s32 $0x0;
	[bflag:$0x0] =	sbarrier.arrive $0xFFFF  }
0x49: {  	[tilespmem:s16], [sflag:$0x1] =	stream.indirect.gather [hbm4b:s6+s29], $0x40, s0, s29, $0xb8;
	[tilespmem:$0x15F00] =	vst v63  }
0x4a: {  	s1 =	simm.s32 $0x0;
	_ =	swait.ge [sflag:s17], $0x2000  }
0x4b: {  	s0 =	sand.u32 $0x2000, s1;
	[sflag:s17] =	ssyncset.done $0x0  }
0x4c: {  	s1 =	sxor.u32 $0x6F00, s0;
	[sflag:s17] =	ssyncadd.s32 $0xFFFFE000  }
0x4d: {  	[tilespmem:s1], [sflag:$0x1] =	stream.indirect.gather [hbm4b:s6+s18], $0x40, s29, s18, $0xb8;
	[tilespmem:$0x15F00] =	vst v63  }
0x4e: {  	s30 =	simm.s32 $0x2780;
	s0 =	sor.u32 $0x4F00, s0  }
0x4f: {  	[spmem:s2] =	stream.indirect.scatter.add.f32 [tilespmem:s0], [sflag:$0x2], $0x40, s30, s18, $0xb8;
	[tilespmem:$0x15F00] =	vst v63  }
0x50: {  	_ =	swait.ge [sflag:s15], $0x2000  }
0x51: {  	s31 =	simm.s32 $0x1;
	[sflag:s15] =	ssyncset.done $0x0  }
.LBB2_4:
0x52: {  	[sflag:s15] =	ssyncadd.s32 $0xFFFFE000;
	s30 =	sadd.s32 $0x80, s30;
	s29 =	sadd.s32 $0x80, s29  }
0x53: {  	p0 =	sne.s32 s31, $0x4D;
	s0 =	smov.u32 s31;
	s31 =	sadd.s32 $0x1, s31  }
0x54: {  	s0 =	sshll.u32 s0, $0xD;
	_ =	swait.ge [sflag:s17], $0x2000  }
0x55: {  	s0 =	sand.u32 $0x2000, s0;
	[sflag:s17] =	ssyncset.done $0x0  }
0x56: {  	s1 =	sxor.u32 $0x6F00, s0;
	[sflag:s17] =	ssyncadd.s32 $0xFFFFE000  }
0x57: {  	[tilespmem:s1], [sflag:$0x1] =	stream.indirect.gather [hbm4b:s6+s18], $0x40, s29, s18, $0xb8;
	[tilespmem:$0x15F00] =	vst v63  }
.Ltmp1:
0x58: {  	_ = 	snop;
	(pc) =	sbr.rel @p0 .LBB2_4-.Ltmp1, $4  }
0x59: {  	s0 =	sor.u32 $0x4F00, s0  }
0x5a: {  	[spmem:s2] =	stream.indirect.scatter.add.f32 [tilespmem:s0], [sflag:$0x2], $0x40, s30, s18, $0xb8;
	[tilespmem:$0x15F00] =	vst v63  }
0x5b: {  	_ =	swait.ge [sflag:s15], $0x2000  }
0x5c: {  	[sflag:s15] =	ssyncset.done $0x0  }
0x5d: {  	[sflag:s15] =	ssyncadd.s32 $0xFFFFE000  }
0x5e: {  	_ =	swait.ge [sflag:s17], $0x2000  }
0x5f: {  	[sflag:s17] =	ssyncset.done $0x0  }
0x60: {  	[sflag:s17] =	ssyncadd.s32 $0xFFFFE000  }
0x61: {  	[spmem:s2] =	stream.indirect.scatter.add.f32 [tilespmem:s16], [sflag:$0x2], $0x40, s19, s18, $0xb8;
	[tilespmem:$0x15F00] =	vst v63  }
0x62: {  	_ =	swait.ge [sflag:s15], $0x2000  }
0x63: {  	[sflag:s15] =	ssyncset.done $0x0  }
0x64: {  	[sflag:s15] =	ssyncadd.s32 $0xFFFFE000  }
0x65: {  	[bflag:$0x0] =	sbarrier.arrive $0xFFFF  }
0x66: {  	[hbm:s21], [sflag:s26] =	dma.local [spmem:s28], $0x1400  }
0x67: {  	_ =	swait.ge [sflag:s15], $0x1400  }
0x68: {  	[sflag:s15] =	ssyncset.done $0x0  }
0x69: {  	s28 =	sshrl.u32 s12, $0x3;
	[sflag:s15] =	ssyncadd.s32 $0xFFFFEC00  }
0x6a: {  	[spmem:s28], [sflag:s26] =	dma.local [hbm:s22], $0x500  }
0x6b: {  	_ =	swait.ge [sflag:s15], $0x500  }
0x6c: {  	[sflag:s15] =	ssyncset.done $0x0  }
0x6d: {  	s0 =	simm.s32 $0x0;
	[sflag:s15] =	ssyncadd.s32 $0xFFFFFB00  }
0x6e: {  	[tilespmem:s23], [sflag:$0x2] =	stream.linear.gather [hbm4b:s7+s0], $0x800, $0x38;
	[tilespmem:$0x15F00] =	vst v63  }
0x6f: {  	_ =	swait.ge [sflag:s15], $0x800  }
0x70: {  	[sflag:s15] =	ssyncset.done $0x0  }
0x71: {  	[sflag:s15] =	ssyncadd.s32 $0xFFFFF800  }
0x72: {  	s31 =	simm.s32 $0x2780;
	[bflag:$0x0] =	sbarrier.arrive $0xFFFF  }
0x73: {  	[spmem:s3] =	stream.indirect.scatter.add.f32 [tilespmem:s23], [sflag:$0x2], $0x10, s31, s18, $0xb8;
	[tilespmem:$0x15F00] =	vst v63  }
0x74: {  	s29 =	simm.s32 $0x200;
	_ =	swait.ge [sflag:s15], $0x800  }
.LBB2_6:
0x75: {  	s0 =	sshra.s32 s29, $0x2;
	[sflag:s15] =	ssyncset.done $0x0;
	p0 =	sne.s32 s29, $0x9C00  }
.Ltmp2:
0x76: {  	s0 =	sadd.s32 $0x2780, s0;
	[sflag:s15] =	ssyncadd.s32 $0xFFFFF800;
	(pc) =	sbr.rel @p0 .LBB2_6-.Ltmp2, $3  }
0x77: {  	[spmem:s3] =	stream.indirect.scatter.add.f32 [tilespmem:s23], [sflag:$0x2], $0x10, s0, s18, $0xb8;
	[tilespmem:$0x15F00] =	vst v63  }
0x78: {  	s29 =	sadd.s32 $0x200, s29;
	_ =	sdelay $0x1  }
0x79: {  	_ =	swait.ge [sflag:s15], $0x800  }
0x7a: {  	[sflag:s15] =	ssyncset.done $0x0;
	s25 =	sadd.s32 $0x1, s25  }
0x7b: {  	[sflag:s15] =	ssyncadd.s32 $0xFFFFF800;
	p0 =	sne.s32 s25, s14  }
.Ltmp3:
0x7c: {  	[bflag:$0x0] =	sbarrier.arrive $0xFFFF;
	(pc) =	sbr.rel @p0 .LBB2_1-.Ltmp3, $4  }
0x7d: {  	[hbm:s24], [sflag:s26] =	dma.local [spmem:s28], $0x500  }
0x7e: {  	_ =	swait.ge [sflag:s15], $0x500  }
0x7f: {  	[sflag:s15] =	ssyncset.done $0x0  }
0x80: {  	[sflag:s15] =	ssyncadd.s32 $0xFFFFFB00  }
0x81: {  	_ =	sfence.sel $0x180000  }
0x82: {  	[bflag:$0x0] =	sbarrier.arrive $0xFFFF  }
0x83: {  	_ =	strace $0x90000047  }
0x84: {  	s0 =	stileid.u32;
	[bflag:$0x2] =	sbarrier.arrive $0xFFFF  }
0x85: {  	p0 =	sne.s32 s0, $0x0;
	s0 =	rddreg [dreg:$0x4]  }
0x86: {  	s0 =	sadd.s32 @!p0 $0x100000, s0  }
0x87: {  	[sflag:s0] =	ssyncadd.tile.s32 @!p0 $0x1;
	_ =	shalt  }
.Lfunc_end2:
_tile_overlayer_lowered:
.L_overlay_start_2:
0x88: {  	(tag) =	ssettag $0x2  }
0x89: {  	s0 =	rddreg [dreg:$0x0];
	s2 =	stileid.u32  }
0x8a: {  	s1 =	rddreg [dreg:$0x1];
	p0 =	sne.s32 s2, $0x0  }
0x8b: {  	s3 =	rddreg [dreg:$0x2];
	[bflag:$0x3] =	sbarrier.arrive $0xFFFF;
	s2 =	simm.s32 @!p0 $0x1C02  }
0x8c: {  	[timem:s3], [sflag:s2] =	dma.local @!p0 [hbm:s0], s1  }
0x8d: {  	s0 =	simm.s32 @!p0 $0x2  }
0x8e: {  	_ =	swait.ge @!p0 [sflag:s0], s1  }
0x8f: {  	s1 =	ssub.s32 @!p0 $0x0, s1;
	[sflag:s0] =	ssyncset.done @!p0 $0x0  }
0x90: {  	[sflag:s0] =	ssyncadd.s32 @!p0 s1  }
0x91: {  	[bflag:$0x3] =	sbarrier.arrive $0xFFFF  }
0x92: {  	_ =	shalt  }

</sc_bundles>
